<compile_context>
chip_gen: v7x
topology: tpu7x:2x2x1
jax: 0.10.2.dev20260603
libtpu: 0.0.44.dev20260713+nightly
codegen_flags: <defaults>
</compile_context>

<pallas_src>
import functools
import jax
import jax.numpy as jnp
from jax import lax
from jax.experimental import pallas as pl
from jax.experimental.pallas import tpu as pltpu
from jax.experimental.pallas import tpu_sc as plsc

N = 10000
E = 320000
DF = 128
DE = 16
H = 128
G = 64
NG = 64
EPS = 1e-5

NC = 2
NS = 16
NW = NC * NS
EW = E // NW
B = 40
NB = EW // B
SL2 = 2
CH = 50
B1 = 80
NB1 = EW // B1
RT = N // NS

_MESH = dict(core_axis_name="c", subcore_axis_name="s", num_cores=NC,
             num_subcores=NS)
_SC_PARAMS = pltpu.CompilerParams(use_tc_tiling_on_sc=False)


def _worker(cid, sid):
  return sid * NC + cid


def _sc_stats_body(row2_h, col2_h, ea_h, z16_h, o16_h,
                   a_out, cr_out, cc_out,
                   a_sh, cr_sh, cc_sh, rbuf, cbuf, eav, ones_v, esem):
  cid = lax.axis_index("c")
  sid = lax.axis_index("s")
  wid = _worker(cid, sid)
  rows0 = sid * RT

  pltpu.sync_copy(z16_h.at[pl.ds(rows0, RT)], a_sh.at[pl.ds(rows0, RT)])
  pltpu.sync_copy(z16_h.at[pl.ds(rows0, RT)], cr_sh.at[pl.ds(rows0, RT)])
  pltpu.sync_copy(z16_h.at[pl.ds(rows0, RT)], cc_sh.at[pl.ds(rows0, RT)])
  pltpu.sync_copy(o16_h, ones_v)
  pltpu.sync_copy(row2_h.at[pl.ds(wid * EW, EW)], rbuf)
  pltpu.sync_copy(col2_h.at[pl.ds(wid * EW, EW)], cbuf)
  plsc.subcore_barrier()

  def ea_load(g, j):
    base = wid * EW + g * B1
    return pltpu.make_async_copy(ea_h.at[pl.ds(base, B1)], eav.at[j],
                                 esem.at[j])

  ea_load(0, 0).start()

  def step(k, carry):
    for j in range(2):
      g = k * 2 + j
      ea_load(g, j).wait()
      ea_load(g + 1, 1 - j).start()
      ridx = rbuf.at[pl.ds(g * B1, B1)]
      cidx = cbuf.at[pl.ds(g * B1, B1)]
      pltpu.sync_copy(eav.at[j], a_sh.at[ridx], add=True)
      pltpu.sync_copy(ones_v, cr_sh.at[ridx], add=True)
      pltpu.sync_copy(ones_v, cc_sh.at[cidx], add=True)
    return carry

  lax.fori_loop(0, (NB1 - 1) // 2, step, 0)
  g_last = NB1 - 1
  ea_load(g_last, g_last % 2).wait()
  ridx = rbuf.at[pl.ds(g_last * B1, B1)]
  cidx = cbuf.at[pl.ds(g_last * B1, B1)]
  pltpu.sync_copy(eav.at[g_last % 2], a_sh.at[ridx], add=True)
  pltpu.sync_copy(ones_v, cr_sh.at[ridx], add=True)
  pltpu.sync_copy(ones_v, cc_sh.at[cidx], add=True)
  plsc.subcore_barrier()

  pltpu.sync_copy(a_sh.at[pl.ds(rows0, RT)], a_out.at[cid, pl.ds(rows0, RT)])
  pltpu.sync_copy(cr_sh.at[pl.ds(rows0, RT)], cr_out.at[cid, pl.ds(rows0, RT)])
  pltpu.sync_copy(cc_sh.at[pl.ds(rows0, RT)], cc_out.at[cid, pl.ds(rows0, RT)])


_sc_stats = pl.kernel(
    _sc_stats_body,
    out_type=[
        jax.ShapeDtypeStruct((NC, N, 16), jnp.float32),
        jax.ShapeDtypeStruct((NC, N, 16), jnp.float32),
        jax.ShapeDtypeStruct((NC, N, 16), jnp.float32),
    ],
    mesh=plsc.VectorSubcoreMesh(**_MESH),
    compiler_params=_SC_PARAMS,
    scratch_types=[
        pltpu.VMEM_SHARED((N, 16), jnp.float32),
        pltpu.VMEM_SHARED((N, 16), jnp.float32),
        pltpu.VMEM_SHARED((N, 16), jnp.float32),
        pltpu.VMEM((EW,), jnp.int32),
        pltpu.VMEM((EW,), jnp.int32),
        pltpu.VMEM((2, B1, 16), jnp.float32),
        pltpu.VMEM((B1, 16), jnp.float32),
        pltpu.SemaphoreType.DMA((2,)),
    ],
)


def _sc_main_body(row2_h, col2_h, ep_h, y_h, scale_h, shift_h, z128_h,
                  s_out,
                  s_sh, rbuf, cbuf, yv, epv, ov, sc_v, sh_v,
                  gsem, esem, ssem):
  cid = lax.axis_index("c")
  sid = lax.axis_index("s")
  wid = _worker(cid, sid)
  rows0 = sid * RT

  pltpu.sync_copy(z128_h.at[pl.ds(rows0, RT)], s_sh.at[pl.ds(rows0, RT)])
  pltpu.sync_copy(scale_h, sc_v)
  pltpu.sync_copy(shift_h, sh_v)
  plsc.subcore_barrier()

  scale_r = [sc_v[pl.ds(16 * j, 16)] for j in range(H // 16)]
  shift_r = [sh_v[pl.ds(16 * j, 16)] for j in range(H // 16)]

  def y_gather(g, s):
    return pltpu.make_async_copy(y_h.at[rbuf.at[pl.ds(g * B, B)]], yv.at[s],
                                 gsem.at[s])

  def ep_load(c, g, s):
    base = wid * EW + (c * CH + g) * B
    return pltpu.make_async_copy(ep_h.at[pl.ds(base, B)], epv.at[s],
                                 esem.at[s])

  def scatter(g, s):
    return pltpu.make_async_copy(ov.at[s], s_sh.at[cbuf.at[pl.ds(g * B, B)]],
                                 ssem.at[s])

  def chunk(c, carry):
    pltpu.sync_copy(row2_h.at[pl.ds(wid * EW + c * CH * B, CH * B)], rbuf)
    pltpu.sync_copy(col2_h.at[pl.ds(wid * EW + c * CH * B, CH * B)], cbuf)
    for s in range(SL2):
      y_gather(s, s).start()
      ep_load(c, s, s).start()

    def step(k, c2):
      for s in range(SL2):
        g = k * SL2 + s
        y_gather(g, s).wait()
        ep_load(c, g, s).wait()

        @pl.when(g >= SL2)
        def _():
          scatter(g, s).wait()

        def erow(e, c3):
          for j in range(H // 16):
            sl = pl.ds(16 * j, 16)
            h = yv[s, e, sl] + epv[s, e, sl]
            ov[s, e, sl] = jnp.maximum(h * scale_r[j] + shift_r[j], 0.0)
          return c3

        lax.fori_loop(0, B, erow, 0)

        @pl.when(g + SL2 < CH)
        def _():
          y_gather(g + SL2, s).start()
          ep_load(c, g + SL2, s).start()

        pltpu.async_copy(ov.at[s], s_sh.at[cbuf.at[pl.ds(g * B, B)]],
                         ssem.at[s], add=True)
      return c2

    lax.fori_loop(0, CH // SL2, step, 0)
    for s in range(SL2):
      scatter(CH - SL2 + s, s).wait()
    return carry

  lax.fori_loop(0, NB // CH, chunk, 0)
  plsc.subcore_barrier()
  pltpu.sync_copy(s_sh.at[pl.ds(rows0, RT)], s_out.at[cid, pl.ds(rows0, RT)])


_sc_main = pl.kernel(
    _sc_main_body,
    out_type=[jax.ShapeDtypeStruct((NC, N, H), jnp.float32)],
    mesh=plsc.VectorSubcoreMesh(**_MESH),
    compiler_params=_SC_PARAMS,
    scratch_types=[
        pltpu.VMEM_SHARED((N, H), jnp.float32),
        pltpu.VMEM((CH * B,), jnp.int32),
        pltpu.VMEM((CH * B,), jnp.int32),
        pltpu.VMEM((SL2, B, H), jnp.float32),
        pltpu.VMEM((SL2, B, H), jnp.float32),
        pltpu.VMEM((SL2, B, H), jnp.float32),
        pltpu.VMEM((H,), jnp.float32),
        pltpu.VMEM((H,), jnp.float32),
        pltpu.SemaphoreType.DMA((SL2,)),
        pltpu.SemaphoreType.DMA((SL2,)),
        pltpu.SemaphoreType.DMA((SL2,)),
    ],
)


def _y_body(x_ref, w_ref, b_ref, y_ref):
  y_ref[...] = jnp.dot(x_ref[...], w_ref[...],
                       preferred_element_type=jnp.float32) + b_ref[...]


def _tc_y(x, W1aT, b1):
  return pl.pallas_call(
      _y_body,
      out_shape=jax.ShapeDtypeStruct((N, H), jnp.float32),
  )(x, W1aT, b1)


_EB = 2000


def _ep_body(ea_ref, w_ref, ep_ref, m_ref):
  ea = ea_ref[...]
  ep_ref[...] = jnp.dot(ea, w_ref[...], preferred_element_type=jnp.float32)
  part = lax.dot_general(ea, ea, (((0,), (0,)), ((), ())),
                         preferred_element_type=jnp.float32)

  @pl.when(pl.program_id(0) == 0)
  def _():
    m_ref[...] = jnp.zeros_like(m_ref)

  m_ref[...] += part


def _tc_ep(ea, W1bT):
  return pl.pallas_call(
      _ep_body,
      grid=(E // _EB,),
      in_specs=[
          pl.BlockSpec((_EB, DE), lambda i: (i, 0)),
          pl.BlockSpec((DE, H), lambda i: (0, 0)),
      ],
      out_specs=[
          pl.BlockSpec((_EB, H), lambda i: (i, 0)),
          pl.BlockSpec((DE, DE), lambda i: (0, 0)),
      ],
      out_shape=[
          jax.ShapeDtypeStruct((E, H), jnp.float32),
          jax.ShapeDtypeStruct((DE, DE), jnp.float32),
      ],
  )(ea, W1bT)


def _stats_body(y_ref, a_ref, cr_ref, m_ref, wbt_ref, g1_ref, be1_ref, ss_ref):
  y = y_ref[...]
  c = cr_ref[0, :, 0:1] + cr_ref[1, :, 0:1]
  A = a_ref[0] + a_ref[1]
  wbt = wbt_ref[...]
  Ap = jnp.dot(A, wbt, preferred_element_type=jnp.float32)
  S1 = jnp.sum(y * c, axis=0, keepdims=True)
  Q1 = jnp.sum(y * y * c, axis=0, keepdims=True)
  X2 = jnp.sum(y * Ap, axis=0, keepdims=True)
  sAp = jnp.sum(Ap, axis=0, keepdims=True)
  B2 = jnp.dot(m_ref[...], wbt, preferred_element_type=jnp.float32)
  T2 = jnp.sum(wbt * B2, axis=0, keepdims=True)
  mu = (S1 + sAp) * (1.0 / E)
  var = (Q1 + 2.0 * X2 + T2) * (1.0 / E) - mu * mu
  scale = g1_ref[...] / jnp.sqrt(var + EPS)
  shift = be1_ref[...] - mu * scale
  ss_ref[0:1, :] = scale
  ss_ref[1:2, :] = shift


def _tc_stats(y, Ap_, CRp, M16, W1bT, g1, be1):
  return pl.pallas_call(
      _stats_body,
      out_shape=jax.ShapeDtypeStruct((2, H), jnp.float32),
  )(y, Ap_, CRp, M16, W1bT, g1, be1)


def _final_body(x_ref, s_ref, cc_ref, u_ref, batch_ref,
                w2t_ref, b2_ref, w3at_ref, w3bt_ref, w3ct_ref, b3_ref,
                g2_ref, be2_ref, w4t_ref, b4_ref, out_ref):
  sums = s_ref[0] + s_ref[1]
  cnt = cc_ref[0, :, 0:1] + cc_ref[1, :, 0:1]
  inv = 1.0 / jnp.maximum(cnt, 1.0)
  mask = (cnt > 0.0).astype(jnp.float32)
  agg = (jnp.dot(sums, w2t_ref[...], preferred_element_type=jnp.float32)
         * inv + b2_ref[...] * mask)
  bvec = batch_ref[...]
  oh = (bvec == lax.broadcasted_iota(jnp.int32, (N, NG), 1)
        ).astype(jnp.float32)
  P = jnp.dot(u_ref[...], w3ct_ref[...], preferred_element_type=jnp.float32)
  z = (jnp.dot(x_ref[...], w3at_ref[...], preferred_element_type=jnp.float32)
       + jnp.dot(agg, w3bt_ref[...], preferred_element_type=jnp.float32)
       + jnp.dot(oh, P, preferred_element_type=jnp.float32)
       + b3_ref[...])
  mu2 = jnp.mean(z, axis=0, keepdims=True)
  zc = z - mu2
  var2 = jnp.mean(zc * zc, axis=0, keepdims=True)
  zn = jnp.maximum(zc / jnp.sqrt(var2 + EPS) * g2_ref[...] + be2_ref[...],
                   0.0)
  out_ref[...] = jnp.dot(zn, w4t_ref[...],
                         preferred_element_type=jnp.float32) + b4_ref[...]


def _tc_final(x, Sp, CCp, u, batch2, W2T, b2, W3aT, W3bT, W3cT, b3, g2, be2,
              W4T, b4):
  return pl.pallas_call(
      _final_body,
      out_shape=jax.ShapeDtypeStruct((N, DF), jnp.float32),
  )(x, Sp, CCp, u, batch2, W2T, b2, W3aT, W3bT, W3cT, b3, g2, be2, W4T, b4)


def kernel(x, edge_index, edge_attr, u, batch,
           W1, b1, g1, be1, W2, b2,
           W3, b3, g2, be2, W4, b4):
  row = edge_index[0]
  col = edge_index[1]
  W1aT = W1[:, :DF].T
  W1bT = W1[:, DF:].T
  b1r = b1.reshape(1, H)

  z16 = jnp.zeros((N, 16), jnp.float32)
  o16 = jnp.ones((B1, 16), jnp.float32)
  z128 = jnp.zeros((N, H), jnp.float32)

  Ap_, CRp, CCp = _sc_stats(row, col, edge_attr, z16, o16)
  y = _tc_y(x, W1aT, b1r)
  ep, M16 = _tc_ep(edge_attr, W1bT)
  ss = _tc_stats(y, Ap_, CRp, M16, W1bT, g1.reshape(1, H), be1.reshape(1, H))
  scale = ss[0]
  shift = ss[1]
  (Sp,) = _sc_main(row, col, ep, y, scale, shift, z128)
  out = _tc_final(x, Sp, CCp, u, batch.reshape(N, 1),
                  W2.T, b2.reshape(1, H), W3[:, :DF].T, W3[:, DF:DF + H].T,
                  W3[:, DF + H:].T, b3.reshape(1, H), g2.reshape(1, H),
                  be2.reshape(1, H), W4.T, b4.reshape(1, DF))
  return out

# --- scband reference (transcript-rebuilt; emitter-appended) ---
"""Pipeline reference for scband-node-block-4398046511956 (READ-ONLY COPY).

The authoritative reference and input builder live on the scoring server;
editing this copy changes nothing except your own understanding.
"""

import jax, jax.numpy as jnp
import numpy as np

N = 10000
E = 320000
DF = 128
DE = 16
H = 128
G = 64
NG = 64
EPS = 1e-5


def setup_inputs(seed: int = 0) -> dict:
    key = jax.random.key(seed)
    ks = jax.random.split(key, 20)
    x = jax.random.normal(ks[0], (N, DF), dtype=jnp.float32)
    edge_index = jax.random.randint(ks[1], (2, E), 0, N, dtype=jnp.int32)
    edge_attr = jax.random.normal(ks[2], (E, DE), dtype=jnp.float32)
    u = jax.random.normal(ks[3], (NG, G), dtype=jnp.float32)
    batch = jnp.sort(jax.random.randint(ks[4], (N,), 0, NG, dtype=jnp.int32))
    # node_mlp_1: Linear(DF+DE -> H), BatchNorm1d(H), ReLU, Linear(H -> H)
    W1 = jax.random.normal(ks[5], (H, DF + DE), dtype=jnp.float32) / np.sqrt(DF + DE)
    b1 = jnp.zeros((H,), dtype=jnp.float32)
    g1 = jnp.ones((H,), dtype=jnp.float32)
    be1 = jnp.zeros((H,), dtype=jnp.float32)
    W2 = jax.random.normal(ks[6], (H, H), dtype=jnp.float32) / np.sqrt(H)
    b2 = jnp.zeros((H,), dtype=jnp.float32)
    # node_mlp_2: Linear(DF+H+G -> H), BatchNorm1d(H), ReLU, Linear(H -> DF)
    W3 = jax.random.normal(ks[7], (H, DF + H + G), dtype=jnp.float32) / np.sqrt(DF + H + G)
    b3 = jnp.zeros((H,), dtype=jnp.float32)
    g2 = jnp.ones((H,), dtype=jnp.float32)
    be2 = jnp.zeros((H,), dtype=jnp.float32)
    W4 = jax.random.normal(ks[8], (DF, H), dtype=jnp.float32) / np.sqrt(H)
    b4 = jnp.zeros((DF,), dtype=jnp.float32)
    return {"x": x, "edge_index": edge_index, "edge_attr": edge_attr, "u": u, "batch": batch,
            "W1": W1, "b1": b1, "g1": g1, "be1": be1, "W2": W2, "b2": b2,
            "W3": W3, "b3": b3, "g2": g2, "be2": be2, "W4": W4, "b4": b4}


def _bn(h, gamma, beta):
    # BatchNorm1d in training mode: batch statistics, biased variance
    mu = jnp.mean(h, axis=0)
    var = jnp.var(h, axis=0)
    return (h - mu) / jnp.sqrt(var + EPS) * gamma + beta


def reference(x, edge_index, edge_attr, u, batch,
              W1, b1, g1, be1, W2, b2,
              W3, b3, g2, be2, W4, b4):
    row = edge_index[0]
    col = edge_index[1]
    # gather source node features, concat edge features
    out = jnp.concatenate([x[row], edge_attr], axis=1)
    # node_mlp_1
    out = out @ W1.T + b1
    out = _bn(out, g1, be1)
    out = jax.nn.relu(out)
    out = out @ W2.T + b2
    # scatter mean over destination nodes
    sums = jax.ops.segment_sum(out, col, num_segments=N)
    cnt = jax.ops.segment_sum(jnp.ones((E, 1), dtype=out.dtype), col, num_segments=N)
    agg = sums / jnp.clip(cnt, 1.0, None)
    # concat node feats, aggregated messages, global feats gathered by batch
    z = jnp.concatenate([x, agg, u[batch]], axis=1)
    # node_mlp_2
    z = z @ W3.T + b3
    z = _bn(z, g2, be2)
    z = jax.nn.relu(z)
    return z @ W4.T + b4

if __name__ == "__main__":
    import jax
    _d = setup_inputs()
    print(jax.jit(kernel)(*tuple(_d.values())))

</pallas_src>

<mosaic_0001>
#map = affine_map<(d0, d1) -> (0)>
#map1 = affine_map<(d0, d1) -> (0, 0)>
#map2 = affine_map<(d0, d1) -> (0, 0, 0)>
module attributes {stable_mosaic.version = 14 : i64} {
  func.func @_sc_main_body(%arg0: i32, %arg1: i32, %arg2: memref<320000xi32, #tpu.memory_space<hbm>>, %arg3: memref<320000xi32, #tpu.memory_space<hbm>>, %arg4: memref<320000x128xf32, #tpu.memory_space<hbm>>, %arg5: memref<10000x128xf32, #tpu.memory_space<hbm>>, %arg6: memref<128xf32, #tpu.memory_space<hbm>>, %arg7: memref<128xf32, #tpu.memory_space<hbm>>, %arg8: memref<10000x128xf32, #tpu.memory_space<hbm>>, %arg9: memref<2x10000x128xf32, #tpu.memory_space<hbm>>, %arg10: memref<10000x128xf32, #tpu.memory_space<vmem_shared>>, %arg11: memref<2000xi32, #tpu.memory_space<vmem>>, %arg12: memref<2000xi32, #tpu.memory_space<vmem>>, %arg13: memref<2x40x128xf32, #tpu.memory_space<vmem>>, %arg14: memref<2x40x128xf32, #tpu.memory_space<vmem>>, %arg15: memref<2x40x128xf32, #tpu.memory_space<vmem>>, %arg16: memref<128xf32, #tpu.memory_space<vmem>>, %arg17: memref<128xf32, #tpu.memory_space<vmem>>, %arg18: memref<2x!tpu.dma_semaphore, #tpu.memory_space<semaphore_mem>>, %arg19: memref<2x!tpu.dma_semaphore, #tpu.memory_space<semaphore_mem>>, %arg20: memref<2x!tpu.dma_semaphore, #tpu.memory_space<semaphore_mem>>) attributes {dimension_semantics = [#tpu.dimension_semantics<core_parallel>, #tpu.dimension_semantics<subcore_parallel>], iteration_bounds = array<i64: 2, 16>, scalar_prefetch = 0 : i64, scratch_operands = 11 : i64, tpu.core_type = #tpu.core_type<sc_vector_subcore>, window_params = [{transform_indices = #map}, {transform_indices = #map}, {transform_indices = #map1}, {transform_indices = #map1}, {transform_indices = #map}, {transform_indices = #map}, {transform_indices = #map1}, {transform_indices = #map2}]} {
    %mul3A = arith.constant 2 : i32
    %mul3A_0 = arith.muli %arg1, %mul3A : i32
    %add3A = arith.addi %mul3A_0, %arg0 : i32
    %mul3A_1 = arith.constant 625 : i32
    %mul3A_2 = arith.muli %arg1, %mul3A_1 : i32
    "tpu.region"() ({
      %run_scoped3A = tpu.sem_alloc : memref<!tpu.dma_semaphore, #tpu.memory_space<semaphore_mem>>
      %dma_start3A = arith.constant 0 : i32
      %dma_start3A_56 = tpu.memref_slice %arg10[%mul3A_2, %dma_start3A] : memref<10000x128xf32, #tpu.memory_space<vmem_shared>> -> memref<625x128xf32, #tpu.memory_space<vmem_shared>>
      %dma_start3A_57 = arith.constant 0 : i32
      %dma_start3A_58 = tpu.memref_slice %arg8[%mul3A_2, %dma_start3A_57] : memref<10000x128xf32, #tpu.memory_space<hbm>> -> memref<625x128xf32, #tpu.memory_space<hbm>>
      tpu.enqueue_dma source(%dma_start3A_58 : memref<625x128xf32, #tpu.memory_space<hbm>>) target(%dma_start3A_56 : memref<625x128xf32, #tpu.memory_space<vmem_shared>>) target_semaphore(%run_scoped3A : memref<!tpu.dma_semaphore, #tpu.memory_space<semaphore_mem>>)
      %dma_wait3A = arith.constant 0 : i32
      %dma_wait3A_59 = tpu.memref_slice %arg10[%mul3A_2, %dma_wait3A] : memref<10000x128xf32, #tpu.memory_space<vmem_shared>> -> memref<625x128xf32, #tpu.memory_space<vmem_shared>>
      %dma_wait3A_60 = arith.constant 0 : i32
      %dma_wait3A_61 = tpu.memref_slice %arg8[%mul3A_2, %dma_wait3A_60] : memref<10000x128xf32, #tpu.memory_space<hbm>> -> memref<625x128xf32, #tpu.memory_space<hbm>>
      tpu.wait_dma2 semaphore(%run_scoped3A : memref<!tpu.dma_semaphore, #tpu.memory_space<semaphore_mem>>) src(%dma_wait3A_61 : memref<625x128xf32, #tpu.memory_space<hbm>>) dst(%dma_wait3A_59 : memref<625x128xf32, #tpu.memory_space<vmem_shared>>)
      tpu.yield
    }) : () -> ()
    "tpu.region"() ({
      %run_scoped3A = tpu.sem_alloc : memref<!tpu.dma_semaphore, #tpu.memory_space<semaphore_mem>>
      tpu.enqueue_dma source(%arg6 : memref<128xf32, #tpu.memory_space<hbm>>) target(%arg16 : memref<128xf32, #tpu.memory_space<vmem>>) target_semaphore(%run_scoped3A : memref<!tpu.dma_semaphore, #tpu.memory_space<semaphore_mem>>)
      tpu.wait_dma2 semaphore(%run_scoped3A : memref<!tpu.dma_semaphore, #tpu.memory_space<semaphore_mem>>) src(%arg6 : memref<128xf32, #tpu.memory_space<hbm>>) dst(%arg16 : memref<128xf32, #tpu.memory_space<vmem>>)
      tpu.yield
    }) : () -> ()
    "tpu.region"() ({
      %run_scoped3A = tpu.sem_alloc : memref<!tpu.dma_semaphore, #tpu.memory_space<semaphore_mem>>
      tpu.enqueue_dma source(%arg7 : memref<128xf32, #tpu.memory_space<hbm>>) target(%arg17 : memref<128xf32, #tpu.memory_space<vmem>>) target_semaphore(%run_scoped3A : memref<!tpu.dma_semaphore, #tpu.memory_space<semaphore_mem>>)
      tpu.wait_dma2 semaphore(%run_scoped3A : memref<!tpu.dma_semaphore, #tpu.memory_space<semaphore_mem>>) src(%arg7 : memref<128xf32, #tpu.memory_space<hbm>>) dst(%arg17 : memref<128xf32, #tpu.memory_space<vmem>>)
      tpu.yield
    }) : () -> ()
    %barrier3A = arith.constant 0 : index
    tpu.barrier barrier_id(%barrier3A)
    %get3A = arith.constant 0 : index
    %get3A_3 = tpu.vector_load %arg16[%get3A] {strides = array<i32>} : memref<128xf32, #tpu.memory_space<vmem>>, vector<16xf32>,
    %get3A_4 = vector.shape_cast %get3A_3 : vector<16xf32> to vector<16xf32>
    %get3A_5 = arith.constant 16 : index
    %get3A_6 = tpu.vector_load %arg16[%get3A_5] {strides = array<i32>} : memref<128xf32, #tpu.memory_space<vmem>>, vector<16xf32>,
    %get3A_7 = vector.shape_cast %get3A_6 : vector<16xf32> to vector<16xf32>
    %get3A_8 = arith.constant 32 : index
    %get3A_9 = tpu.vector_load %arg16[%get3A_8] {strides = array<i32>} : memref<128xf32, #tpu.memory_space<vmem>>, vector<16xf32>,
    %get3A_10 = vector.shape_cast %get3A_9 : vector<16xf32> to vector<16xf32>
    %get3A_11 = arith.constant 48 : index
    %get3A_12 = tpu.vector_load %arg16[%get3A_11] {strides = array<i32>} : memref<128xf32, #tpu.memory_space<vmem>>, vector<16xf32>,
    %get3A_13 = vector.shape_cast %get3A_12 : vector<16xf32> to vector<16xf32>
    %get3A_14 = arith.constant 64 : index
    %get3A_15 = tpu.vector_load %arg16[%get3A_14] {strides = array<i32>} : memref<128xf32, #tpu.memory_space<vmem>>, vector<16xf32>,
    %get3A_16 = vector.shape_cast %get3A_15 : vector<16xf32> to vector<16xf32>
    %get3A_17 = arith.constant 80 : index
    %get3A_18 = tpu.vector_load %arg16[%get3A_17] {strides = array<i32>} : memref<128xf32, #tpu.memory_space<vmem>>, vector<16xf32>,
    %get3A_19 = vector.shape_cast %get3A_18 : vector<16xf32> to vector<16xf32>
    %get3A_20 = arith.constant 96 : index
    %get3A_21 = tpu.vector_load %arg16[%get3A_20] {strides = array<i32>} : memref<128xf32, #tpu.memory_space<vmem>>, vector<16xf32>,
    %get3A_22 = vector.shape_cast %get3A_21 : vector<16xf32> to vector<16xf32>
    %get3A_23 = arith.constant 112 : index
    %get3A_24 = tpu.vector_load %arg16[%get3A_23] {strides = array<i32>} : memref<128xf32, #tpu.memory_space<vmem>>, vector<16xf32>,
    %get3A_25 = vector.shape_cast %get3A_24 : vector<16xf32> to vector<16xf32>
    %get3A_26 = arith.constant 0 : index
    %get3A_27 = tpu.vector_load %arg17[%get3A_26] {strides = array<i32>} : memref<128xf32, #tpu.memory_space<vmem>>, vector<16xf32>,
    %get3A_28 = vector.shape_cast %get3A_27 : vector<16xf32> to vector<16xf32>
    %get3A_29 = arith.constant 16 : index
    %get3A_30 = tpu.vector_load %arg17[%get3A_29] {strides = array<i32>} : memref<128xf32, #tpu.memory_space<vmem>>, vector<16xf32>,
    %get3A_31 = vector.shape_cast %get3A_30 : vector<16xf32> to vector<16xf32>
    %get3A_32 = arith.constant 32 : index
    %get3A_33 = tpu.vector_load %arg17[%get3A_32] {strides = array<i32>} : memref<128xf32, #tpu.memory_space<vmem>>, vector<16xf32>,
    %get3A_34 = vector.shape_cast %get3A_33 : vector<16xf32> to vector<16xf32>
    %get3A_35 = arith.constant 48 : index
    %get3A_36 = tpu.vector_load %arg17[%get3A_35] {strides = array<i32>} : memref<128xf32, #tpu.memory_space<vmem>>, vector<16xf32>,
    %get3A_37 = vector.shape_cast %get3A_36 : vector<16xf32> to vector<16xf32>
    %get3A_38 = arith.constant 64 : index
    %get3A_39 = tpu.vector_load %arg17[%get3A_38] {strides = array<i32>} : memref<128xf32, #tpu.memory_space<vmem>>, vector<16xf32>,
    %get3A_40 = vector.shape_cast %get3A_39 : vector<16xf32> to vector<16xf32>
    %get3A_41 = arith.constant 80 : index
    %get3A_42 = tpu.vector_load %arg17[%get3A_41] {strides = array<i32>} : memref<128xf32, #tpu.memory_space<vmem>>, vector<16xf32>,
    %get3A_43 = vector.shape_cast %get3A_42 : vector<16xf32> to vector<16xf32>
    %get3A_44 = arith.constant 96 : index
    %get3A_45 = tpu.vector_load %arg17[%get3A_44] {strides = array<i32>} : memref<128xf32, #tpu.memory_space<vmem>>, vector<16xf32>,
    %get3A_46 = vector.shape_cast %get3A_45 : vector<16xf32> to vector<16xf32>
    %get3A_47 = arith.constant 112 : index
    %get3A_48 = tpu.vector_load %arg17[%get3A_47] {strides = array<i32>} : memref<128xf32, #tpu.memory_space<vmem>>, vector<16xf32>,
    %get3A_49 = vector.shape_cast %get3A_48 : vector<16xf32> to vector<16xf32>
    %scan3A = arith.constant 0 : i32
    %scan3A_50 = arith.constant 0 : i32
    %scan3A_51 = arith.constant 5 : i32
    %scan3A_52 = arith.addi %scan3A_50, %scan3A_51 : i32
    %scan3A_53 = arith.constant 1 : i32
    scf.for %scan3A_56 = %scan3A_50 to %scan3A_52 step %scan3A_53  : i32 {
      %mul3A_57 = arith.constant 10000 : i32
      %mul3A_58 = arith.muli %add3A, %mul3A_57 : i32
      %mul3A_59 = arith.constant 50 : i32
      %mul3A_60 = arith.muli %scan3A_56, %mul3A_59 : i32
      %mul3A_61 = arith.constant 40 : i32
      %mul3A_62 = arith.muli %mul3A_60, %mul3A_61 : i32
      %add3A_63 = arith.addi %mul3A_58, %mul3A_62 : i32
      "tpu.region"() ({
        %run_scoped3A = tpu.sem_alloc : memref<!tpu.dma_semaphore, #tpu.memory_space<semaphore_mem>>
        %dma_start3A_177 = tpu.memref_slice %arg2[%add3A_63] : memref<320000xi32, #tpu.memory_space<hbm>> -> memref<2000xi32, #tpu.memory_space<hbm>>
        %dma_start3A_178 = tpu.memref_slice %arg2[%add3A_63] : memref<320000xi32, #tpu.memory_space<hbm>> -> memref<2000xi32, #tpu.memory_space<hbm>>
        tpu.enqueue_dma source(%dma_start3A_178 : memref<2000xi32, #tpu.memory_space<hbm>>) target(%arg11 : memref<2000xi32, #tpu.memory_space<vmem>>) target_semaphore(%run_scoped3A : memref<!tpu.dma_semaphore, #tpu.memory_space<semaphore_mem>>)
        %dma_wait3A_179 = tpu.memref_slice %arg2[%add3A_63] : memref<320000xi32, #tpu.memory_space<hbm>> -> memref<2000xi32, #tpu.memory_space<hbm>>
        %dma_wait3A_180 = tpu.memref_slice %arg2[%add3A_63] : memref<320000xi32, #tpu.memory_space<hbm>> -> memref<2000xi32, #tpu.memory_space<hbm>>
        tpu.wait_dma2 semaphore(%run_scoped3A : memref<!tpu.dma_semaphore, #tpu.memory_space<semaphore_mem>>) src(%dma_wait3A_180 : memref<2000xi32, #tpu.memory_space<hbm>>) dst(%arg11 : memref<2000xi32, #tpu.memory_space<vmem>>)
        tpu.yield
      }) : () -> ()
      %mul3A_64 = arith.constant 10000 : i32
      %mul3A_65 = arith.muli %add3A, %mul3A_64 : i32
      %mul3A_66 = arith.constant 50 : i32
      %mul3A_67 = arith.muli %scan3A_56, %mul3A_66 : i32
      %mul3A_68 = arith.constant 40 : i32
      %mul3A_69 = arith.muli %mul3A_67, %mul3A_68 : i32
      %add3A_70 = arith.addi %mul3A_65, %mul3A_69 : i32
      "tpu.region"() ({
        %run_scoped3A = tpu.sem_alloc : memref<!tpu.dma_semaphore, #tpu.memory_space<semaphore_mem>>
        %dma_start3A_177 = tpu.memref_slice %arg3[%add3A_70] : memref<320000xi32, #tpu.memory_space<hbm>> -> memref<2000xi32, #tpu.memory_space<hbm>>
        %dma_start3A_178 = tpu.memref_slice %arg3[%add3A_70] : memref<320000xi32, #tpu.memory_space<hbm>> -> memref<2000xi32, #tpu.memory_space<hbm>>
        tpu.enqueue_dma source(%dma_start3A_178 : memref<2000xi32, #tpu.memory_space<hbm>>) target(%arg12 : memref<2000xi32, #tpu.memory_space<vmem>>) target_semaphore(%run_scoped3A : memref<!tpu.dma_semaphore, #tpu.memory_space<semaphore_mem>>)
        %dma_wait3A_179 = tpu.memref_slice %arg3[%add3A_70] : memref<320000xi32, #tpu.memory_space<hbm>> -> memref<2000xi32, #tpu.memory_space<hbm>>
        %dma_wait3A_180 = tpu.memref_slice %arg3[%add3A_70] : memref<320000xi32, #tpu.memory_space<hbm>> -> memref<2000xi32, #tpu.memory_space<hbm>>
        tpu.wait_dma2 semaphore(%run_scoped3A : memref<!tpu.dma_semaphore, #tpu.memory_space<semaphore_mem>>) src(%dma_wait3A_180 : memref<2000xi32, #tpu.memory_space<hbm>>) dst(%arg12 : memref<2000xi32, #tpu.memory_space<vmem>>)
        tpu.yield
      }) : () -> ()
      %dma_start3A = arith.constant 0 : i32
      %dma_start3A_71 = arith.constant 0 : i32
      %dma_start3A_72 = arith.constant 0 : i32
      %dma_start3A_73 = arith.constant 0 : i32
      %dma_start3A_74 = tpu.memref_slice %arg13[%dma_start3A, %dma_start3A_72, %dma_start3A_73] : memref<2x40x128xf32, #tpu.memory_space<vmem>> -> memref<1x40x128xf32, #tpu.memory_space<vmem>>
      %dma_start3A_75 = tpu.memref_squeeze %dma_start3A_74 : memref<1x40x128xf32, #tpu.memory_space<vmem>> -> memref<40x128xf32, #tpu.memory_space<vmem>>
      %dma_start3A_76 = arith.constant 0 : i32
      %dma_start3A_77 = tpu.memref_slice %arg11[%dma_start3A_76] : memref<2000xi32, #tpu.memory_space<vmem>> -> memref<40xi32, #tpu.memory_space<vmem>>
      %dma_start3A_78 = arith.constant 0 : i32
      %dma_start3A_79 = arith.constant 0 : i32
      %dma_start3A_80 = tpu.memref_slice %arg5[%dma_start3A_78, %dma_start3A_79] : memref<10000x128xf32, #tpu.memory_space<hbm>> -> memref<10000x128xf32, #tpu.memory_space<hbm>>
      %dma_start3A_81 = tpu.memref_slice %arg18[%dma_start3A_71] : memref<2x!tpu.dma_semaphore, #tpu.memory_space<semaphore_mem>> -> memref<1x!tpu.dma_semaphore, #tpu.memory_space<semaphore_mem>>
      %dma_start3A_82 = tpu.memref_squeeze %dma_start3A_81 : memref<1x!tpu.dma_semaphore, #tpu.memory_space<semaphore_mem>> -> memref<!tpu.dma_semaphore, #tpu.memory_space<semaphore_mem>>
      tpu.enqueue_indirect_dma source(%dma_start3A_80 : memref<10000x128xf32, #tpu.memory_space<hbm>>) target(%dma_start3A_75 : memref<40x128xf32, #tpu.memory_space<vmem>>) offsets(%dma_start3A_77 : memref<40xi32, #tpu.memory_space<vmem>>) semaphore(%dma_start3A_82 : memref<!tpu.dma_semaphore, #tpu.memory_space<semaphore_mem>>)
      %mul3A_83 = arith.constant 10000 : i32
      %mul3A_84 = arith.muli %add3A, %mul3A_83 : i32
      %mul3A_85 = arith.constant 50 : i32
      %mul3A_86 = arith.muli %scan3A_56, %mul3A_85 : i32
      %add3A_87 = arith.constant 0 : i32
      %add3A_88 = arith.addi %mul3A_86, %add3A_87 : i32
      %mul3A_89 = arith.constant 40 : i32
      %mul3A_90 = arith.muli %add3A_88, %mul3A_89 : i32
      %add3A_91 = arith.addi %mul3A_84, %mul3A_90 : i32
      %dma_start3A_92 = arith.constant 0 : i32
      %dma_start3A_93 = arith.constant 0 : i32
      %dma_start3A_94 = arith.constant 0 : i32
      %dma_start3A_95 = arith.constant 0 : i32
      %dma_start3A_96 = tpu.memref_slice %arg14[%dma_start3A_92, %dma_start3A_94, %dma_start3A_95] : memref<2x40x128xf32, #tpu.memory_space<vmem>> -> memref<1x40x128xf32, #tpu.memory_space<vmem>>
      %dma_start3A_97 = tpu.memref_squeeze %dma_start3A_96 : memref<1x40x128xf32, #tpu.memory_space<vmem>> -> memref<40x128xf32, #tpu.memory_space<vmem>>
      %dma_start3A_98 = arith.constant 0 : i32
      %dma_start3A_99 = tpu.memref_slice %arg4[%add3A_91, %dma_start3A_98] : memref<320000x128xf32, #tpu.memory_space<hbm>> -> memref<40x128xf32, #tpu.memory_space<hbm>>
      %dma_start3A_100 = tpu.memref_slice %arg19[%dma_start3A_93] : memref<2x!tpu.dma_semaphore, #tpu.memory_space<semaphore_mem>> -> memref<1x!tpu.dma_semaphore, #tpu.memory_space<semaphore_mem>>
      %dma_start3A_101 = tpu.memref_squeeze %dma_start3A_100 : memref<1x!tpu.dma_semaphore, #tpu.memory_space<semaphore_mem>> -> memref<!tpu.dma_semaphore, #tpu.memory_space<semaphore_mem>>
      %dma_start3A_102 = arith.constant 0 : i32
      %dma_start3A_103 = arith.constant 0 : i32
      %dma_start3A_104 = tpu.memref_slice %arg14[%dma_start3A_92, %dma_start3A_102, %dma_start3A_103] : memref<2x40x128xf32, #tpu.memory_space<vmem>> -> memref<1x40x128xf32, #tpu.memory_space<vmem>>
      %dma_start3A_105 = tpu.memref_squeeze %dma_start3A_104 : memref<1x40x128xf32, #tpu.memory_space<vmem>> -> memref<40x128xf32, #tpu.memory_space<vmem>>
      %dma_start3A_106 = arith.constant 0 : i32
      %dma_start3A_107 = tpu.memref_slice %arg4[%add3A_91, %dma_start3A_106] : memref<320000x128xf32, #tpu.memory_space<hbm>> -> memref<40x128xf32, #tpu.memory_space<hbm>>
      tpu.enqueue_dma source(%dma_start3A_107 : memref<40x128xf32, #tpu.memory_space<hbm>>) target(%dma_start3A_105 : memref<40x128xf32, #tpu.memory_space<vmem>>) target_semaphore(%dma_start3A_101 : memref<!tpu.dma_semaphore, #tpu.memory_space<semaphore_mem>>)
      %dma_start3A_108 = arith.constant 1 : i32
      %dma_start3A_109 = arith.constant 1 : i32
      %dma_start3A_110 = arith.constant 0 : i32
      %dma_start3A_111 = arith.constant 0 : i32
      %dma_start3A_112 = tpu.memref_slice %arg13[%dma_start3A_108, %dma_start3A_110, %dma_start3A_111] : memref<2x40x128xf32, #tpu.memory_space<vmem>> -> memref<1x40x128xf32, #tpu.memory_space<vmem>>
      %dma_start3A_113 = tpu.memref_squeeze %dma_start3A_112 : memref<1x40x128xf32, #tpu.memory_space<vmem>> -> memref<40x128xf32, #tpu.memory_space<vmem>>
      %dma_start3A_114 = arith.constant 40 : i32
      %dma_start3A_115 = tpu.memref_slice %arg11[%dma_start3A_114] : memref<2000xi32, #tpu.memory_space<vmem>> -> memref<40xi32, #tpu.memory_space<vmem>>
      %dma_start3A_116 = arith.constant 0 : i32
      %dma_start3A_117 = arith.constant 0 : i32
      %dma_start3A_118 = tpu.memref_slice %arg5[%dma_start3A_116, %dma_start3A_117] : memref<10000x128xf32, #tpu.memory_space<hbm>> -> memref<10000x128xf32, #tpu.memory_space<hbm>>
      %dma_start3A_119 = tpu.memref_slice %arg18[%dma_start3A_109] : memref<2x!tpu.dma_semaphore, #tpu.memory_space<semaphore_mem>> -> memref<1x!tpu.dma_semaphore, #tpu.memory_space<semaphore_mem>>
      %dma_start3A_120 = tpu.memref_squeeze %dma_start3A_119 : memref<1x!tpu.dma_semaphore, #tpu.memory_space<semaphore_mem>> -> memref<!tpu.dma_semaphore, #tpu.memory_space<semaphore_mem>>
      tpu.enqueue_indirect_dma source(%dma_start3A_118 : memref<10000x128xf32, #tpu.memory_space<hbm>>) target(%dma_start3A_113 : memref<40x128xf32, #tpu.memory_space<vmem>>) offsets(%dma_start3A_115 : memref<40xi32, #tpu.memory_space<vmem>>) semaphore(%dma_start3A_120 : memref<!tpu.dma_semaphore, #tpu.memory_space<semaphore_mem>>)
      %mul3A_121 = arith.constant 10000 : i32
      %mul3A_122 = arith.muli %add3A, %mul3A_121 : i32
      %mul3A_123 = arith.constant 50 : i32
      %mul3A_124 = arith.muli %scan3A_56, %mul3A_123 : i32
      %add3A_125 = arith.constant 1 : i32
      %add3A_126 = arith.addi %mul3A_124, %add3A_125 : i32
      %mul3A_127 = arith.constant 40 : i32
      %mul3A_128 = arith.muli %add3A_126, %mul3A_127 : i32
      %add3A_129 = arith.addi %mul3A_122, %mul3A_128 : i32
      %dma_start3A_130 = arith.constant 1 : i32
      %dma_start3A_131 = arith.constant 1 : i32
      %dma_start3A_132 = arith.constant 0 : i32
      %dma_start3A_133 = arith.constant 0 : i32
      %dma_start3A_134 = tpu.memref_slice %arg14[%dma_start3A_130, %dma_start3A_132, %dma_start3A_133] : memref<2x40x128xf32, #tpu.memory_space<vmem>> -> memref<1x40x128xf32, #tpu.memory_space<vmem>>
      %dma_start3A_135 = tpu.memref_squeeze %dma_start3A_134 : memref<1x40x128xf32, #tpu.memory_space<vmem>> -> memref<40x128xf32, #tpu.memory_space<vmem>>
      %dma_start3A_136 = arith.constant 0 : i32
      %dma_start3A_137 = tpu.memref_slice %arg4[%add3A_129, %dma_start3A_136] : memref<320000x128xf32, #tpu.memory_space<hbm>> -> memref<40x128xf32, #tpu.memory_space<hbm>>
      %dma_start3A_138 = tpu.memref_slice %arg19[%dma_start3A_131] : memref<2x!tpu.dma_semaphore, #tpu.memory_space<semaphore_mem>> -> memref<1x!tpu.dma_semaphore, #tpu.memory_space<semaphore_mem>>
      %dma_start3A_139 = tpu.memref_squeeze %dma_start3A_138 : memref<1x!tpu.dma_semaphore, #tpu.memory_space<semaphore_mem>> -> memref<!tpu.dma_semaphore, #tpu.memory_space<semaphore_mem>>
      %dma_start3A_140 = arith.constant 0 : i32
      %dma_start3A_141 = arith.constant 0 : i32
      %dma_start3A_142 = tpu.memref_slice %arg14[%dma_start3A_130, %dma_start3A_140, %dma_start3A_141] : memref<2x40x128xf32, #tpu.memory_space<vmem>> -> memref<1x40x128xf32, #tpu.memory_space<vmem>>
      %dma_start3A_143 = tpu.memref_squeeze %dma_start3A_142 : memref<1x40x128xf32, #tpu.memory_space<vmem>> -> memref<40x128xf32, #tpu.memory_space<vmem>>
      %dma_start3A_144 = arith.constant 0 : i32
      %dma_start3A_145 = tpu.memref_slice %arg4[%add3A_129, %dma_start3A_144] : memref<320000x128xf32, #tpu.memory_space<hbm>> -> memref<40x128xf32, #tpu.memory_space<hbm>>
      tpu.enqueue_dma source(%dma_start3A_145 : memref<40x128xf32, #tpu.memory_space<hbm>>) target(%dma_start3A_143 : memref<40x128xf32, #tpu.memory_space<vmem>>) target_semaphore(%dma_start3A_139 : memref<!tpu.dma_semaphore, #tpu.memory_space<semaphore_mem>>)
      %scan3A_146 = arith.constant 0 : i32
      %scan3A_147 = arith.constant 0 : i32
      %scan3A_148 = arith.constant 25 : i32
      %scan3A_149 = arith.addi %scan3A_147, %scan3A_148 : i32
      %scan3A_150 = arith.constant 1 : i32
      scf.for %scan3A_177 = %scan3A_147 to %scan3A_149 step %scan3A_150  : i32 {
        %mul3A_178 = arith.constant 2 : i32
        %mul3A_179 = arith.muli %scan3A_177, %mul3A_178 : i32
        %add3A_180 = arith.constant 0 : i32
        %add3A_181 = arith.addi %mul3A_179, %add3A_180 : i32
        %mul3A_182 = arith.constant 40 : i32
        %mul3A_183 = arith.muli %add3A_181, %mul3A_182 : i32
        %dma_wait3A_184 = arith.constant 0 : i32
        %dma_wait3A_185 = arith.constant 0 : i32
        %dma_wait3A_186 = arith.constant 0 : i32
        %dma_wait3A_187 = arith.constant 0 : i32
        %dma_wait3A_188 = tpu.memref_slice %arg13[%dma_wait3A_184, %dma_wait3A_186, %dma_wait3A_187] : memref<2x40x128xf32, #tpu.memory_space<vmem>> -> memref<1x40x128xf32, #tpu.memory_space<vmem>>
        %dma_wait3A_189 = tpu.memref_squeeze %dma_wait3A_188 : memref<1x40x128xf32, #tpu.memory_space<vmem>> -> memref<40x128xf32, #tpu.memory_space<vmem>>
        %dma_wait3A_190 = tpu.memref_slice %arg11[%mul3A_183] : memref<2000xi32, #tpu.memory_space<vmem>> -> memref<40xi32, #tpu.memory_space<vmem>>
        %dma_wait3A_191 = arith.constant 0 : i32
        %dma_wait3A_192 = arith.constant 0 : i32
        %dma_wait3A_193 = tpu.memref_slice %arg5[%dma_wait3A_191, %dma_wait3A_192] : memref<10000x128xf32, #tpu.memory_space<hbm>> -> memref<10000x128xf32, #tpu.memory_space<hbm>>
        %dma_wait3A_194 = tpu.memref_slice %arg18[%dma_wait3A_185] : memref<2x!tpu.dma_semaphore, #tpu.memory_space<semaphore_mem>> -> memref<1x!tpu.dma_semaphore, #tpu.memory_space<semaphore_mem>>
        %dma_wait3A_195 = tpu.memref_squeeze %dma_wait3A_194 : memref<1x!tpu.dma_semaphore, #tpu.memory_space<semaphore_mem>> -> memref<!tpu.dma_semaphore, #tpu.memory_space<semaphore_mem>>
        tpu.wait_indirect_dma semaphore(%dma_wait3A_195 : memref<!tpu.dma_semaphore, #tpu.memory_space<semaphore_mem>>) src(%dma_wait3A_193 : memref<10000x128xf32, #tpu.memory_space<hbm>>) dst(%dma_wait3A_189 : memref<40x128xf32, #tpu.memory_space<vmem>>)
        %mul3A_196 = arith.constant 10000 : i32
        %mul3A_197 = arith.muli %add3A, %mul3A_196 : i32
        %mul3A_198 = arith.constant 50 : i32
        %mul3A_199 = arith.muli %scan3A_56, %mul3A_198 : i32
        %add3A_200 = arith.addi %mul3A_199, %add3A_181 : i32
        %mul3A_201 = arith.constant 40 : i32
        %mul3A_202 = arith.muli %add3A_200, %mul3A_201 : i32
        %add3A_203 = arith.addi %mul3A_197, %mul3A_202 : i32
        %dma_wait3A_204 = arith.constant 0 : i32
        %dma_wait3A_205 = arith.constant 0 : i32
        %dma_wait3A_206 = arith.constant 0 : i32
        %dma_wait3A_207 = arith.constant 0 : i32
        %dma_wait3A_208 = tpu.memref_slice %arg14[%dma_wait3A_204, %dma_wait3A_206, %dma_wait3A_207] : memref<2x40x128xf32, #tpu.memory_space<vmem>> -> memref<1x40x128xf32, #tpu.memory_space<vmem>>
        %dma_wait3A_209 = tpu.memref_squeeze %dma_wait3A_208 : memref<1x40x128xf32, #tpu.memory_space<vmem>> -> memref<40x128xf32, #tpu.memory_space<vmem>>
        %dma_wait3A_210 = arith.constant 0 : i32
        %dma_wait3A_211 = tpu.memref_slice %arg4[%add3A_203, %dma_wait3A_210] : memref<320000x128xf32, #tpu.memory_space<hbm>> -> memref<40x128xf32, #tpu.memory_space<hbm>>
        %dma_wait3A_212 = tpu.memref_slice %arg19[%dma_wait3A_205] : memref<2x!tpu.dma_semaphore, #tpu.memory_space<semaphore_mem>> -> memref<1x!tpu.dma_semaphore, #tpu.memory_space<semaphore_mem>>
        %dma_wait3A_213 = tpu.memref_squeeze %dma_wait3A_212 : memref<1x!tpu.dma_semaphore, #tpu.memory_space<semaphore_mem>> -> memref<!tpu.dma_semaphore, #tpu.memory_space<semaphore_mem>>
        %dma_wait3A_214 = arith.constant 0 : i32
        %dma_wait3A_215 = arith.constant 0 : i32
        %dma_wait3A_216 = tpu.memref_slice %arg14[%dma_wait3A_204, %dma_wait3A_214, %dma_wait3A_215] : memref<2x40x128xf32, #tpu.memory_space<vmem>> -> memref<1x40x128xf32, #tpu.memory_space<vmem>>
        %dma_wait3A_217 = tpu.memref_squeeze %dma_wait3A_216 : memref<1x40x128xf32, #tpu.memory_space<vmem>> -> memref<40x128xf32, #tpu.memory_space<vmem>>
        %dma_wait3A_218 = arith.constant 0 : i32
        %dma_wait3A_219 = tpu.memref_slice %arg4[%add3A_203, %dma_wait3A_218] : memref<320000x128xf32, #tpu.memory_space<hbm>> -> memref<40x128xf32, #tpu.memory_space<hbm>>
        tpu.wait_dma2 semaphore(%dma_wait3A_213 : memref<!tpu.dma_semaphore, #tpu.memory_space<semaphore_mem>>) src(%dma_wait3A_219 : memref<40x128xf32, #tpu.memory_space<hbm>>) dst(%dma_wait3A_217 : memref<40x128xf32, #tpu.memory_space<vmem>>)
        %ge3A = arith.constant 2 : i32
        %ge3A_220 = arith.cmpi sge, %add3A_181, %ge3A : i32
        %convert_element_type3A = arith.extui %ge3A_220 : i1 to i32
        %cond3A = arith.constant 0 : i32
        %cond3A_221 = arith.cmpi ne, %convert_element_type3A, %cond3A : i32
        scf.if %cond3A_221 {
          %mul3A_322 = arith.constant 40 : i32
          %mul3A_323 = arith.muli %add3A_181, %mul3A_322 : i32
          %dma_wait3A_324 = arith.constant 0 : i32
          %dma_wait3A_325 = arith.constant 0 : i32
          %dma_wait3A_326 = arith.constant 0 : i32
          %dma_wait3A_327 = arith.constant 0 : i32
          %dma_wait3A_328 = tpu.memref_slice %arg15[%dma_wait3A_324, %dma_wait3A_326, %dma_wait3A_327] : memref<2x40x128xf32, #tpu.memory_space<vmem>> -> memref<1x40x128xf32, #tpu.memory_space<vmem>>
          %dma_wait3A_329 = tpu.memref_squeeze %dma_wait3A_328 : memref<1x40x128xf32, #tpu.memory_space<vmem>> -> memref<40x128xf32, #tpu.memory_space<vmem>>
          %dma_wait3A_330 = tpu.memref_slice %arg12[%mul3A_323] : memref<2000xi32, #tpu.memory_space<vmem>> -> memref<40xi32, #tpu.memory_space<vmem>>
          %dma_wait3A_331 = arith.constant 0 : i32
          %dma_wait3A_332 = arith.constant 0 : i32
          %dma_wait3A_333 = tpu.memref_slice %arg10[%dma_wait3A_331, %dma_wait3A_332] : memref<10000x128xf32, #tpu.memory_space<vmem_shared>> -> memref<10000x128xf32, #tpu.memory_space<vmem_shared>>
          %dma_wait3A_334 = tpu.memref_slice %arg20[%dma_wait3A_325] : memref<2x!tpu.dma_semaphore, #tpu.memory_space<semaphore_mem>> -> memref<1x!tpu.dma_semaphore, #tpu.memory_space<semaphore_mem>>
          %dma_wait3A_335 = tpu.memref_squeeze %dma_wait3A_334 : memref<1x!tpu.dma_semaphore, #tpu.memory_space<semaphore_mem>> -> memref<!tpu.dma_semaphore, #tpu.memory_space<semaphore_mem>>
          tpu.wait_indirect_dma semaphore(%dma_wait3A_335 : memref<!tpu.dma_semaphore, #tpu.memory_space<semaphore_mem>>) src(%dma_wait3A_329 : memref<40x128xf32, #tpu.memory_space<vmem>>) dst(%dma_wait3A_333 : memref<10000x128xf32, #tpu.memory_space<vmem_shared>>)
        } else {
        }
        %scan3A_222 = arith.constant 0 : i32
        %scan3A_223 = arith.constant 0 : i32
        %scan3A_224 = arith.constant 40 : i32
        %scan3A_225 = arith.addi %scan3A_223, %scan3A_224 : i32
        %scan3A_226 = arith.constant 1 : i32
        scf.for %scan3A_322 = %scan3A_223 to %scan3A_225 step %scan3A_226  : i32 {
          %get3A_323 = arith.constant 0 : i32
          %get3A_324 = arith.index_cast %get3A_323 : i32 to index
          %get3A_325 = arith.index_cast %scan3A_322 : i32 to index
          %get3A_326 = arith.constant 0 : index
          %get3A_327 = tpu.vector_load %arg13[%get3A_324, %get3A_325, %get3A_326] {strides = array<i32>} : memref<2x40x128xf32, #tpu.memory_space<vmem>>, vector<1x1x16xf32>,
          %get3A_328 = vector.shape_cast %get3A_327 : vector<1x1x16xf32> to vector<16xf32>
          %get3A_329 = arith.constant 0 : i32
          %get3A_330 = arith.index_cast %get3A_329 : i32 to index
          %get3A_331 = arith.index_cast %scan3A_322 : i32 to index
          %get3A_332 = arith.constant 0 : index
          %get3A_333 = tpu.vector_load %arg14[%get3A_330, %get3A_331, %get3A_332] {strides = array<i32>} : memref<2x40x128xf32, #tpu.memory_space<vmem>>, vector<1x1x16xf32>,
          %get3A_334 = vector.shape_cast %get3A_333 : vector<1x1x16xf32> to vector<16xf32>
          %add3A_335 = arith.addf %get3A_328, %get3A_334 : vector<16xf32>
          %mul3A_336 = arith.mulf %add3A_335, %get3A_4 : vector<16xf32>
          %add3A_337 = arith.addf %mul3A_336, %get3A_28 : vector<16xf32>
          %max3A = arith.constant 0.000000e+00 : f32
          %max3A_338 = vector.broadcast %max3A : f32 to vector<16xf32>
          %max3A_339 = arith.maximumf %add3A_337, %max3A_338 : vector<16xf32>
          %swap3A = arith.constant 0 : i32
          %swap3A_340 = arith.index_cast %swap3A : i32 to index
          %swap3A_341 = arith.index_cast %scan3A_322 : i32 to index
          %swap3A_342 = arith.constant 0 : index
          %swap3A_343 = tpu.vector_load %arg15[%swap3A_340, %swap3A_341, %swap3A_342] {strides = array<i32>} : memref<2x40x128xf32, #tpu.memory_space<vmem>>, vector<1x1x16xf32>,
          %swap3A_344 = vector.shape_cast %swap3A_343 : vector<1x1x16xf32> to vector<16xf32>
          %swap3A_345 = vector.shape_cast %max3A_339 : vector<16xf32> to vector<1x1x16xf32>
          tpu.vector_store %arg15[%swap3A_340, %swap3A_341, %swap3A_342], %swap3A_345 {strides = array<i32>} : memref<2x40x128xf32, #tpu.memory_space<vmem>>, vector<1x1x16xf32>,
          %get3A_346 = arith.constant 0 : i32
          %get3A_347 = arith.index_cast %get3A_346 : i32 to index
          %get3A_348 = arith.index_cast %scan3A_322 : i32 to index
          %get3A_349 = arith.constant 16 : index
          %get3A_350 = tpu.vector_load %arg13[%get3A_347, %get3A_348, %get3A_349] {strides = array<i32>} : memref<2x40x128xf32, #tpu.memory_space<vmem>>, vector<1x1x16xf32>,
          %get3A_351 = vector.shape_cast %get3A_350 : vector<1x1x16xf32> to vector<16xf32>
          %get3A_352 = arith.constant 0 : i32
          %get3A_353 = arith.index_cast %get3A_352 : i32 to index
          %get3A_354 = arith.index_cast %scan3A_322 : i32 to index
          %get3A_355 = arith.constant 16 : index
          %get3A_356 = tpu.vector_load %arg14[%get3A_353, %get3A_354, %get3A_355] {strides = array<i32>} : memref<2x40x128xf32, #tpu.memory_space<vmem>>, vector<1x1x16xf32>,
          %get3A_357 = vector.shape_cast %get3A_356 : vector<1x1x16xf32> to vector<16xf32>
          %add3A_358 = arith.addf %get3A_351, %get3A_357 : vector<16xf32>
          %mul3A_359 = arith.mulf %add3A_358, %get3A_7 : vector<16xf32>
          %add3A_360 = arith.addf %mul3A_359, %get3A_31 : vector<16xf32>
          %max3A_361 = arith.constant 0.000000e+00 : f32
          %max3A_362 = vector.broadcast %max3A_361 : f32 to vector<16xf32>
          %max3A_363 = arith.maximumf %add3A_360, %max3A_362 : vector<16xf32>
          %swap3A_364 = arith.constant 0 : i32
          %swap3A_365 = arith.index_cast %swap3A_364 : i32 to index
          %swap3A_366 = arith.index_cast %scan3A_322 : i32 to index
          %swap3A_367 = arith.constant 16 : index
          %swap3A_368 = tpu.vector_load %arg15[%swap3A_365, %swap3A_366, %swap3A_367] {strides = array<i32>} : memref<2x40x128xf32, #tpu.memory_space<vmem>>, vector<1x1x16xf32>,
          %swap3A_369 = vector.shape_cast %swap3A_368 : vector<1x1x16xf32> to vector<16xf32>
          %swap3A_370 = vector.shape_cast %max3A_363 : vector<16xf32> to vector<1x1x16xf32>
          tpu.vector_store %arg15[%swap3A_365, %swap3A_366, %swap3A_367], %swap3A_370 {strides = array<i32>} : memref<2x40x128xf32, #tpu.memory_space<vmem>>, vector<1x1x16xf32>,
          %get3A_371 = arith.constant 0 : i32
          %get3A_372 = arith.index_cast %get3A_371 : i32 to index
          %get3A_373 = arith.index_cast %scan3A_322 : i32 to index
          %get3A_374 = arith.constant 32 : index
          %get3A_375 = tpu.vector_load %arg13[%get3A_372, %get3A_373, %get3A_374] {strides = array<i32>} : memref<2x40x128xf32, #tpu.memory_space<vmem>>, vector<1x1x16xf32>,
          %get3A_376 = vector.shape_cast %get3A_375 : vector<1x1x16xf32> to vector<16xf32>
          %get3A_377 = arith.constant 0 : i32
          %get3A_378 = arith.index_cast %get3A_377 : i32 to index
          %get3A_379 = arith.index_cast %scan3A_322 : i32 to index
          %get3A_380 = arith.constant 32 : index
          %get3A_381 = tpu.vector_load %arg14[%get3A_378, %get3A_379, %get3A_380] {strides = array<i32>} : memref<2x40x128xf32, #tpu.memory_space<vmem>>, vector<1x1x16xf32>,
          %get3A_382 = vector.shape_cast %get3A_381 : vector<1x1x16xf32> to vector<16xf32>
          %add3A_383 = arith.addf %get3A_376, %get3A_382 : vector<16xf32>
          %mul3A_384 = arith.mulf %add3A_383, %get3A_10 : vector<16xf32>
          %add3A_385 = arith.addf %mul3A_384, %get3A_34 : vector<16xf32>
          %max3A_386 = arith.constant 0.000000e+00 : f32
          %max3A_387 = vector.broadcast %max3A_386 : f32 to vector<16xf32>
          %max3A_388 = arith.maximumf %add3A_385, %max3A_387 : vector<16xf32>
          %swap3A_389 = arith.constant 0 : i32
          %swap3A_390 = arith.index_cast %swap3A_389 : i32 to index
          %swap3A_391 = arith.index_cast %scan3A_322 : i32 to index
          %swap3A_392 = arith.constant 32 : index
          %swap3A_393 = tpu.vector_load %arg15[%swap3A_390, %swap3A_391, %swap3A_392] {strides = array<i32>} : memref<2x40x128xf32, #tpu.memory_space<vmem>>, vector<1x1x16xf32>,
          %swap3A_394 = vector.shape_cast %swap3A_393 : vector<1x1x16xf32> to vector<16xf32>
          %swap3A_395 = vector.shape_cast %max3A_388 : vector<16xf32> to vector<1x1x16xf32>
          tpu.vector_store %arg15[%swap3A_390, %swap3A_391, %swap3A_392], %swap3A_395 {strides = array<i32>} : memref<2x40x128xf32, #tpu.memory_space<vmem>>, vector<1x1x16xf32>,
          %get3A_396 = arith.constant 0 : i32
          %get3A_397 = arith.index_cast %get3A_396 : i32 to index
          %get3A_398 = arith.index_cast %scan3A_322 : i32 to index
          %get3A_399 = arith.constant 48 : index
          %get3A_400 = tpu.vector_load %arg13[%get3A_397, %get3A_398, %get3A_399] {strides = array<i32>} : memref<2x40x128xf32, #tpu.memory_space<vmem>>, vector<1x1x16xf32>,
          %get3A_401 = vector.shape_cast %get3A_400 : vector<1x1x16xf32> to vector<16xf32>
          %get3A_402 = arith.constant 0 : i32
          %get3A_403 = arith.index_cast %get3A_402 : i32 to index
          %get3A_404 = arith.index_cast %scan3A_322 : i32 to index
          %get3A_405 = arith.constant 48 : index
          %get3A_406 = tpu.vector_load %arg14[%get3A_403, %get3A_404, %get3A_405] {strides = array<i32>} : memref<2x40x128xf32, #tpu.memory_space<vmem>>, vector<1x1x16xf32>,
          %get3A_407 = vector.shape_cast %get3A_406 : vector<1x1x16xf32> to vector<16xf32>
          %add3A_408 = arith.addf %get3A_401, %get3A_407 : vector<16xf32>
          %mul3A_409 = arith.mulf %add3A_408, %get3A_13 : vector<16xf32>
          %add3A_410 = arith.addf %mul3A_409, %get3A_37 : vector<16xf32>
          %max3A_411 = arith.constant 0.000000e+00 : f32
          %max3A_412 = vector.broadcast %max3A_411 : f32 to vector<16xf32>
          %max3A_413 = arith.maximumf %add3A_410, %max3A_412 : vector<16xf32>
          %swap3A_414 = arith.constant 0 : i32
          %swap3A_415 = arith.index_cast %swap3A_414 : i32 to index
          %swap3A_416 = arith.index_cast %scan3A_322 : i32 to index
          %swap3A_417 = arith.constant 48 : index
          %swap3A_418 = tpu.vector_load %arg15[%swap3A_415, %swap3A_416, %swap3A_417] {strides = array<i32>} : memref<2x40x128xf32, #tpu.memory_space<vmem>>, vector<1x1x16xf32>,
          %swap3A_419 = vector.shape_cast %swap3A_418 : vector<1x1x16xf32> to vector<16xf32>
          %swap3A_420 = vector.shape_cast %max3A_413 : vector<16xf32> to vector<1x1x16xf32>
          tpu.vector_store %arg15[%swap3A_415, %swap3A_416, %swap3A_417], %swap3A_420 {strides = array<i32>} : memref<2x40x128xf32, #tpu.memory_space<vmem>>, vector<1x1x16xf32>,
          %get3A_421 = arith.constant 0 : i32
          %get3A_422 = arith.index_cast %get3A_421 : i32 to index
          %get3A_423 = arith.index_cast %scan3A_322 : i32 to index
          %get3A_424 = arith.constant 64 : index
          %get3A_425 = tpu.vector_load %arg13[%get3A_422, %get3A_423, %get3A_424] {strides = array<i32>} : memref<2x40x128xf32, #tpu.memory_space<vmem>>, vector<1x1x16xf32>,
          %get3A_426 = vector.shape_cast %get3A_425 : vector<1x1x16xf32> to vector<16xf32>
          %get3A_427 = arith.constant 0 : i32
          %get3A_428 = arith.index_cast %get3A_427 : i32 to index
          %get3A_429 = arith.index_cast %scan3A_322 : i32 to index
          %get3A_430 = arith.constant 64 : index
          %get3A_431 = tpu.vector_load %arg14[%get3A_428, %get3A_429, %get3A_430] {strides = array<i32>} : memref<2x40x128xf32, #tpu.memory_space<vmem>>, vector<1x1x16xf32>,
          %get3A_432 = vector.shape_cast %get3A_431 : vector<1x1x16xf32> to vector<16xf32>
          %add3A_433 = arith.addf %get3A_426, %get3A_432 : vector<16xf32>
          %mul3A_434 = arith.mulf %add3A_433, %get3A_16 : vector<16xf32>
          %add3A_435 = arith.addf %mul3A_434, %get3A_40 : vector<16xf32>
          %max3A_436 = arith.constant 0.000000e+00 : f32
          %max3A_437 = vector.broadcast %max3A_436 : f32 to vector<16xf32>
          %max3A_438 = arith.maximumf %add3A_435, %max3A_437 : vector<16xf32>
          %swap3A_439 = arith.constant 0 : i32
          %swap3A_440 = arith.index_cast %swap3A_439 : i32 to index
          %swap3A_441 = arith.index_cast %scan3A_322 : i32 to index
          %swap3A_442 = arith.constant 64 : index
          %swap3A_443 = tpu.vector_load %arg15[%swap3A_440, %swap3A_441, %swap3A_442] {strides = array<i32>} : memref<2x40x128xf32, #tpu.memory_space<vmem>>, vector<1x1x16xf32>,
          %swap3A_444 = vector.shape_cast %swap3A_443 : vector<1x1x16xf32> to vector<16xf32>
          %swap3A_445 = vector.shape_cast %max3A_438 : vector<16xf32> to vector<1x1x16xf32>
          tpu.vector_store %arg15[%swap3A_440, %swap3A_441, %swap3A_442], %swap3A_445 {strides = array<i32>} : memref<2x40x128xf32, #tpu.memory_space<vmem>>, vector<1x1x16xf32>,
          %get3A_446 = arith.constant 0 : i32
          %get3A_447 = arith.index_cast %get3A_446 : i32 to index
          %get3A_448 = arith.index_cast %scan3A_322 : i32 to index
          %get3A_449 = arith.constant 80 : index
          %get3A_450 = tpu.vector_load %arg13[%get3A_447, %get3A_448, %get3A_449] {strides = array<i32>} : memref<2x40x128xf32, #tpu.memory_space<vmem>>, vector<1x1x16xf32>,
          %get3A_451 = vector.shape_cast %get3A_450 : vector<1x1x16xf32> to vector<16xf32>
          %get3A_452 = arith.constant 0 : i32
          %get3A_453 = arith.index_cast %get3A_452 : i32 to index
          %get3A_454 = arith.index_cast %scan3A_322 : i32 to index
          %get3A_455 = arith.constant 80 : index
          %get3A_456 = tpu.vector_load %arg14[%get3A_453, %get3A_454, %get3A_455] {strides = array<i32>} : memref<2x40x128xf32, #tpu.memory_space<vmem>>, vector<1x1x16xf32>,
          %get3A_457 = vector.shape_cast %get3A_456 : vector<1x1x16xf32> to vector<16xf32>
          %add3A_458 = arith.addf %get3A_451, %get3A_457 : vector<16xf32>
          %mul3A_459 = arith.mulf %add3A_458, %get3A_19 : vector<16xf32>
          %add3A_460 = arith.addf %mul3A_459, %get3A_43 : vector<16xf32>
          %max3A_461 = arith.constant 0.000000e+00 : f32
          %max3A_462 = vector.broadcast %max3A_461 : f32 to vector<16xf32>
          %max3A_463 = arith.maximumf %add3A_460, %max3A_462 : vector<16xf32>
          %swap3A_464 = arith.constant 0 : i32
          %swap3A_465 = arith.index_cast %swap3A_464 : i32 to index
          %swap3A_466 = arith.index_cast %scan3A_322 : i32 to index
          %swap3A_467 = arith.constant 80 : index
          %swap3A_468 = tpu.vector_load %arg15[%swap3A_465, %swap3A_466, %swap3A_467] {strides = array<i32>} : memref<2x40x128xf32, #tpu.memory_space<vmem>>, vector<1x1x16xf32>,
          %swap3A_469 = vector.shape_cast %swap3A_468 : vector<1x1x16xf32> to vector<16xf32>
          %swap3A_470 = vector.shape_cast %max3A_463 : vector<16xf32> to vector<1x1x16xf32>
          tpu.vector_store %arg15[%swap3A_465, %swap3A_466, %swap3A_467], %swap3A_470 {strides = array<i32>} : memref<2x40x128xf32, #tpu.memory_space<vmem>>, vector<1x1x16xf32>,
          %get3A_471 = arith.constant 0 : i32
          %get3A_472 = arith.index_cast %get3A_471 : i32 to index
          %get3A_473 = arith.index_cast %scan3A_322 : i32 to index
          %get3A_474 = arith.constant 96 : index
          %get3A_475 = tpu.vector_load %arg13[%get3A_472, %get3A_473, %get3A_474] {strides = array<i32>} : memref<2x40x128xf32, #tpu.memory_space<vmem>>, vector<1x1x16xf32>,
          %get3A_476 = vector.shape_cast %get3A_475 : vector<1x1x16xf32> to vector<16xf32>
          %get3A_477 = arith.constant 0 : i32
          %get3A_478 = arith.index_cast %get3A_477 : i32 to index
          %get3A_479 = arith.index_cast %scan3A_322 : i32 to index
          %get3A_480 = arith.constant 96 : index
          %get3A_481 = tpu.vector_load %arg14[%get3A_478, %get3A_479, %get3A_480] {strides = array<i32>} : memref<2x40x128xf32, #tpu.memory_space<vmem>>, vector<1x1x16xf32>,
          %get3A_482 = vector.shape_cast %get3A_481 : vector<1x1x16xf32> to vector<16xf32>
          %add3A_483 = arith.addf %get3A_476, %get3A_482 : vector<16xf32>
          %mul3A_484 = arith.mulf %add3A_483, %get3A_22 : vector<16xf32>
          %add3A_485 = arith.addf %mul3A_484, %get3A_46 : vector<16xf32>
          %max3A_486 = arith.constant 0.000000e+00 : f32
          %max3A_487 = vector.broadcast %max3A_486 : f32 to vector<16xf32>
          %max3A_488 = arith.maximumf %add3A_485, %max3A_487 : vector<16xf32>
          %swap3A_489 = arith.constant 0 : i32
          %swap3A_490 = arith.index_cast %swap3A_489 : i32 to index
          %swap3A_491 = arith.index_cast %scan3A_322 : i32 to index
          %swap3A_492 = arith.constant 96 : index
          %swap3A_493 = tpu.vector_load %arg15[%swap3A_490, %swap3A_491, %swap3A_492] {strides = array<i32>} : memref<2x40x128xf32, #tpu.memory_space<vmem>>, vector<1x1x16xf32>,
          %swap3A_494 = vector.shape_cast %swap3A_493 : vector<1x1x16xf32> to vector<16xf32>
          %swap3A_495 = vector.shape_cast %max3A_488 : vector<16xf32> to vector<1x1x16xf32>
          tpu.vector_store %arg15[%swap3A_490, %swap3A_491, %swap3A_492], %swap3A_495 {strides = array<i32>} : memref<2x40x128xf32, #tpu.memory_space<vmem>>, vector<1x1x16xf32>,
          %get3A_496 = arith.constant 0 : i32
          %get3A_497 = arith.index_cast %get3A_496 : i32 to index
          %get3A_498 = arith.index_cast %scan3A_322 : i32 to index
          %get3A_499 = arith.constant 112 : index
          %get3A_500 = tpu.vector_load %arg13[%get3A_497, %get3A_498, %get3A_499] {strides = array<i32>} : memref<2x40x128xf32, #tpu.memory_space<vmem>>, vector<1x1x16xf32>,
          %get3A_501 = vector.shape_cast %get3A_500 : vector<1x1x16xf32> to vector<16xf32>
          %get3A_502 = arith.constant 0 : i32
          %get3A_503 = arith.index_cast %get3A_502 : i32 to index
          %get3A_504 = arith.index_cast %scan3A_322 : i32 to index
          %get3A_505 = arith.constant 112 : index
          %get3A_506 = tpu.vector_load %arg14[%get3A_503, %get3A_504, %get3A_505] {strides = array<i32>} : memref<2x40x128xf32, #tpu.memory_space<vmem>>, vector<1x1x16xf32>,
          %get3A_507 = vector.shape_cast %get3A_506 : vector<1x1x16xf32> to vector<16xf32>
          %add3A_508 = arith.addf %get3A_501, %get3A_507 : vector<16xf32>
          %mul3A_509 = arith.mulf %add3A_508, %get3A_25 : vector<16xf32>
          %add3A_510 = arith.addf %mul3A_509, %get3A_49 : vector<16xf32>
          %max3A_511 = arith.constant 0.000000e+00 : f32
          %max3A_512 = vector.broadcast %max3A_511 : f32 to vector<16xf32>
          %max3A_513 = arith.maximumf %add3A_510, %max3A_512 : vector<16xf32>
          %swap3A_514 = arith.constant 0 : i32
          %swap3A_515 = arith.index_cast %swap3A_514 : i32 to index
          %swap3A_516 = arith.index_cast %scan3A_322 : i32 to index
          %swap3A_517 = arith.constant 112 : index
          %swap3A_518 = tpu.vector_load %arg15[%swap3A_515, %swap3A_516, %swap3A_517] {strides = array<i32>} : memref<2x40x128xf32, #tpu.memory_space<vmem>>, vector<1x1x16xf32>,
          %swap3A_519 = vector.shape_cast %swap3A_518 : vector<1x1x16xf32> to vector<16xf32>
          %swap3A_520 = vector.shape_cast %max3A_513 : vector<16xf32> to vector<1x1x16xf32>
          tpu.vector_store %arg15[%swap3A_515, %swap3A_516, %swap3A_517], %swap3A_520 {strides = array<i32>} : memref<2x40x128xf32, #tpu.memory_space<vmem>>, vector<1x1x16xf32>,
        }
        %scan3A_227 = arith.constant 40 : i32
        %add3A_228 = arith.constant 2 : i32
        %add3A_229 = arith.addi %add3A_181, %add3A_228 : i32
        %lt3A = arith.constant 50 : i32
        %lt3A_230 = arith.cmpi slt, %add3A_229, %lt3A : i32
        %convert_element_type3A_231 = arith.extui %lt3A_230 : i1 to i32
        %cond3A_232 = arith.constant 0 : i32
        %cond3A_233 = arith.cmpi ne, %convert_element_type3A_231, %cond3A_232 : i32
        scf.if %cond3A_233 {
          %add3A_322 = arith.constant 2 : i32
          %add3A_323 = arith.addi %add3A_181, %add3A_322 : i32
          %mul3A_324 = arith.constant 40 : i32
          %mul3A_325 = arith.muli %add3A_323, %mul3A_324 : i32
          %dma_start3A_326 = arith.constant 0 : i32
          %dma_start3A_327 = arith.constant 0 : i32
          %dma_start3A_328 = arith.constant 0 : i32
          %dma_start3A_329 = arith.constant 0 : i32
          %dma_start3A_330 = tpu.memref_slice %arg13[%dma_start3A_326, %dma_start3A_328, %dma_start3A_329] : memref<2x40x128xf32, #tpu.memory_space<vmem>> -> memref<1x40x128xf32, #tpu.memory_space<vmem>>
          %dma_start3A_331 = tpu.memref_squeeze %dma_start3A_330 : memref<1x40x128xf32, #tpu.memory_space<vmem>> -> memref<40x128xf32, #tpu.memory_space<vmem>>
          %dma_start3A_332 = tpu.memref_slice %arg11[%mul3A_325] : memref<2000xi32, #tpu.memory_space<vmem>> -> memref<40xi32, #tpu.memory_space<vmem>>
          %dma_start3A_333 = arith.constant 0 : i32
          %dma_start3A_334 = arith.constant 0 : i32
          %dma_start3A_335 = tpu.memref_slice %arg5[%dma_start3A_333, %dma_start3A_334] : memref<10000x128xf32, #tpu.memory_space<hbm>> -> memref<10000x128xf32, #tpu.memory_space<hbm>>
          %dma_start3A_336 = tpu.memref_slice %arg18[%dma_start3A_327] : memref<2x!tpu.dma_semaphore, #tpu.memory_space<semaphore_mem>> -> memref<1x!tpu.dma_semaphore, #tpu.memory_space<semaphore_mem>>
          %dma_start3A_337 = tpu.memref_squeeze %dma_start3A_336 : memref<1x!tpu.dma_semaphore, #tpu.memory_space<semaphore_mem>> -> memref<!tpu.dma_semaphore, #tpu.memory_space<semaphore_mem>>
          tpu.enqueue_indirect_dma source(%dma_start3A_335 : memref<10000x128xf32, #tpu.memory_space<hbm>>) target(%dma_start3A_331 : memref<40x128xf32, #tpu.memory_space<vmem>>) offsets(%dma_start3A_332 : memref<40xi32, #tpu.memory_space<vmem>>) semaphore(%dma_start3A_337 : memref<!tpu.dma_semaphore, #tpu.memory_space<semaphore_mem>>)
          %add3A_338 = arith.constant 2 : i32
          %add3A_339 = arith.addi %add3A_181, %add3A_338 : i32
          %mul3A_340 = arith.constant 10000 : i32
          %mul3A_341 = arith.muli %add3A, %mul3A_340 : i32
          %mul3A_342 = arith.constant 50 : i32
          %mul3A_343 = arith.muli %scan3A_56, %mul3A_342 : i32
          %add3A_344 = arith.addi %mul3A_343, %add3A_339 : i32
          %mul3A_345 = arith.constant 40 : i32
          %mul3A_346 = arith.muli %add3A_344, %mul3A_345 : i32
          %add3A_347 = arith.addi %mul3A_341, %mul3A_346 : i32
          %dma_start3A_348 = arith.constant 0 : i32
          %dma_start3A_349 = arith.constant 0 : i32
          %dma_start3A_350 = arith.constant 0 : i32
          %dma_start3A_351 = arith.constant 0 : i32
          %dma_start3A_352 = tpu.memref_slice %arg14[%dma_start3A_348, %dma_start3A_350, %dma_start3A_351] : memref<2x40x128xf32, #tpu.memory_space<vmem>> -> memref<1x40x128xf32, #tpu.memory_space<vmem>>
          %dma_start3A_353 = tpu.memref_squeeze %dma_start3A_352 : memref<1x40x128xf32, #tpu.memory_space<vmem>> -> memref<40x128xf32, #tpu.memory_space<vmem>>
          %dma_start3A_354 = arith.constant 0 : i32
          %dma_start3A_355 = tpu.memref_slice %arg4[%add3A_347, %dma_start3A_354] : memref<320000x128xf32, #tpu.memory_space<hbm>> -> memref<40x128xf32, #tpu.memory_space<hbm>>
          %dma_start3A_356 = tpu.memref_slice %arg19[%dma_start3A_349] : memref<2x!tpu.dma_semaphore, #tpu.memory_space<semaphore_mem>> -> memref<1x!tpu.dma_semaphore, #tpu.memory_space<semaphore_mem>>
          %dma_start3A_357 = tpu.memref_squeeze %dma_start3A_356 : memref<1x!tpu.dma_semaphore, #tpu.memory_space<semaphore_mem>> -> memref<!tpu.dma_semaphore, #tpu.memory_space<semaphore_mem>>
          %dma_start3A_358 = arith.constant 0 : i32
          %dma_start3A_359 = arith.constant 0 : i32
          %dma_start3A_360 = tpu.memref_slice %arg14[%dma_start3A_348, %dma_start3A_358, %dma_start3A_359] : memref<2x40x128xf32, #tpu.memory_space<vmem>> -> memref<1x40x128xf32, #tpu.memory_space<vmem>>
          %dma_start3A_361 = tpu.memref_squeeze %dma_start3A_360 : memref<1x40x128xf32, #tpu.memory_space<vmem>> -> memref<40x128xf32, #tpu.memory_space<vmem>>
          %dma_start3A_362 = arith.constant 0 : i32
          %dma_start3A_363 = tpu.memref_slice %arg4[%add3A_347, %dma_start3A_362] : memref<320000x128xf32, #tpu.memory_space<hbm>> -> memref<40x128xf32, #tpu.memory_space<hbm>>
          tpu.enqueue_dma source(%dma_start3A_363 : memref<40x128xf32, #tpu.memory_space<hbm>>) target(%dma_start3A_361 : memref<40x128xf32, #tpu.memory_space<vmem>>) target_semaphore(%dma_start3A_357 : memref<!tpu.dma_semaphore, #tpu.memory_space<semaphore_mem>>)
        } else {
        }
        %mul3A_234 = arith.constant 40 : i32
        %mul3A_235 = arith.muli %add3A_181, %mul3A_234 : i32
        %dma_start3A_236 = arith.constant 0 : i32
        %dma_start3A_237 = arith.constant 0 : i32
        %dma_start3A_238 = arith.constant 0 : i32
        %dma_start3A_239 = arith.constant 0 : i32
        %dma_start3A_240 = tpu.memref_slice %arg15[%dma_start3A_236, %dma_start3A_238, %dma_start3A_239] : memref<2x40x128xf32, #tpu.memory_space<vmem>> -> memref<1x40x128xf32, #tpu.memory_space<vmem>>
        %dma_start3A_241 = tpu.memref_squeeze %dma_start3A_240 : memref<1x40x128xf32, #tpu.memory_space<vmem>> -> memref<40x128xf32, #tpu.memory_space<vmem>>
        %dma_start3A_242 = tpu.memref_slice %arg12[%mul3A_235] : memref<2000xi32, #tpu.memory_space<vmem>> -> memref<40xi32, #tpu.memory_space<vmem>>
        %dma_start3A_243 = arith.constant 0 : i32
        %dma_start3A_244 = arith.constant 0 : i32
        %dma_start3A_245 = tpu.memref_slice %arg10[%dma_start3A_243, %dma_start3A_244] : memref<10000x128xf32, #tpu.memory_space<vmem_shared>> -> memref<10000x128xf32, #tpu.memory_space<vmem_shared>>
        %dma_start3A_246 = tpu.memref_slice %arg20[%dma_start3A_237] : memref<2x!tpu.dma_semaphore, #tpu.memory_space<semaphore_mem>> -> memref<1x!tpu.dma_semaphore, #tpu.memory_space<semaphore_mem>>
        %dma_start3A_247 = tpu.memref_squeeze %dma_start3A_246 : memref<1x!tpu.dma_semaphore, #tpu.memory_space<semaphore_mem>> -> memref<!tpu.dma_semaphore, #tpu.memory_space<semaphore_mem>>
        tpu.enqueue_indirect_dma source(%dma_start3A_241 : memref<40x128xf32, #tpu.memory_space<vmem>>) target(%dma_start3A_245 : memref<10000x128xf32, #tpu.memory_space<vmem_shared>>) offsets(%dma_start3A_242 : memref<40xi32, #tpu.memory_space<vmem>>) semaphore(%dma_start3A_247 : memref<!tpu.dma_semaphore, #tpu.memory_space<semaphore_mem>>) {add = true}
        %mul3A_248 = arith.constant 2 : i32
        %mul3A_249 = arith.muli %scan3A_177, %mul3A_248 : i32
        %add3A_250 = arith.constant 1 : i32
        %add3A_251 = arith.addi %mul3A_249, %add3A_250 : i32
        %mul3A_252 = arith.constant 40 : i32
        %mul3A_253 = arith.muli %add3A_251, %mul3A_252 : i32
        %dma_wait3A_254 = arith.constant 1 : i32
        %dma_wait3A_255 = arith.constant 1 : i32
        %dma_wait3A_256 = arith.constant 0 : i32
        %dma_wait3A_257 = arith.constant 0 : i32
        %dma_wait3A_258 = tpu.memref_slice %arg13[%dma_wait3A_254, %dma_wait3A_256, %dma_wait3A_257] : memref<2x40x128xf32, #tpu.memory_space<vmem>> -> memref<1x40x128xf32, #tpu.memory_space<vmem>>
        %dma_wait3A_259 = tpu.memref_squeeze %dma_wait3A_258 : memref<1x40x128xf32, #tpu.memory_space<vmem>> -> memref<40x128xf32, #tpu.memory_space<vmem>>
        %dma_wait3A_260 = tpu.memref_slice %arg11[%mul3A_253] : memref<2000xi32, #tpu.memory_space<vmem>> -> memref<40xi32, #tpu.memory_space<vmem>>
        %dma_wait3A_261 = arith.constant 0 : i32
        %dma_wait3A_262 = arith.constant 0 : i32
        %dma_wait3A_263 = tpu.memref_slice %arg5[%dma_wait3A_261, %dma_wait3A_262] : memref<10000x128xf32, #tpu.memory_space<hbm>> -> memref<10000x128xf32, #tpu.memory_space<hbm>>
        %dma_wait3A_264 = tpu.memref_slice %arg18[%dma_wait3A_255] : memref<2x!tpu.dma_semaphore, #tpu.memory_space<semaphore_mem>> -> memref<1x!tpu.dma_semaphore, #tpu.memory_space<semaphore_mem>>
        %dma_wait3A_265 = tpu.memref_squeeze %dma_wait3A_264 : memref<1x!tpu.dma_semaphore, #tpu.memory_space<semaphore_mem>> -> memref<!tpu.dma_semaphore, #tpu.memory_space<semaphore_mem>>
        tpu.wait_indirect_dma semaphore(%dma_wait3A_265 : memref<!tpu.dma_semaphore, #tpu.memory_space<semaphore_mem>>) src(%dma_wait3A_263 : memref<10000x128xf32, #tpu.memory_space<hbm>>) dst(%dma_wait3A_259 : memref<40x128xf32, #tpu.memory_space<vmem>>)
        %mul3A_266 = arith.constant 10000 : i32
        %mul3A_267 = arith.muli %add3A, %mul3A_266 : i32
        %mul3A_268 = arith.constant 50 : i32
        %mul3A_269 = arith.muli %scan3A_56, %mul3A_268 : i32
        %add3A_270 = arith.addi %mul3A_269, %add3A_251 : i32
        %mul3A_271 = arith.constant 40 : i32
        %mul3A_272 = arith.muli %add3A_270, %mul3A_271 : i32
        %add3A_273 = arith.addi %mul3A_267, %mul3A_272 : i32
        %dma_wait3A_274 = arith.constant 1 : i32
        %dma_wait3A_275 = arith.constant 1 : i32
        %dma_wait3A_276 = arith.constant 0 : i32
        %dma_wait3A_277 = arith.constant 0 : i32
        %dma_wait3A_278 = tpu.memref_slice %arg14[%dma_wait3A_274, %dma_wait3A_276, %dma_wait3A_277] : memref<2x40x128xf32, #tpu.memory_space<vmem>> -> memref<1x40x128xf32, #tpu.memory_space<vmem>>
        %dma_wait3A_279 = tpu.memref_squeeze %dma_wait3A_278 : memref<1x40x128xf32, #tpu.memory_space<vmem>> -> memref<40x128xf32, #tpu.memory_space<vmem>>
        %dma_wait3A_280 = arith.constant 0 : i32
        %dma_wait3A_281 = tpu.memref_slice %arg4[%add3A_273, %dma_wait3A_280] : memref<320000x128xf32, #tpu.memory_space<hbm>> -> memref<40x128xf32, #tpu.memory_space<hbm>>
        %dma_wait3A_282 = tpu.memref_slice %arg19[%dma_wait3A_275] : memref<2x!tpu.dma_semaphore, #tpu.memory_space<semaphore_mem>> -> memref<1x!tpu.dma_semaphore, #tpu.memory_space<semaphore_mem>>
        %dma_wait3A_283 = tpu.memref_squeeze %dma_wait3A_282 : memref<1x!tpu.dma_semaphore, #tpu.memory_space<semaphore_mem>> -> memref<!tpu.dma_semaphore, #tpu.memory_space<semaphore_mem>>
        %dma_wait3A_284 = arith.constant 0 : i32
        %dma_wait3A_285 = arith.constant 0 : i32
        %dma_wait3A_286 = tpu.memref_slice %arg14[%dma_wait3A_274, %dma_wait3A_284, %dma_wait3A_285] : memref<2x40x128xf32, #tpu.memory_space<vmem>> -> memref<1x40x128xf32, #tpu.memory_space<vmem>>
        %dma_wait3A_287 = tpu.memref_squeeze %dma_wait3A_286 : memref<1x40x128xf32, #tpu.memory_space<vmem>> -> memref<40x128xf32, #tpu.memory_space<vmem>>
        %dma_wait3A_288 = arith.constant 0 : i32
        %dma_wait3A_289 = tpu.memref_slice %arg4[%add3A_273, %dma_wait3A_288] : memref<320000x128xf32, #tpu.memory_space<hbm>> -> memref<40x128xf32, #tpu.memory_space<hbm>>
        tpu.wait_dma2 semaphore(%dma_wait3A_283 : memref<!tpu.dma_semaphore, #tpu.memory_space<semaphore_mem>>) src(%dma_wait3A_289 : memref<40x128xf32, #tpu.memory_space<hbm>>) dst(%dma_wait3A_287 : memref<40x128xf32, #tpu.memory_space<vmem>>)
        %ge3A_290 = arith.constant 2 : i32
        %ge3A_291 = arith.cmpi sge, %add3A_251, %ge3A_290 : i32
        %convert_element_type3A_292 = arith.extui %ge3A_291 : i1 to i32
        %cond3A_293 = arith.constant 0 : i32
        %cond3A_294 = arith.cmpi ne, %convert_element_type3A_292, %cond3A_293 : i32
        scf.if %cond3A_294 {
          %mul3A_322 = arith.constant 40 : i32
          %mul3A_323 = arith.muli %add3A_251, %mul3A_322 : i32
          %dma_wait3A_324 = arith.constant 1 : i32
          %dma_wait3A_325 = arith.constant 1 : i32
          %dma_wait3A_326 = arith.constant 0 : i32
          %dma_wait3A_327 = arith.constant 0 : i32
          %dma_wait3A_328 = tpu.memref_slice %arg15[%dma_wait3A_324, %dma_wait3A_326, %dma_wait3A_327] : memref<2x40x128xf32, #tpu.memory_space<vmem>> -> memref<1x40x128xf32, #tpu.memory_space<vmem>>
          %dma_wait3A_329 = tpu.memref_squeeze %dma_wait3A_328 : memref<1x40x128xf32, #tpu.memory_space<vmem>> -> memref<40x128xf32, #tpu.memory_space<vmem>>
          %dma_wait3A_330 = tpu.memref_slice %arg12[%mul3A_323] : memref<2000xi32, #tpu.memory_space<vmem>> -> memref<40xi32, #tpu.memory_space<vmem>>
          %dma_wait3A_331 = arith.constant 0 : i32
          %dma_wait3A_332 = arith.constant 0 : i32
          %dma_wait3A_333 = tpu.memref_slice %arg10[%dma_wait3A_331, %dma_wait3A_332] : memref<10000x128xf32, #tpu.memory_space<vmem_shared>> -> memref<10000x128xf32, #tpu.memory_space<vmem_shared>>
          %dma_wait3A_334 = tpu.memref_slice %arg20[%dma_wait3A_325] : memref<2x!tpu.dma_semaphore, #tpu.memory_space<semaphore_mem>> -> memref<1x!tpu.dma_semaphore, #tpu.memory_space<semaphore_mem>>
          %dma_wait3A_335 = tpu.memref_squeeze %dma_wait3A_334 : memref<1x!tpu.dma_semaphore, #tpu.memory_space<semaphore_mem>> -> memref<!tpu.dma_semaphore, #tpu.memory_space<semaphore_mem>>
          tpu.wait_indirect_dma semaphore(%dma_wait3A_335 : memref<!tpu.dma_semaphore, #tpu.memory_space<semaphore_mem>>) src(%dma_wait3A_329 : memref<40x128xf32, #tpu.memory_space<vmem>>) dst(%dma_wait3A_333 : memref<10000x128xf32, #tpu.memory_space<vmem_shared>>)
        } else {
        }
        %scan3A_295 = arith.constant 0 : i32
        %scan3A_296 = arith.constant 0 : i32
        %scan3A_297 = arith.constant 40 : i32
        %scan3A_298 = arith.addi %scan3A_296, %scan3A_297 : i32
        %scan3A_299 = arith.constant 1 : i32
        scf.for %scan3A_322 = %scan3A_296 to %scan3A_298 step %scan3A_299  : i32 {
          %get3A_323 = arith.constant 1 : i32
          %get3A_324 = arith.index_cast %get3A_323 : i32 to index
          %get3A_325 = arith.index_cast %scan3A_322 : i32 to index
          %get3A_326 = arith.constant 0 : index
          %get3A_327 = tpu.vector_load %arg13[%get3A_324, %get3A_325, %get3A_326] {strides = array<i32>} : memref<2x40x128xf32, #tpu.memory_space<vmem>>, vector<1x1x16xf32>,
          %get3A_328 = vector.shape_cast %get3A_327 : vector<1x1x16xf32> to vector<16xf32>
          %get3A_329 = arith.constant 1 : i32
          %get3A_330 = arith.index_cast %get3A_329 : i32 to index
          %get3A_331 = arith.index_cast %scan3A_322 : i32 to index
          %get3A_332 = arith.constant 0 : index
          %get3A_333 = tpu.vector_load %arg14[%get3A_330, %get3A_331, %get3A_332] {strides = array<i32>} : memref<2x40x128xf32, #tpu.memory_space<vmem>>, vector<1x1x16xf32>,
          %get3A_334 = vector.shape_cast %get3A_333 : vector<1x1x16xf32> to vector<16xf32>
          %add3A_335 = arith.addf %get3A_328, %get3A_334 : vector<16xf32>
          %mul3A_336 = arith.mulf %add3A_335, %get3A_4 : vector<16xf32>
          %add3A_337 = arith.addf %mul3A_336, %get3A_28 : vector<16xf32>
          %max3A = arith.constant 0.000000e+00 : f32
          %max3A_338 = vector.broadcast %max3A : f32 to vector<16xf32>
          %max3A_339 = arith.maximumf %add3A_337, %max3A_338 : vector<16xf32>
          %swap3A = arith.constant 1 : i32
          %swap3A_340 = arith.index_cast %swap3A : i32 to index
          %swap3A_341 = arith.index_cast %scan3A_322 : i32 to index
          %swap3A_342 = arith.constant 0 : index
          %swap3A_343 = tpu.vector_load %arg15[%swap3A_340, %swap3A_341, %swap3A_342] {strides = array<i32>} : memref<2x40x128xf32, #tpu.memory_space<vmem>>, vector<1x1x16xf32>,
          %swap3A_344 = vector.shape_cast %swap3A_343 : vector<1x1x16xf32> to vector<16xf32>
          %swap3A_345 = vector.shape_cast %max3A_339 : vector<16xf32> to vector<1x1x16xf32>
          tpu.vector_store %arg15[%swap3A_340, %swap3A_341, %swap3A_342], %swap3A_345 {strides = array<i32>} : memref<2x40x128xf32, #tpu.memory_space<vmem>>, vector<1x1x16xf32>,
          %get3A_346 = arith.constant 1 : i32
          %get3A_347 = arith.index_cast %get3A_346 : i32 to index
          %get3A_348 = arith.index_cast %scan3A_322 : i32 to index
          %get3A_349 = arith.constant 16 : index
          %get3A_350 = tpu.vector_load %arg13[%get3A_347, %get3A_348, %get3A_349] {strides = array<i32>} : memref<2x40x128xf32, #tpu.memory_space<vmem>>, vector<1x1x16xf32>,
          %get3A_351 = vector.shape_cast %get3A_350 : vector<1x1x16xf32> to vector<16xf32>
          %get3A_352 = arith.constant 1 : i32
          %get3A_353 = arith.index_cast %get3A_352 : i32 to index
          %get3A_354 = arith.index_cast %scan3A_322 : i32 to index
          %get3A_355 = arith.constant 16 : index
          %get3A_356 = tpu.vector_load %arg14[%get3A_353, %get3A_354, %get3A_355] {strides = array<i32>} : memref<2x40x128xf32, #tpu.memory_space<vmem>>, vector<1x1x16xf32>,
          %get3A_357 = vector.shape_cast %get3A_356 : vector<1x1x16xf32> to vector<16xf32>
          %add3A_358 = arith.addf %get3A_351, %get3A_357 : vector<16xf32>
          %mul3A_359 = arith.mulf %add3A_358, %get3A_7 : vector<16xf32>
          %add3A_360 = arith.addf %mul3A_359, %get3A_31 : vector<16xf32>
          %max3A_361 = arith.constant 0.000000e+00 : f32
          %max3A_362 = vector.broadcast %max3A_361 : f32 to vector<16xf32>
          %max3A_363 = arith.maximumf %add3A_360, %max3A_362 : vector<16xf32>
          %swap3A_364 = arith.constant 1 : i32
          %swap3A_365 = arith.index_cast %swap3A_364 : i32 to index
          %swap3A_366 = arith.index_cast %scan3A_322 : i32 to index
          %swap3A_367 = arith.constant 16 : index
          %swap3A_368 = tpu.vector_load %arg15[%swap3A_365, %swap3A_366, %swap3A_367] {strides = array<i32>} : memref<2x40x128xf32, #tpu.memory_space<vmem>>, vector<1x1x16xf32>,
          %swap3A_369 = vector.shape_cast %swap3A_368 : vector<1x1x16xf32> to vector<16xf32>
          %swap3A_370 = vector.shape_cast %max3A_363 : vector<16xf32> to vector<1x1x16xf32>
          tpu.vector_store %arg15[%swap3A_365, %swap3A_366, %swap3A_367], %swap3A_370 {strides = array<i32>} : memref<2x40x128xf32, #tpu.memory_space<vmem>>, vector<1x1x16xf32>,
          %get3A_371 = arith.constant 1 : i32
          %get3A_372 = arith.index_cast %get3A_371 : i32 to index
          %get3A_373 = arith.index_cast %scan3A_322 : i32 to index
          %get3A_374 = arith.constant 32 : index
          %get3A_375 = tpu.vector_load %arg13[%get3A_372, %get3A_373, %get3A_374] {strides = array<i32>} : memref<2x40x128xf32, #tpu.memory_space<vmem>>, vector<1x1x16xf32>,
          %get3A_376 = vector.shape_cast %get3A_375 : vector<1x1x16xf32> to vector<16xf32>
          %get3A_377 = arith.constant 1 : i32
          %get3A_378 = arith.index_cast %get3A_377 : i32 to index
          %get3A_379 = arith.index_cast %scan3A_322 : i32 to index
          %get3A_380 = arith.constant 32 : index
          %get3A_381 = tpu.vector_load %arg14[%get3A_378, %get3A_379, %get3A_380] {strides = array<i32>} : memref<2x40x128xf32, #tpu.memory_space<vmem>>, vector<1x1x16xf32>,
          %get3A_382 = vector.shape_cast %get3A_381 : vector<1x1x16xf32> to vector<16xf32>
          %add3A_383 = arith.addf %get3A_376, %get3A_382 : vector<16xf32>
          %mul3A_384 = arith.mulf %add3A_383, %get3A_10 : vector<16xf32>
          %add3A_385 = arith.addf %mul3A_384, %get3A_34 : vector<16xf32>
          %max3A_386 = arith.constant 0.000000e+00 : f32
          %max3A_387 = vector.broadcast %max3A_386 : f32 to vector<16xf32>
          %max3A_388 = arith.maximumf %add3A_385, %max3A_387 : vector<16xf32>
          %swap3A_389 = arith.constant 1 : i32
          %swap3A_390 = arith.index_cast %swap3A_389 : i32 to index
          %swap3A_391 = arith.index_cast %scan3A_322 : i32 to index
          %swap3A_392 = arith.constant 32 : index
          %swap3A_393 = tpu.vector_load %arg15[%swap3A_390, %swap3A_391, %swap3A_392] {strides = array<i32>} : memref<2x40x128xf32, #tpu.memory_space<vmem>>, vector<1x1x16xf32>,
          %swap3A_394 = vector.shape_cast %swap3A_393 : vector<1x1x16xf32> to vector<16xf32>
          %swap3A_395 = vector.shape_cast %max3A_388 : vector<16xf32> to vector<1x1x16xf32>
          tpu.vector_store %arg15[%swap3A_390, %swap3A_391, %swap3A_392], %swap3A_395 {strides = array<i32>} : memref<2x40x128xf32, #tpu.memory_space<vmem>>, vector<1x1x16xf32>,
          %get3A_396 = arith.constant 1 : i32
          %get3A_397 = arith.index_cast %get3A_396 : i32 to index
          %get3A_398 = arith.index_cast %scan3A_322 : i32 to index
          %get3A_399 = arith.constant 48 : index
          %get3A_400 = tpu.vector_load %arg13[%get3A_397, %get3A_398, %get3A_399] {strides = array<i32>} : memref<2x40x128xf32, #tpu.memory_space<vmem>>, vector<1x1x16xf32>,
          %get3A_401 = vector.shape_cast %get3A_400 : vector<1x1x16xf32> to vector<16xf32>
          %get3A_402 = arith.constant 1 : i32
          %get3A_403 = arith.index_cast %get3A_402 : i32 to index
          %get3A_404 = arith.index_cast %scan3A_322 : i32 to index
          %get3A_405 = arith.constant 48 : index
          %get3A_406 = tpu.vector_load %arg14[%get3A_403, %get3A_404, %get3A_405] {strides = array<i32>} : memref<2x40x128xf32, #tpu.memory_space<vmem>>, vector<1x1x16xf32>,
          %get3A_407 = vector.shape_cast %get3A_406 : vector<1x1x16xf32> to vector<16xf32>
          %add3A_408 = arith.addf %get3A_401, %get3A_407 : vector<16xf32>
          %mul3A_409 = arith.mulf %add3A_408, %get3A_13 : vector<16xf32>
          %add3A_410 = arith.addf %mul3A_409, %get3A_37 : vector<16xf32>
          %max3A_411 = arith.constant 0.000000e+00 : f32
          %max3A_412 = vector.broadcast %max3A_411 : f32 to vector<16xf32>
          %max3A_413 = arith.maximumf %add3A_410, %max3A_412 : vector<16xf32>
          %swap3A_414 = arith.constant 1 : i32
          %swap3A_415 = arith.index_cast %swap3A_414 : i32 to index
          %swap3A_416 = arith.index_cast %scan3A_322 : i32 to index
          %swap3A_417 = arith.constant 48 : index
          %swap3A_418 = tpu.vector_load %arg15[%swap3A_415, %swap3A_416, %swap3A_417] {strides = array<i32>} : memref<2x40x128xf32, #tpu.memory_space<vmem>>, vector<1x1x16xf32>,
          %swap3A_419 = vector.shape_cast %swap3A_418 : vector<1x1x16xf32> to vector<16xf32>
          %swap3A_420 = vector.shape_cast %max3A_413 : vector<16xf32> to vector<1x1x16xf32>
          tpu.vector_store %arg15[%swap3A_415, %swap3A_416, %swap3A_417], %swap3A_420 {strides = array<i32>} : memref<2x40x128xf32, #tpu.memory_space<vmem>>, vector<1x1x16xf32>,
          %get3A_421 = arith.constant 1 : i32
          %get3A_422 = arith.index_cast %get3A_421 : i32 to index
          %get3A_423 = arith.index_cast %scan3A_322 : i32 to index
          %get3A_424 = arith.constant 64 : index
          %get3A_425 = tpu.vector_load %arg13[%get3A_422, %get3A_423, %get3A_424] {strides = array<i32>} : memref<2x40x128xf32, #tpu.memory_space<vmem>>, vector<1x1x16xf32>,
          %get3A_426 = vector.shape_cast %get3A_425 : vector<1x1x16xf32> to vector<16xf32>
          %get3A_427 = arith.constant 1 : i32
          %get3A_428 = arith.index_cast %get3A_427 : i32 to index
          %get3A_429 = arith.index_cast %scan3A_322 : i32 to index
          %get3A_430 = arith.constant 64 : index
          %get3A_431 = tpu.vector_load %arg14[%get3A_428, %get3A_429, %get3A_430] {strides = array<i32>} : memref<2x40x128xf32, #tpu.memory_space<vmem>>, vector<1x1x16xf32>,
          %get3A_432 = vector.shape_cast %get3A_431 : vector<1x1x16xf32> to vector<16xf32>
          %add3A_433 = arith.addf %get3A_426, %get3A_432 : vector<16xf32>
          %mul3A_434 = arith.mulf %add3A_433, %get3A_16 : vector<16xf32>
          %add3A_435 = arith.addf %mul3A_434, %get3A_40 : vector<16xf32>
          %max3A_436 = arith.constant 0.000000e+00 : f32
          %max3A_437 = vector.broadcast %max3A_436 : f32 to vector<16xf32>
          %max3A_438 = arith.maximumf %add3A_435, %max3A_437 : vector<16xf32>
          %swap3A_439 = arith.constant 1 : i32
          %swap3A_440 = arith.index_cast %swap3A_439 : i32 to index
          %swap3A_441 = arith.index_cast %scan3A_322 : i32 to index
          %swap3A_442 = arith.constant 64 : index
          %swap3A_443 = tpu.vector_load %arg15[%swap3A_440, %swap3A_441, %swap3A_442] {strides = array<i32>} : memref<2x40x128xf32, #tpu.memory_space<vmem>>, vector<1x1x16xf32>,
          %swap3A_444 = vector.shape_cast %swap3A_443 : vector<1x1x16xf32> to vector<16xf32>
          %swap3A_445 = vector.shape_cast %max3A_438 : vector<16xf32> to vector<1x1x16xf32>
          tpu.vector_store %arg15[%swap3A_440, %swap3A_441, %swap3A_442], %swap3A_445 {strides = array<i32>} : memref<2x40x128xf32, #tpu.memory_space<vmem>>, vector<1x1x16xf32>,
          %get3A_446 = arith.constant 1 : i32
          %get3A_447 = arith.index_cast %get3A_446 : i32 to index
          %get3A_448 = arith.index_cast %scan3A_322 : i32 to index
          %get3A_449 = arith.constant 80 : index
          %get3A_450 = tpu.vector_load %arg13[%get3A_447, %get3A_448, %get3A_449] {strides = array<i32>} : memref<2x40x128xf32, #tpu.memory_space<vmem>>, vector<1x1x16xf32>,
          %get3A_451 = vector.shape_cast %get3A_450 : vector<1x1x16xf32> to vector<16xf32>
          %get3A_452 = arith.constant 1 : i32
          %get3A_453 = arith.index_cast %get3A_452 : i32 to index
          %get3A_454 = arith.index_cast %scan3A_322 : i32 to index
          %get3A_455 = arith.constant 80 : index
          %get3A_456 = tpu.vector_load %arg14[%get3A_453, %get3A_454, %get3A_455] {strides = array<i32>} : memref<2x40x128xf32, #tpu.memory_space<vmem>>, vector<1x1x16xf32>,
          %get3A_457 = vector.shape_cast %get3A_456 : vector<1x1x16xf32> to vector<16xf32>
          %add3A_458 = arith.addf %get3A_451, %get3A_457 : vector<16xf32>
          %mul3A_459 = arith.mulf %add3A_458, %get3A_19 : vector<16xf32>
          %add3A_460 = arith.addf %mul3A_459, %get3A_43 : vector<16xf32>
          %max3A_461 = arith.constant 0.000000e+00 : f32
          %max3A_462 = vector.broadcast %max3A_461 : f32 to vector<16xf32>
          %max3A_463 = arith.maximumf %add3A_460, %max3A_462 : vector<16xf32>
          %swap3A_464 = arith.constant 1 : i32
          %swap3A_465 = arith.index_cast %swap3A_464 : i32 to index
          %swap3A_466 = arith.index_cast %scan3A_322 : i32 to index
          %swap3A_467 = arith.constant 80 : index
          %swap3A_468 = tpu.vector_load %arg15[%swap3A_465, %swap3A_466, %swap3A_467] {strides = array<i32>} : memref<2x40x128xf32, #tpu.memory_space<vmem>>, vector<1x1x16xf32>,
          %swap3A_469 = vector.shape_cast %swap3A_468 : vector<1x1x16xf32> to vector<16xf32>
          %swap3A_470 = vector.shape_cast %max3A_463 : vector<16xf32> to vector<1x1x16xf32>
          tpu.vector_store %arg15[%swap3A_465, %swap3A_466, %swap3A_467], %swap3A_470 {strides = array<i32>} : memref<2x40x128xf32, #tpu.memory_space<vmem>>, vector<1x1x16xf32>,
          %get3A_471 = arith.constant 1 : i32
          %get3A_472 = arith.index_cast %get3A_471 : i32 to index
          %get3A_473 = arith.index_cast %scan3A_322 : i32 to index
          %get3A_474 = arith.constant 96 : index
          %get3A_475 = tpu.vector_load %arg13[%get3A_472, %get3A_473, %get3A_474] {strides = array<i32>} : memref<2x40x128xf32, #tpu.memory_space<vmem>>, vector<1x1x16xf32>,
          %get3A_476 = vector.shape_cast %get3A_475 : vector<1x1x16xf32> to vector<16xf32>
          %get3A_477 = arith.constant 1 : i32
          %get3A_478 = arith.index_cast %get3A_477 : i32 to index
          %get3A_479 = arith.index_cast %scan3A_322 : i32 to index
          %get3A_480 = arith.constant 96 : index
          %get3A_481 = tpu.vector_load %arg14[%get3A_478, %get3A_479, %get3A_480] {strides = array<i32>} : memref<2x40x128xf32, #tpu.memory_space<vmem>>, vector<1x1x16xf32>,
          %get3A_482 = vector.shape_cast %get3A_481 : vector<1x1x16xf32> to vector<16xf32>
          %add3A_483 = arith.addf %get3A_476, %get3A_482 : vector<16xf32>
          %mul3A_484 = arith.mulf %add3A_483, %get3A_22 : vector<16xf32>
          %add3A_485 = arith.addf %mul3A_484, %get3A_46 : vector<16xf32>
          %max3A_486 = arith.constant 0.000000e+00 : f32
          %max3A_487 = vector.broadcast %max3A_486 : f32 to vector<16xf32>
          %max3A_488 = arith.maximumf %add3A_485, %max3A_487 : vector<16xf32>
          %swap3A_489 = arith.constant 1 : i32
          %swap3A_490 = arith.index_cast %swap3A_489 : i32 to index
          %swap3A_491 = arith.index_cast %scan3A_322 : i32 to index
          %swap3A_492 = arith.constant 96 : index
          %swap3A_493 = tpu.vector_load %arg15[%swap3A_490, %swap3A_491, %swap3A_492] {strides = array<i32>} : memref<2x40x128xf32, #tpu.memory_space<vmem>>, vector<1x1x16xf32>,
          %swap3A_494 = vector.shape_cast %swap3A_493 : vector<1x1x16xf32> to vector<16xf32>
          %swap3A_495 = vector.shape_cast %max3A_488 : vector<16xf32> to vector<1x1x16xf32>
          tpu.vector_store %arg15[%swap3A_490, %swap3A_491, %swap3A_492], %swap3A_495 {strides = array<i32>} : memref<2x40x128xf32, #tpu.memory_space<vmem>>, vector<1x1x16xf32>,
          %get3A_496 = arith.constant 1 : i32
          %get3A_497 = arith.index_cast %get3A_496 : i32 to index
          %get3A_498 = arith.index_cast %scan3A_322 : i32 to index
          %get3A_499 = arith.constant 112 : index
          %get3A_500 = tpu.vector_load %arg13[%get3A_497, %get3A_498, %get3A_499] {strides = array<i32>} : memref<2x40x128xf32, #tpu.memory_space<vmem>>, vector<1x1x16xf32>,
          %get3A_501 = vector.shape_cast %get3A_500 : vector<1x1x16xf32> to vector<16xf32>
          %get3A_502 = arith.constant 1 : i32
          %get3A_503 = arith.index_cast %get3A_502 : i32 to index
          %get3A_504 = arith.index_cast %scan3A_322 : i32 to index
          %get3A_505 = arith.constant 112 : index
          %get3A_506 = tpu.vector_load %arg14[%get3A_503, %get3A_504, %get3A_505] {strides = array<i32>} : memref<2x40x128xf32, #tpu.memory_space<vmem>>, vector<1x1x16xf32>,
          %get3A_507 = vector.shape_cast %get3A_506 : vector<1x1x16xf32> to vector<16xf32>
          %add3A_508 = arith.addf %get3A_501, %get3A_507 : vector<16xf32>
          %mul3A_509 = arith.mulf %add3A_508, %get3A_25 : vector<16xf32>
          %add3A_510 = arith.addf %mul3A_509, %get3A_49 : vector<16xf32>
          %max3A_511 = arith.constant 0.000000e+00 : f32
          %max3A_512 = vector.broadcast %max3A_511 : f32 to vector<16xf32>
          %max3A_513 = arith.maximumf %add3A_510, %max3A_512 : vector<16xf32>
          %swap3A_514 = arith.constant 1 : i32
          %swap3A_515 = arith.index_cast %swap3A_514 : i32 to index
          %swap3A_516 = arith.index_cast %scan3A_322 : i32 to index
          %swap3A_517 = arith.constant 112 : index
          %swap3A_518 = tpu.vector_load %arg15[%swap3A_515, %swap3A_516, %swap3A_517] {strides = array<i32>} : memref<2x40x128xf32, #tpu.memory_space<vmem>>, vector<1x1x16xf32>,
          %swap3A_519 = vector.shape_cast %swap3A_518 : vector<1x1x16xf32> to vector<16xf32>
          %swap3A_520 = vector.shape_cast %max3A_513 : vector<16xf32> to vector<1x1x16xf32>
          tpu.vector_store %arg15[%swap3A_515, %swap3A_516, %swap3A_517], %swap3A_520 {strides = array<i32>} : memref<2x40x128xf32, #tpu.memory_space<vmem>>, vector<1x1x16xf32>,
        }
        %scan3A_300 = arith.constant 40 : i32
        %add3A_301 = arith.constant 2 : i32
        %add3A_302 = arith.addi %add3A_251, %add3A_301 : i32
        %lt3A_303 = arith.constant 50 : i32
        %lt3A_304 = arith.cmpi slt, %add3A_302, %lt3A_303 : i32
        %convert_element_type3A_305 = arith.extui %lt3A_304 : i1 to i32
        %cond3A_306 = arith.constant 0 : i32
        %cond3A_307 = arith.cmpi ne, %convert_element_type3A_305, %cond3A_306 : i32
        scf.if %cond3A_307 {
          %add3A_322 = arith.constant 2 : i32
          %add3A_323 = arith.addi %add3A_251, %add3A_322 : i32
          %mul3A_324 = arith.constant 40 : i32
          %mul3A_325 = arith.muli %add3A_323, %mul3A_324 : i32
          %dma_start3A_326 = arith.constant 1 : i32
          %dma_start3A_327 = arith.constant 1 : i32
          %dma_start3A_328 = arith.constant 0 : i32
          %dma_start3A_329 = arith.constant 0 : i32
          %dma_start3A_330 = tpu.memref_slice %arg13[%dma_start3A_326, %dma_start3A_328, %dma_start3A_329] : memref<2x40x128xf32, #tpu.memory_space<vmem>> -> memref<1x40x128xf32, #tpu.memory_space<vmem>>
          %dma_start3A_331 = tpu.memref_squeeze %dma_start3A_330 : memref<1x40x128xf32, #tpu.memory_space<vmem>> -> memref<40x128xf32, #tpu.memory_space<vmem>>
          %dma_start3A_332 = tpu.memref_slice %arg11[%mul3A_325] : memref<2000xi32, #tpu.memory_space<vmem>> -> memref<40xi32, #tpu.memory_space<vmem>>
          %dma_start3A_333 = arith.constant 0 : i32
          %dma_start3A_334 = arith.constant 0 : i32
          %dma_start3A_335 = tpu.memref_slice %arg5[%dma_start3A_333, %dma_start3A_334] : memref<10000x128xf32, #tpu.memory_space<hbm>> -> memref<10000x128xf32, #tpu.memory_space<hbm>>
          %dma_start3A_336 = tpu.memref_slice %arg18[%dma_start3A_327] : memref<2x!tpu.dma_semaphore, #tpu.memory_space<semaphore_mem>> -> memref<1x!tpu.dma_semaphore, #tpu.memory_space<semaphore_mem>>
          %dma_start3A_337 = tpu.memref_squeeze %dma_start3A_336 : memref<1x!tpu.dma_semaphore, #tpu.memory_space<semaphore_mem>> -> memref<!tpu.dma_semaphore, #tpu.memory_space<semaphore_mem>>
          tpu.enqueue_indirect_dma source(%dma_start3A_335 : memref<10000x128xf32, #tpu.memory_space<hbm>>) target(%dma_start3A_331 : memref<40x128xf32, #tpu.memory_space<vmem>>) offsets(%dma_start3A_332 : memref<40xi32, #tpu.memory_space<vmem>>) semaphore(%dma_start3A_337 : memref<!tpu.dma_semaphore, #tpu.memory_space<semaphore_mem>>)
          %add3A_338 = arith.constant 2 : i32
          %add3A_339 = arith.addi %add3A_251, %add3A_338 : i32
          %mul3A_340 = arith.constant 10000 : i32
          %mul3A_341 = arith.muli %add3A, %mul3A_340 : i32
          %mul3A_342 = arith.constant 50 : i32
          %mul3A_343 = arith.muli %scan3A_56, %mul3A_342 : i32
          %add3A_344 = arith.addi %mul3A_343, %add3A_339 : i32
          %mul3A_345 = arith.constant 40 : i32
          %mul3A_346 = arith.muli %add3A_344, %mul3A_345 : i32
          %add3A_347 = arith.addi %mul3A_341, %mul3A_346 : i32
          %dma_start3A_348 = arith.constant 1 : i32
          %dma_start3A_349 = arith.constant 1 : i32
          %dma_start3A_350 = arith.constant 0 : i32
          %dma_start3A_351 = arith.constant 0 : i32
          %dma_start3A_352 = tpu.memref_slice %arg14[%dma_start3A_348, %dma_start3A_350, %dma_start3A_351] : memref<2x40x128xf32, #tpu.memory_space<vmem>> -> memref<1x40x128xf32, #tpu.memory_space<vmem>>
          %dma_start3A_353 = tpu.memref_squeeze %dma_start3A_352 : memref<1x40x128xf32, #tpu.memory_space<vmem>> -> memref<40x128xf32, #tpu.memory_space<vmem>>
          %dma_start3A_354 = arith.constant 0 : i32
          %dma_start3A_355 = tpu.memref_slice %arg4[%add3A_347, %dma_start3A_354] : memref<320000x128xf32, #tpu.memory_space<hbm>> -> memref<40x128xf32, #tpu.memory_space<hbm>>
          %dma_start3A_356 = tpu.memref_slice %arg19[%dma_start3A_349] : memref<2x!tpu.dma_semaphore, #tpu.memory_space<semaphore_mem>> -> memref<1x!tpu.dma_semaphore, #tpu.memory_space<semaphore_mem>>
          %dma_start3A_357 = tpu.memref_squeeze %dma_start3A_356 : memref<1x!tpu.dma_semaphore, #tpu.memory_space<semaphore_mem>> -> memref<!tpu.dma_semaphore, #tpu.memory_space<semaphore_mem>>
          %dma_start3A_358 = arith.constant 0 : i32
          %dma_start3A_359 = arith.constant 0 : i32
          %dma_start3A_360 = tpu.memref_slice %arg14[%dma_start3A_348, %dma_start3A_358, %dma_start3A_359] : memref<2x40x128xf32, #tpu.memory_space<vmem>> -> memref<1x40x128xf32, #tpu.memory_space<vmem>>
          %dma_start3A_361 = tpu.memref_squeeze %dma_start3A_360 : memref<1x40x128xf32, #tpu.memory_space<vmem>> -> memref<40x128xf32, #tpu.memory_space<vmem>>
          %dma_start3A_362 = arith.constant 0 : i32
          %dma_start3A_363 = tpu.memref_slice %arg4[%add3A_347, %dma_start3A_362] : memref<320000x128xf32, #tpu.memory_space<hbm>> -> memref<40x128xf32, #tpu.memory_space<hbm>>
          tpu.enqueue_dma source(%dma_start3A_363 : memref<40x128xf32, #tpu.memory_space<hbm>>) target(%dma_start3A_361 : memref<40x128xf32, #tpu.memory_space<vmem>>) target_semaphore(%dma_start3A_357 : memref<!tpu.dma_semaphore, #tpu.memory_space<semaphore_mem>>)
        } else {
        }
        %mul3A_308 = arith.constant 40 : i32
        %mul3A_309 = arith.muli %add3A_251, %mul3A_308 : i32
        %dma_start3A_310 = arith.constant 1 : i32
        %dma_start3A_311 = arith.constant 1 : i32
        %dma_start3A_312 = arith.constant 0 : i32
        %dma_start3A_313 = arith.constant 0 : i32
        %dma_start3A_314 = tpu.memref_slice %arg15[%dma_start3A_310, %dma_start3A_312, %dma_start3A_313] : memref<2x40x128xf32, #tpu.memory_space<vmem>> -> memref<1x40x128xf32, #tpu.memory_space<vmem>>
        %dma_start3A_315 = tpu.memref_squeeze %dma_start3A_314 : memref<1x40x128xf32, #tpu.memory_space<vmem>> -> memref<40x128xf32, #tpu.memory_space<vmem>>
        %dma_start3A_316 = tpu.memref_slice %arg12[%mul3A_309] : memref<2000xi32, #tpu.memory_space<vmem>> -> memref<40xi32, #tpu.memory_space<vmem>>
        %dma_start3A_317 = arith.constant 0 : i32
        %dma_start3A_318 = arith.constant 0 : i32
        %dma_start3A_319 = tpu.memref_slice %arg10[%dma_start3A_317, %dma_start3A_318] : memref<10000x128xf32, #tpu.memory_space<vmem_shared>> -> memref<10000x128xf32, #tpu.memory_space<vmem_shared>>
        %dma_start3A_320 = tpu.memref_slice %arg20[%dma_start3A_311] : memref<2x!tpu.dma_semaphore, #tpu.memory_space<semaphore_mem>> -> memref<1x!tpu.dma_semaphore, #tpu.memory_space<semaphore_mem>>
        %dma_start3A_321 = tpu.memref_squeeze %dma_start3A_320 : memref<1x!tpu.dma_semaphore, #tpu.memory_space<semaphore_mem>> -> memref<!tpu.dma_semaphore, #tpu.memory_space<semaphore_mem>>
        tpu.enqueue_indirect_dma source(%dma_start3A_315 : memref<40x128xf32, #tpu.memory_space<vmem>>) target(%dma_start3A_319 : memref<10000x128xf32, #tpu.memory_space<vmem_shared>>) offsets(%dma_start3A_316 : memref<40xi32, #tpu.memory_space<vmem>>) semaphore(%dma_start3A_321 : memref<!tpu.dma_semaphore, #tpu.memory_space<semaphore_mem>>) {add = true}
      }
      %scan3A_151 = arith.constant 25 : i32
      %dma_wait3A = arith.constant 0 : i32
      %dma_wait3A_152 = arith.constant 0 : i32
      %dma_wait3A_153 = arith.constant 0 : i32
      %dma_wait3A_154 = arith.constant 0 : i32
      %dma_wait3A_155 = tpu.memref_slice %arg15[%dma_wait3A, %dma_wait3A_153, %dma_wait3A_154] : memref<2x40x128xf32, #tpu.memory_space<vmem>> -> memref<1x40x128xf32, #tpu.memory_space<vmem>>
      %dma_wait3A_156 = tpu.memref_squeeze %dma_wait3A_155 : memref<1x40x128xf32, #tpu.memory_space<vmem>> -> memref<40x128xf32, #tpu.memory_space<vmem>>
      %dma_wait3A_157 = arith.constant 1920 : i32
      %dma_wait3A_158 = tpu.memref_slice %arg12[%dma_wait3A_157] : memref<2000xi32, #tpu.memory_space<vmem>> -> memref<40xi32, #tpu.memory_space<vmem>>
      %dma_wait3A_159 = arith.constant 0 : i32
      %dma_wait3A_160 = arith.constant 0 : i32
      %dma_wait3A_161 = tpu.memref_slice %arg10[%dma_wait3A_159, %dma_wait3A_160] : memref<10000x128xf32, #tpu.memory_space<vmem_shared>> -> memref<10000x128xf32, #tpu.memory_space<vmem_shared>>
      %dma_wait3A_162 = tpu.memref_slice %arg20[%dma_wait3A_152] : memref<2x!tpu.dma_semaphore, #tpu.memory_space<semaphore_mem>> -> memref<1x!tpu.dma_semaphore, #tpu.memory_space<semaphore_mem>>
      %dma_wait3A_163 = tpu.memref_squeeze %dma_wait3A_162 : memref<1x!tpu.dma_semaphore, #tpu.memory_space<semaphore_mem>> -> memref<!tpu.dma_semaphore, #tpu.memory_space<semaphore_mem>>
      tpu.wait_indirect_dma semaphore(%dma_wait3A_163 : memref<!tpu.dma_semaphore, #tpu.memory_space<semaphore_mem>>) src(%dma_wait3A_156 : memref<40x128xf32, #tpu.memory_space<vmem>>) dst(%dma_wait3A_161 : memref<10000x128xf32, #tpu.memory_space<vmem_shared>>)
      %dma_wait3A_164 = arith.constant 1 : i32
      %dma_wait3A_165 = arith.constant 1 : i32
      %dma_wait3A_166 = arith.constant 0 : i32
      %dma_wait3A_167 = arith.constant 0 : i32
      %dma_wait3A_168 = tpu.memref_slice %arg15[%dma_wait3A_164, %dma_wait3A_166, %dma_wait3A_167] : memref<2x40x128xf32, #tpu.memory_space<vmem>> -> memref<1x40x128xf32, #tpu.memory_space<vmem>>
      %dma_wait3A_169 = tpu.memref_squeeze %dma_wait3A_168 : memref<1x40x128xf32, #tpu.memory_space<vmem>> -> memref<40x128xf32, #tpu.memory_space<vmem>>
      %dma_wait3A_170 = arith.constant 1960 : i32
      %dma_wait3A_171 = tpu.memref_slice %arg12[%dma_wait3A_170] : memref<2000xi32, #tpu.memory_space<vmem>> -> memref<40xi32, #tpu.memory_space<vmem>>
      %dma_wait3A_172 = arith.constant 0 : i32
      %dma_wait3A_173 = arith.constant 0 : i32
      %dma_wait3A_174 = tpu.memref_slice %arg10[%dma_wait3A_172, %dma_wait3A_173] : memref<10000x128xf32, #tpu.memory_space<vmem_shared>> -> memref<10000x128xf32, #tpu.memory_space<vmem_shared>>
      %dma_wait3A_175 = tpu.memref_slice %arg20[%dma_wait3A_165] : memref<2x!tpu.dma_semaphore, #tpu.memory_space<semaphore_mem>> -> memref<1x!tpu.dma_semaphore, #tpu.memory_space<semaphore_mem>>
      %dma_wait3A_176 = tpu.memref_squeeze %dma_wait3A_175 : memref<1x!tpu.dma_semaphore, #tpu.memory_space<semaphore_mem>> -> memref<!tpu.dma_semaphore, #tpu.memory_space<semaphore_mem>>
      tpu.wait_indirect_dma semaphore(%dma_wait3A_176 : memref<!tpu.dma_semaphore, #tpu.memory_space<semaphore_mem>>) src(%dma_wait3A_169 : memref<40x128xf32, #tpu.memory_space<vmem>>) dst(%dma_wait3A_174 : memref<10000x128xf32, #tpu.memory_space<vmem_shared>>)
    }
    %scan3A_54 = arith.constant 5 : i32
    %barrier3A_55 = arith.constant 0 : index
    tpu.barrier barrier_id(%barrier3A_55)
    "tpu.region"() ({
      %run_scoped3A = tpu.sem_alloc : memref<!tpu.dma_semaphore, #tpu.memory_space<semaphore_mem>>
      %dma_start3A = arith.constant 0 : i32
      %dma_start3A_56 = tpu.memref_slice %arg9[%arg0, %mul3A_2, %dma_start3A] : memref<2x10000x128xf32, #tpu.memory_space<hbm>> -> memref<1x625x128xf32, #tpu.memory_space<hbm>>
      %dma_start3A_57 = tpu.memref_squeeze %dma_start3A_56 : memref<1x625x128xf32, #tpu.memory_space<hbm>> -> memref<625x128xf32, #tpu.memory_space<hbm>>
      %dma_start3A_58 = arith.constant 0 : i32
      %dma_start3A_59 = tpu.memref_slice %arg10[%mul3A_2, %dma_start3A_58] : memref<10000x128xf32, #tpu.memory_space<vmem_shared>> -> memref<625x128xf32, #tpu.memory_space<vmem_shared>>
      tpu.enqueue_dma source(%dma_start3A_59 : memref<625x128xf32, #tpu.memory_space<vmem_shared>>) target(%dma_start3A_57 : memref<625x128xf32, #tpu.memory_space<hbm>>) target_semaphore(%run_scoped3A : memref<!tpu.dma_semaphore, #tpu.memory_space<semaphore_mem>>)
      %dma_wait3A = arith.constant 0 : i32
      %dma_wait3A_60 = tpu.memref_slice %arg9[%arg0, %mul3A_2, %dma_wait3A] : memref<2x10000x128xf32, #tpu.memory_space<hbm>> -> memref<1x625x128xf32, #tpu.memory_space<hbm>>
      %dma_wait3A_61 = tpu.memref_squeeze %dma_wait3A_60 : memref<1x625x128xf32, #tpu.memory_space<hbm>> -> memref<625x128xf32, #tpu.memory_space<hbm>>
      %dma_wait3A_62 = arith.constant 0 : i32
      %dma_wait3A_63 = tpu.memref_slice %arg10[%mul3A_2, %dma_wait3A_62] : memref<10000x128xf32, #tpu.memory_space<vmem_shared>> -> memref<625x128xf32, #tpu.memory_space<vmem_shared>>
      tpu.wait_dma2 semaphore(%run_scoped3A : memref<!tpu.dma_semaphore, #tpu.memory_space<semaphore_mem>>) src(%dma_wait3A_63 : memref<625x128xf32, #tpu.memory_space<vmem_shared>>) dst(%dma_wait3A_61 : memref<625x128xf32, #tpu.memory_space<hbm>>)
      tpu.yield
    }) : () -> ()
    return
  }
}

#map = affine_map<(d0, d1) -> (0)>
#map1 = affine_map<(d0, d1) -> (0, 0)>
#map2 = affine_map<(d0, d1) -> (0, 0, 0)>
module attributes {stable_mosaic.version = 14 : i64} {
  func.func @_sc_stats_body(%arg0: i32, %arg1: i32, %arg2: memref<320000xi32, #tpu.memory_space<hbm>>, %arg3: memref<320000xi32, #tpu.memory_space<hbm>>, %arg4: memref<320000x16xf32, #tpu.memory_space<hbm>>, %arg5: memref<10000x16xf32, #tpu.memory_space<hbm>>, %arg6: memref<80x16xf32, #tpu.memory_space<hbm>>, %arg7: memref<2x10000x16xf32, #tpu.memory_space<hbm>>, %arg8: memref<2x10000x16xf32, #tpu.memory_space<hbm>>, %arg9: memref<2x10000x16xf32, #tpu.memory_space<hbm>>, %arg10: memref<10000x16xf32, #tpu.memory_space<vmem_shared>>, %arg11: memref<10000x16xf32, #tpu.memory_space<vmem_shared>>, %arg12: memref<10000x16xf32, #tpu.memory_space<vmem_shared>>, %arg13: memref<10000xi32, #tpu.memory_space<vmem>>, %arg14: memref<10000xi32, #tpu.memory_space<vmem>>, %arg15: memref<2x80x16xf32, #tpu.memory_space<vmem>>, %arg16: memref<80x16xf32, #tpu.memory_space<vmem>>, %arg17: memref<2x!tpu.dma_semaphore, #tpu.memory_space<semaphore_mem>>) attributes {dimension_semantics = [#tpu.dimension_semantics<core_parallel>, #tpu.dimension_semantics<subcore_parallel>], iteration_bounds = array<i64: 2, 16>, scalar_prefetch = 0 : i64, scratch_operands = 8 : i64, tpu.core_type = #tpu.core_type<sc_vector_subcore>, window_params = [{transform_indices = #map}, {transform_indices = #map}, {transform_indices = #map1}, {transform_indices = #map1}, {transform_indices = #map1}, {transform_indices = #map2}, {transform_indices = #map2}, {transform_indices = #map2}]} {
    %mul3A = arith.constant 2 : i32
    %mul3A_0 = arith.muli %arg1, %mul3A : i32
    %add3A = arith.addi %mul3A_0, %arg0 : i32
    %mul3A_1 = arith.constant 625 : i32
    %mul3A_2 = arith.muli %arg1, %mul3A_1 : i32
    "tpu.region"() ({
      %run_scoped3A_51 = tpu.sem_alloc : memref<!tpu.dma_semaphore, #tpu.memory_space<semaphore_mem>>
      %dma_start3A_52 = arith.constant 0 : i32
      %dma_start3A_53 = tpu.memref_slice %arg10[%mul3A_2, %dma_start3A_52] : memref<10000x16xf32, #tpu.memory_space<vmem_shared>> -> memref<625x16xf32, #tpu.memory_space<vmem_shared>>
      %dma_start3A_54 = arith.constant 0 : i32
      %dma_start3A_55 = tpu.memref_slice %arg5[%mul3A_2, %dma_start3A_54] : memref<10000x16xf32, #tpu.memory_space<hbm>> -> memref<625x16xf32, #tpu.memory_space<hbm>>
      tpu.enqueue_dma source(%dma_start3A_55 : memref<625x16xf32, #tpu.memory_space<hbm>>) target(%dma_start3A_53 : memref<625x16xf32, #tpu.memory_space<vmem_shared>>) target_semaphore(%run_scoped3A_51 : memref<!tpu.dma_semaphore, #tpu.memory_space<semaphore_mem>>)
      %dma_wait3A_56 = arith.constant 0 : i32
      %dma_wait3A_57 = tpu.memref_slice %arg10[%mul3A_2, %dma_wait3A_56] : memref<10000x16xf32, #tpu.memory_space<vmem_shared>> -> memref<625x16xf32, #tpu.memory_space<vmem_shared>>
      %dma_wait3A_58 = arith.constant 0 : i32
      %dma_wait3A_59 = tpu.memref_slice %arg5[%mul3A_2, %dma_wait3A_58] : memref<10000x16xf32, #tpu.memory_space<hbm>> -> memref<625x16xf32, #tpu.memory_space<hbm>>
      tpu.wait_dma2 semaphore(%run_scoped3A_51 : memref<!tpu.dma_semaphore, #tpu.memory_space<semaphore_mem>>) src(%dma_wait3A_59 : memref<625x16xf32, #tpu.memory_space<hbm>>) dst(%dma_wait3A_57 : memref<625x16xf32, #tpu.memory_space<vmem_shared>>)
      tpu.yield
    }) : () -> ()
    "tpu.region"() ({
      %run_scoped3A_51 = tpu.sem_alloc : memref<!tpu.dma_semaphore, #tpu.memory_space<semaphore_mem>>
      %dma_start3A_52 = arith.constant 0 : i32
      %dma_start3A_53 = tpu.memref_slice %arg11[%mul3A_2, %dma_start3A_52] : memref<10000x16xf32, #tpu.memory_space<vmem_shared>> -> memref<625x16xf32, #tpu.memory_space<vmem_shared>>
      %dma_start3A_54 = arith.constant 0 : i32
      %dma_start3A_55 = tpu.memref_slice %arg5[%mul3A_2, %dma_start3A_54] : memref<10000x16xf32, #tpu.memory_space<hbm>> -> memref<625x16xf32, #tpu.memory_space<hbm>>
      tpu.enqueue_dma source(%dma_start3A_55 : memref<625x16xf32, #tpu.memory_space<hbm>>) target(%dma_start3A_53 : memref<625x16xf32, #tpu.memory_space<vmem_shared>>) target_semaphore(%run_scoped3A_51 : memref<!tpu.dma_semaphore, #tpu.memory_space<semaphore_mem>>)
      %dma_wait3A_56 = arith.constant 0 : i32
      %dma_wait3A_57 = tpu.memref_slice %arg11[%mul3A_2, %dma_wait3A_56] : memref<10000x16xf32, #tpu.memory_space<vmem_shared>> -> memref<625x16xf32, #tpu.memory_space<vmem_shared>>
      %dma_wait3A_58 = arith.constant 0 : i32
      %dma_wait3A_59 = tpu.memref_slice %arg5[%mul3A_2, %dma_wait3A_58] : memref<10000x16xf32, #tpu.memory_space<hbm>> -> memref<625x16xf32, #tpu.memory_space<hbm>>
      tpu.wait_dma2 semaphore(%run_scoped3A_51 : memref<!tpu.dma_semaphore, #tpu.memory_space<semaphore_mem>>) src(%dma_wait3A_59 : memref<625x16xf32, #tpu.memory_space<hbm>>) dst(%dma_wait3A_57 : memref<625x16xf32, #tpu.memory_space<vmem_shared>>)
      tpu.yield
    }) : () -> ()
    "tpu.region"() ({
      %run_scoped3A_51 = tpu.sem_alloc : memref<!tpu.dma_semaphore, #tpu.memory_space<semaphore_mem>>
      %dma_start3A_52 = arith.constant 0 : i32
      %dma_start3A_53 = tpu.memref_slice %arg12[%mul3A_2, %dma_start3A_52] : memref<10000x16xf32, #tpu.memory_space<vmem_shared>> -> memref<625x16xf32, #tpu.memory_space<vmem_shared>>
      %dma_start3A_54 = arith.constant 0 : i32
      %dma_start3A_55 = tpu.memref_slice %arg5[%mul3A_2, %dma_start3A_54] : memref<10000x16xf32, #tpu.memory_space<hbm>> -> memref<625x16xf32, #tpu.memory_space<hbm>>
      tpu.enqueue_dma source(%dma_start3A_55 : memref<625x16xf32, #tpu.memory_space<hbm>>) target(%dma_start3A_53 : memref<625x16xf32, #tpu.memory_space<vmem_shared>>) target_semaphore(%run_scoped3A_51 : memref<!tpu.dma_semaphore, #tpu.memory_space<semaphore_mem>>)
      %dma_wait3A_56 = arith.constant 0 : i32
      %dma_wait3A_57 = tpu.memref_slice %arg12[%mul3A_2, %dma_wait3A_56] : memref<10000x16xf32, #tpu.memory_space<vmem_shared>> -> memref<625x16xf32, #tpu.memory_space<vmem_shared>>
      %dma_wait3A_58 = arith.constant 0 : i32
      %dma_wait3A_59 = tpu.memref_slice %arg5[%mul3A_2, %dma_wait3A_58] : memref<10000x16xf32, #tpu.memory_space<hbm>> -> memref<625x16xf32, #tpu.memory_space<hbm>>
      tpu.wait_dma2 semaphore(%run_scoped3A_51 : memref<!tpu.dma_semaphore, #tpu.memory_space<semaphore_mem>>) src(%dma_wait3A_59 : memref<625x16xf32, #tpu.memory_space<hbm>>) dst(%dma_wait3A_57 : memref<625x16xf32, #tpu.memory_space<vmem_shared>>)
      tpu.yield
    }) : () -> ()
    "tpu.region"() ({
      %run_scoped3A_51 = tpu.sem_alloc : memref<!tpu.dma_semaphore, #tpu.memory_space<semaphore_mem>>
      tpu.enqueue_dma source(%arg6 : memref<80x16xf32, #tpu.memory_space<hbm>>) target(%arg16 : memref<80x16xf32, #tpu.memory_space<vmem>>) target_semaphore(%run_scoped3A_51 : memref<!tpu.dma_semaphore, #tpu.memory_space<semaphore_mem>>)
      tpu.wait_dma2 semaphore(%run_scoped3A_51 : memref<!tpu.dma_semaphore, #tpu.memory_space<semaphore_mem>>) src(%arg6 : memref<80x16xf32, #tpu.memory_space<hbm>>) dst(%arg16 : memref<80x16xf32, #tpu.memory_space<vmem>>)
      tpu.yield
    }) : () -> ()
    %mul3A_3 = arith.constant 10000 : i32
    %mul3A_4 = arith.muli %add3A, %mul3A_3 : i32
    "tpu.region"() ({
      %run_scoped3A_51 = tpu.sem_alloc : memref<!tpu.dma_semaphore, #tpu.memory_space<semaphore_mem>>
      %dma_start3A_52 = tpu.memref_slice %arg2[%mul3A_4] : memref<320000xi32, #tpu.memory_space<hbm>> -> memref<10000xi32, #tpu.memory_space<hbm>>
      %dma_start3A_53 = tpu.memref_slice %arg2[%mul3A_4] : memref<320000xi32, #tpu.memory_space<hbm>> -> memref<10000xi32, #tpu.memory_space<hbm>>
      tpu.enqueue_dma source(%dma_start3A_53 : memref<10000xi32, #tpu.memory_space<hbm>>) target(%arg13 : memref<10000xi32, #tpu.memory_space<vmem>>) target_semaphore(%run_scoped3A_51 : memref<!tpu.dma_semaphore, #tpu.memory_space<semaphore_mem>>)
      %dma_wait3A_54 = tpu.memref_slice %arg2[%mul3A_4] : memref<320000xi32, #tpu.memory_space<hbm>> -> memref<10000xi32, #tpu.memory_space<hbm>>
      %dma_wait3A_55 = tpu.memref_slice %arg2[%mul3A_4] : memref<320000xi32, #tpu.memory_space<hbm>> -> memref<10000xi32, #tpu.memory_space<hbm>>
      tpu.wait_dma2 semaphore(%run_scoped3A_51 : memref<!tpu.dma_semaphore, #tpu.memory_space<semaphore_mem>>) src(%dma_wait3A_55 : memref<10000xi32, #tpu.memory_space<hbm>>) dst(%arg13 : memref<10000xi32, #tpu.memory_space<vmem>>)
      tpu.yield
    }) : () -> ()
    %mul3A_5 = arith.constant 10000 : i32
    %mul3A_6 = arith.muli %add3A, %mul3A_5 : i32
    "tpu.region"() ({
      %run_scoped3A_51 = tpu.sem_alloc : memref<!tpu.dma_semaphore, #tpu.memory_space<semaphore_mem>>
      %dma_start3A_52 = tpu.memref_slice %arg3[%mul3A_6] : memref<320000xi32, #tpu.memory_space<hbm>> -> memref<10000xi32, #tpu.memory_space<hbm>>
      %dma_start3A_53 = tpu.memref_slice %arg3[%mul3A_6] : memref<320000xi32, #tpu.memory_space<hbm>> -> memref<10000xi32, #tpu.memory_space<hbm>>
      tpu.enqueue_dma source(%dma_start3A_53 : memref<10000xi32, #tpu.memory_space<hbm>>) target(%arg14 : memref<10000xi32, #tpu.memory_space<vmem>>) target_semaphore(%run_scoped3A_51 : memref<!tpu.dma_semaphore, #tpu.memory_space<semaphore_mem>>)
      %dma_wait3A_54 = tpu.memref_slice %arg3[%mul3A_6] : memref<320000xi32, #tpu.memory_space<hbm>> -> memref<10000xi32, #tpu.memory_space<hbm>>
      %dma_wait3A_55 = tpu.memref_slice %arg3[%mul3A_6] : memref<320000xi32, #tpu.memory_space<hbm>> -> memref<10000xi32, #tpu.memory_space<hbm>>
      tpu.wait_dma2 semaphore(%run_scoped3A_51 : memref<!tpu.dma_semaphore, #tpu.memory_space<semaphore_mem>>) src(%dma_wait3A_55 : memref<10000xi32, #tpu.memory_space<hbm>>) dst(%arg14 : memref<10000xi32, #tpu.memory_space<vmem>>)
      tpu.yield
    }) : () -> ()
    %barrier3A = arith.constant 0 : index
    tpu.barrier barrier_id(%barrier3A)
    %mul3A_7 = arith.constant 10000 : i32
    %mul3A_8 = arith.muli %add3A, %mul3A_7 : i32
    %add3A_9 = arith.constant 0 : i32
    %add3A_10 = arith.addi %mul3A_8, %add3A_9 : i32
    %dma_start3A = arith.constant 0 : i32
    %dma_start3A_11 = arith.constant 0 : i32
    %dma_start3A_12 = arith.constant 0 : i32
    %dma_start3A_13 = arith.constant 0 : i32
    %dma_start3A_14 = tpu.memref_slice %arg15[%dma_start3A, %dma_start3A_12, %dma_start3A_13] : memref<2x80x16xf32, #tpu.memory_space<vmem>> -> memref<1x80x16xf32, #tpu.memory_space<vmem>>
    %dma_start3A_15 = tpu.memref_squeeze %dma_start3A_14 : memref<1x80x16xf32, #tpu.memory_space<vmem>> -> memref<80x16xf32, #tpu.memory_space<vmem>>
    %dma_start3A_16 = arith.constant 0 : i32
    %dma_start3A_17 = tpu.memref_slice %arg4[%add3A_10, %dma_start3A_16] : memref<320000x16xf32, #tpu.memory_space<hbm>> -> memref<80x16xf32, #tpu.memory_space<hbm>>
    %dma_start3A_18 = tpu.memref_slice %arg17[%dma_start3A_11] : memref<2x!tpu.dma_semaphore, #tpu.memory_space<semaphore_mem>> -> memref<1x!tpu.dma_semaphore, #tpu.memory_space<semaphore_mem>>
    %dma_start3A_19 = tpu.memref_squeeze %dma_start3A_18 : memref<1x!tpu.dma_semaphore, #tpu.memory_space<semaphore_mem>> -> memref<!tpu.dma_semaphore, #tpu.memory_space<semaphore_mem>>
    %dma_start3A_20 = arith.constant 0 : i32
    %dma_start3A_21 = arith.constant 0 : i32
    %dma_start3A_22 = tpu.memref_slice %arg15[%dma_start3A, %dma_start3A_20, %dma_start3A_21] : memref<2x80x16xf32, #tpu.memory_space<vmem>> -> memref<1x80x16xf32, #tpu.memory_space<vmem>>
    %dma_start3A_23 = tpu.memref_squeeze %dma_start3A_22 : memref<1x80x16xf32, #tpu.memory_space<vmem>> -> memref<80x16xf32, #tpu.memory_space<vmem>>
    %dma_start3A_24 = arith.constant 0 : i32
    %dma_start3A_25 = tpu.memref_slice %arg4[%add3A_10, %dma_start3A_24] : memref<320000x16xf32, #tpu.memory_space<hbm>> -> memref<80x16xf32, #tpu.memory_space<hbm>>
    tpu.enqueue_dma source(%dma_start3A_25 : memref<80x16xf32, #tpu.memory_space<hbm>>) target(%dma_start3A_23 : memref<80x16xf32, #tpu.memory_space<vmem>>) target_semaphore(%dma_start3A_19 : memref<!tpu.dma_semaphore, #tpu.memory_space<semaphore_mem>>)
    %scan3A = arith.constant 0 : i32
    %scan3A_26 = arith.constant 0 : i32
    %scan3A_27 = arith.constant 62 : i32
    %scan3A_28 = arith.addi %scan3A_26, %scan3A_27 : i32
    %scan3A_29 = arith.constant 1 : i32
    scf.for %scan3A_51 = %scan3A_26 to %scan3A_28 step %scan3A_29  : i32 {
      %mul3A_52 = arith.constant 2 : i32
      %mul3A_53 = arith.muli %scan3A_51, %mul3A_52 : i32
      %add3A_54 = arith.constant 0 : i32
      %add3A_55 = arith.addi %mul3A_53, %add3A_54 : i32
      %mul3A_56 = arith.constant 10000 : i32
      %mul3A_57 = arith.muli %add3A, %mul3A_56 : i32
      %mul3A_58 = arith.constant 80 : i32
      %mul3A_59 = arith.muli %add3A_55, %mul3A_58 : i32
      %add3A_60 = arith.addi %mul3A_57, %mul3A_59 : i32
      %dma_wait3A_61 = arith.constant 0 : i32
      %dma_wait3A_62 = arith.constant 0 : i32
      %dma_wait3A_63 = arith.constant 0 : i32
      %dma_wait3A_64 = arith.constant 0 : i32
      %dma_wait3A_65 = tpu.memref_slice %arg15[%dma_wait3A_61, %dma_wait3A_63, %dma_wait3A_64] : memref<2x80x16xf32, #tpu.memory_space<vmem>> -> memref<1x80x16xf32, #tpu.memory_space<vmem>>
      %dma_wait3A_66 = tpu.memref_squeeze %dma_wait3A_65 : memref<1x80x16xf32, #tpu.memory_space<vmem>> -> memref<80x16xf32, #tpu.memory_space<vmem>>
      %dma_wait3A_67 = arith.constant 0 : i32
      %dma_wait3A_68 = tpu.memref_slice %arg4[%add3A_60, %dma_wait3A_67] : memref<320000x16xf32, #tpu.memory_space<hbm>> -> memref<80x16xf32, #tpu.memory_space<hbm>>
      %dma_wait3A_69 = tpu.memref_slice %arg17[%dma_wait3A_62] : memref<2x!tpu.dma_semaphore, #tpu.memory_space<semaphore_mem>> -> memref<1x!tpu.dma_semaphore, #tpu.memory_space<semaphore_mem>>
      %dma_wait3A_70 = tpu.memref_squeeze %dma_wait3A_69 : memref<1x!tpu.dma_semaphore, #tpu.memory_space<semaphore_mem>> -> memref<!tpu.dma_semaphore, #tpu.memory_space<semaphore_mem>>
      %dma_wait3A_71 = arith.constant 0 : i32
      %dma_wait3A_72 = arith.constant 0 : i32
      %dma_wait3A_73 = tpu.memref_slice %arg15[%dma_wait3A_61, %dma_wait3A_71, %dma_wait3A_72] : memref<2x80x16xf32, #tpu.memory_space<vmem>> -> memref<1x80x16xf32, #tpu.memory_space<vmem>>
      %dma_wait3A_74 = tpu.memref_squeeze %dma_wait3A_73 : memref<1x80x16xf32, #tpu.memory_space<vmem>> -> memref<80x16xf32, #tpu.memory_space<vmem>>
      %dma_wait3A_75 = arith.constant 0 : i32
      %dma_wait3A_76 = tpu.memref_slice %arg4[%add3A_60, %dma_wait3A_75] : memref<320000x16xf32, #tpu.memory_space<hbm>> -> memref<80x16xf32, #tpu.memory_space<hbm>>
      tpu.wait_dma2 semaphore(%dma_wait3A_70 : memref<!tpu.dma_semaphore, #tpu.memory_space<semaphore_mem>>) src(%dma_wait3A_76 : memref<80x16xf32, #tpu.memory_space<hbm>>) dst(%dma_wait3A_74 : memref<80x16xf32, #tpu.memory_space<vmem>>)
      %add3A_77 = arith.constant 1 : i32
      %add3A_78 = arith.addi %add3A_55, %add3A_77 : i32
      %mul3A_79 = arith.constant 10000 : i32
      %mul3A_80 = arith.muli %add3A, %mul3A_79 : i32
      %mul3A_81 = arith.constant 80 : i32
      %mul3A_82 = arith.muli %add3A_78, %mul3A_81 : i32
      %add3A_83 = arith.addi %mul3A_80, %mul3A_82 : i32
      %dma_start3A_84 = arith.constant 1 : i32
      %dma_start3A_85 = arith.constant 1 : i32
      %dma_start3A_86 = arith.constant 0 : i32
      %dma_start3A_87 = arith.constant 0 : i32
      %dma_start3A_88 = tpu.memref_slice %arg15[%dma_start3A_84, %dma_start3A_86, %dma_start3A_87] : memref<2x80x16xf32, #tpu.memory_space<vmem>> -> memref<1x80x16xf32, #tpu.memory_space<vmem>>
      %dma_start3A_89 = tpu.memref_squeeze %dma_start3A_88 : memref<1x80x16xf32, #tpu.memory_space<vmem>> -> memref<80x16xf32, #tpu.memory_space<vmem>>
      %dma_start3A_90 = arith.constant 0 : i32
      %dma_start3A_91 = tpu.memref_slice %arg4[%add3A_83, %dma_start3A_90] : memref<320000x16xf32, #tpu.memory_space<hbm>> -> memref<80x16xf32, #tpu.memory_space<hbm>>
      %dma_start3A_92 = tpu.memref_slice %arg17[%dma_start3A_85] : memref<2x!tpu.dma_semaphore, #tpu.memory_space<semaphore_mem>> -> memref<1x!tpu.dma_semaphore, #tpu.memory_space<semaphore_mem>>
      %dma_start3A_93 = tpu.memref_squeeze %dma_start3A_92 : memref<1x!tpu.dma_semaphore, #tpu.memory_space<semaphore_mem>> -> memref<!tpu.dma_semaphore, #tpu.memory_space<semaphore_mem>>
      %dma_start3A_94 = arith.constant 0 : i32
      %dma_start3A_95 = arith.constant 0 : i32
      %dma_start3A_96 = tpu.memref_slice %arg15[%dma_start3A_84, %dma_start3A_94, %dma_start3A_95] : memref<2x80x16xf32, #tpu.memory_space<vmem>> -> memref<1x80x16xf32, #tpu.memory_space<vmem>>
      %dma_start3A_97 = tpu.memref_squeeze %dma_start3A_96 : memref<1x80x16xf32, #tpu.memory_space<vmem>> -> memref<80x16xf32, #tpu.memory_space<vmem>>
      %dma_start3A_98 = arith.constant 0 : i32
      %dma_start3A_99 = tpu.memref_slice %arg4[%add3A_83, %dma_start3A_98] : memref<320000x16xf32, #tpu.memory_space<hbm>> -> memref<80x16xf32, #tpu.memory_space<hbm>>
      tpu.enqueue_dma source(%dma_start3A_99 : memref<80x16xf32, #tpu.memory_space<hbm>>) target(%dma_start3A_97 : memref<80x16xf32, #tpu.memory_space<vmem>>) target_semaphore(%dma_start3A_93 : memref<!tpu.dma_semaphore, #tpu.memory_space<semaphore_mem>>)
      %mul3A_100 = arith.constant 80 : i32
      %mul3A_101 = arith.muli %add3A_55, %mul3A_100 : i32
      %mul3A_102 = arith.constant 80 : i32
      %mul3A_103 = arith.muli %add3A_55, %mul3A_102 : i32
      %run_scoped3A_104 = arith.constant 0 : i32
      "tpu.region"() ({
        %run_scoped3A_158 = tpu.sem_alloc : memref<!tpu.dma_semaphore, #tpu.memory_space<semaphore_mem>>
        %dma_start3A_159 = arith.constant 0 : i32
        %dma_start3A_160 = arith.constant 0 : i32
        %dma_start3A_161 = tpu.memref_slice %arg15[%run_scoped3A_104, %dma_start3A_159, %dma_start3A_160] : memref<2x80x16xf32, #tpu.memory_space<vmem>> -> memref<1x80x16xf32, #tpu.memory_space<vmem>>
        %dma_start3A_162 = tpu.memref_squeeze %dma_start3A_161 : memref<1x80x16xf32, #tpu.memory_space<vmem>> -> memref<80x16xf32, #tpu.memory_space<vmem>>
        %dma_start3A_163 = tpu.memref_slice %arg13[%mul3A_101] : memref<10000xi32, #tpu.memory_space<vmem>> -> memref<80xi32, #tpu.memory_space<vmem>>
        %dma_start3A_164 = arith.constant 0 : i32
        %dma_start3A_165 = arith.constant 0 : i32
        %dma_start3A_166 = tpu.memref_slice %arg10[%dma_start3A_164, %dma_start3A_165] : memref<10000x16xf32, #tpu.memory_space<vmem_shared>> -> memref<10000x16xf32, #tpu.memory_space<vmem_shared>>
        tpu.enqueue_indirect_dma source(%dma_start3A_162 : memref<80x16xf32, #tpu.memory_space<vmem>>) target(%dma_start3A_166 : memref<10000x16xf32, #tpu.memory_space<vmem_shared>>) offsets(%dma_start3A_163 : memref<80xi32, #tpu.memory_space<vmem>>) semaphore(%run_scoped3A_158 : memref<!tpu.dma_semaphore, #tpu.memory_space<semaphore_mem>>) {add = true}
        %dma_wait3A_167 = arith.constant 0 : i32
        %dma_wait3A_168 = arith.constant 0 : i32
        %dma_wait3A_169 = tpu.memref_slice %arg15[%run_scoped3A_104, %dma_wait3A_167, %dma_wait3A_168] : memref<2x80x16xf32, #tpu.memory_space<vmem>> -> memref<1x80x16xf32, #tpu.memory_space<vmem>>
        %dma_wait3A_170 = tpu.memref_squeeze %dma_wait3A_169 : memref<1x80x16xf32, #tpu.memory_space<vmem>> -> memref<80x16xf32, #tpu.memory_space<vmem>>
        %dma_wait3A_171 = tpu.memref_slice %arg13[%mul3A_101] : memref<10000xi32, #tpu.memory_space<vmem>> -> memref<80xi32, #tpu.memory_space<vmem>>
        %dma_wait3A_172 = arith.constant 0 : i32
        %dma_wait3A_173 = arith.constant 0 : i32
        %dma_wait3A_174 = tpu.memref_slice %arg10[%dma_wait3A_172, %dma_wait3A_173] : memref<10000x16xf32, #tpu.memory_space<vmem_shared>> -> memref<10000x16xf32, #tpu.memory_space<vmem_shared>>
        tpu.wait_indirect_dma semaphore(%run_scoped3A_158 : memref<!tpu.dma_semaphore, #tpu.memory_space<semaphore_mem>>) src(%dma_wait3A_170 : memref<80x16xf32, #tpu.memory_space<vmem>>) dst(%dma_wait3A_174 : memref<10000x16xf32, #tpu.memory_space<vmem_shared>>)
        tpu.yield
      }) : () -> ()
      "tpu.region"() ({
        %run_scoped3A_158 = tpu.sem_alloc : memref<!tpu.dma_semaphore, #tpu.memory_space<semaphore_mem>>
        %dma_start3A_159 = tpu.memref_slice %arg13[%mul3A_101] : memref<10000xi32, #tpu.memory_space<vmem>> -> memref<80xi32, #tpu.memory_space<vmem>>
        %dma_start3A_160 = arith.constant 0 : i32
        %dma_start3A_161 = arith.constant 0 : i32
        %dma_start3A_162 = tpu.memref_slice %arg11[%dma_start3A_160, %dma_start3A_161] : memref<10000x16xf32, #tpu.memory_space<vmem_shared>> -> memref<10000x16xf32, #tpu.memory_space<vmem_shared>>
        tpu.enqueue_indirect_dma source(%arg16 : memref<80x16xf32, #tpu.memory_space<vmem>>) target(%dma_start3A_162 : memref<10000x16xf32, #tpu.memory_space<vmem_shared>>) offsets(%dma_start3A_159 : memref<80xi32, #tpu.memory_space<vmem>>) semaphore(%run_scoped3A_158 : memref<!tpu.dma_semaphore, #tpu.memory_space<semaphore_mem>>) {add = true}
        %dma_wait3A_163 = tpu.memref_slice %arg13[%mul3A_101] : memref<10000xi32, #tpu.memory_space<vmem>> -> memref<80xi32, #tpu.memory_space<vmem>>
        %dma_wait3A_164 = arith.constant 0 : i32
        %dma_wait3A_165 = arith.constant 0 : i32
        %dma_wait3A_166 = tpu.memref_slice %arg11[%dma_wait3A_164, %dma_wait3A_165] : memref<10000x16xf32, #tpu.memory_space<vmem_shared>> -> memref<10000x16xf32, #tpu.memory_space<vmem_shared>>
        tpu.wait_indirect_dma semaphore(%run_scoped3A_158 : memref<!tpu.dma_semaphore, #tpu.memory_space<semaphore_mem>>) src(%arg16 : memref<80x16xf32, #tpu.memory_space<vmem>>) dst(%dma_wait3A_166 : memref<10000x16xf32, #tpu.memory_space<vmem_shared>>)
        tpu.yield
      }) : () -> ()
      "tpu.region"() ({
        %run_scoped3A_158 = tpu.sem_alloc : memref<!tpu.dma_semaphore, #tpu.memory_space<semaphore_mem>>
        %dma_start3A_159 = tpu.memref_slice %arg14[%mul3A_103] : memref<10000xi32, #tpu.memory_space<vmem>> -> memref<80xi32, #tpu.memory_space<vmem>>
        %dma_start3A_160 = arith.constant 0 : i32
        %dma_start3A_161 = arith.constant 0 : i32
        %dma_start3A_162 = tpu.memref_slice %arg12[%dma_start3A_160, %dma_start3A_161] : memref<10000x16xf32, #tpu.memory_space<vmem_shared>> -> memref<10000x16xf32, #tpu.memory_space<vmem_shared>>
        tpu.enqueue_indirect_dma source(%arg16 : memref<80x16xf32, #tpu.memory_space<vmem>>) target(%dma_start3A_162 : memref<10000x16xf32, #tpu.memory_space<vmem_shared>>) offsets(%dma_start3A_159 : memref<80xi32, #tpu.memory_space<vmem>>) semaphore(%run_scoped3A_158 : memref<!tpu.dma_semaphore, #tpu.memory_space<semaphore_mem>>) {add = true}
        %dma_wait3A_163 = tpu.memref_slice %arg14[%mul3A_103] : memref<10000xi32, #tpu.memory_space<vmem>> -> memref<80xi32, #tpu.memory_space<vmem>>
        %dma_wait3A_164 = arith.constant 0 : i32
        %dma_wait3A_165 = arith.constant 0 : i32
        %dma_wait3A_166 = tpu.memref_slice %arg12[%dma_wait3A_164, %dma_wait3A_165] : memref<10000x16xf32, #tpu.memory_space<vmem_shared>> -> memref<10000x16xf32, #tpu.memory_space<vmem_shared>>
        tpu.wait_indirect_dma semaphore(%run_scoped3A_158 : memref<!tpu.dma_semaphore, #tpu.memory_space<semaphore_mem>>) src(%arg16 : memref<80x16xf32, #tpu.memory_space<vmem>>) dst(%dma_wait3A_166 : memref<10000x16xf32, #tpu.memory_space<vmem_shared>>)
        tpu.yield
      }) : () -> ()
      %mul3A_105 = arith.constant 2 : i32
      %mul3A_106 = arith.muli %scan3A_51, %mul3A_105 : i32
      %add3A_107 = arith.constant 1 : i32
      %add3A_108 = arith.addi %mul3A_106, %add3A_107 : i32
      %mul3A_109 = arith.constant 10000 : i32
      %mul3A_110 = arith.muli %add3A, %mul3A_109 : i32
      %mul3A_111 = arith.constant 80 : i32
      %mul3A_112 = arith.muli %add3A_108, %mul3A_111 : i32
      %add3A_113 = arith.addi %mul3A_110, %mul3A_112 : i32
      %dma_wait3A_114 = arith.constant 1 : i32
      %dma_wait3A_115 = arith.constant 1 : i32
      %dma_wait3A_116 = arith.constant 0 : i32
      %dma_wait3A_117 = arith.constant 0 : i32
      %dma_wait3A_118 = tpu.memref_slice %arg15[%dma_wait3A_114, %dma_wait3A_116, %dma_wait3A_117] : memref<2x80x16xf32, #tpu.memory_space<vmem>> -> memref<1x80x16xf32, #tpu.memory_space<vmem>>
      %dma_wait3A_119 = tpu.memref_squeeze %dma_wait3A_118 : memref<1x80x16xf32, #tpu.memory_space<vmem>> -> memref<80x16xf32, #tpu.memory_space<vmem>>
      %dma_wait3A_120 = arith.constant 0 : i32
      %dma_wait3A_121 = tpu.memref_slice %arg4[%add3A_113, %dma_wait3A_120] : memref<320000x16xf32, #tpu.memory_space<hbm>> -> memref<80x16xf32, #tpu.memory_space<hbm>>
      %dma_wait3A_122 = tpu.memref_slice %arg17[%dma_wait3A_115] : memref<2x!tpu.dma_semaphore, #tpu.memory_space<semaphore_mem>> -> memref<1x!tpu.dma_semaphore, #tpu.memory_space<semaphore_mem>>
      %dma_wait3A_123 = tpu.memref_squeeze %dma_wait3A_122 : memref<1x!tpu.dma_semaphore, #tpu.memory_space<semaphore_mem>> -> memref<!tpu.dma_semaphore, #tpu.memory_space<semaphore_mem>>
      %dma_wait3A_124 = arith.constant 0 : i32
      %dma_wait3A_125 = arith.constant 0 : i32
      %dma_wait3A_126 = tpu.memref_slice %arg15[%dma_wait3A_114, %dma_wait3A_124, %dma_wait3A_125] : memref<2x80x16xf32, #tpu.memory_space<vmem>> -> memref<1x80x16xf32, #tpu.memory_space<vmem>>
      %dma_wait3A_127 = tpu.memref_squeeze %dma_wait3A_126 : memref<1x80x16xf32, #tpu.memory_space<vmem>> -> memref<80x16xf32, #tpu.memory_space<vmem>>
      %dma_wait3A_128 = arith.constant 0 : i32
      %dma_wait3A_129 = tpu.memref_slice %arg4[%add3A_113, %dma_wait3A_128] : memref<320000x16xf32, #tpu.memory_space<hbm>> -> memref<80x16xf32, #tpu.memory_space<hbm>>
      tpu.wait_dma2 semaphore(%dma_wait3A_123 : memref<!tpu.dma_semaphore, #tpu.memory_space<semaphore_mem>>) src(%dma_wait3A_129 : memref<80x16xf32, #tpu.memory_space<hbm>>) dst(%dma_wait3A_127 : memref<80x16xf32, #tpu.memory_space<vmem>>)
      %add3A_130 = arith.constant 1 : i32
      %add3A_131 = arith.addi %add3A_108, %add3A_130 : i32
      %mul3A_132 = arith.constant 10000 : i32
      %mul3A_133 = arith.muli %add3A, %mul3A_132 : i32
      %mul3A_134 = arith.constant 80 : i32
      %mul3A_135 = arith.muli %add3A_131, %mul3A_134 : i32
      %add3A_136 = arith.addi %mul3A_133, %mul3A_135 : i32
      %dma_start3A_137 = arith.constant 0 : i32
      %dma_start3A_138 = arith.constant 0 : i32
      %dma_start3A_139 = arith.constant 0 : i32
      %dma_start3A_140 = arith.constant 0 : i32
      %dma_start3A_141 = tpu.memref_slice %arg15[%dma_start3A_137, %dma_start3A_139, %dma_start3A_140] : memref<2x80x16xf32, #tpu.memory_space<vmem>> -> memref<1x80x16xf32, #tpu.memory_space<vmem>>
      %dma_start3A_142 = tpu.memref_squeeze %dma_start3A_141 : memref<1x80x16xf32, #tpu.memory_space<vmem>> -> memref<80x16xf32, #tpu.memory_space<vmem>>
      %dma_start3A_143 = arith.constant 0 : i32
      %dma_start3A_144 = tpu.memref_slice %arg4[%add3A_136, %dma_start3A_143] : memref<320000x16xf32, #tpu.memory_space<hbm>> -> memref<80x16xf32, #tpu.memory_space<hbm>>
      %dma_start3A_145 = tpu.memref_slice %arg17[%dma_start3A_138] : memref<2x!tpu.dma_semaphore, #tpu.memory_space<semaphore_mem>> -> memref<1x!tpu.dma_semaphore, #tpu.memory_space<semaphore_mem>>
      %dma_start3A_146 = tpu.memref_squeeze %dma_start3A_145 : memref<1x!tpu.dma_semaphore, #tpu.memory_space<semaphore_mem>> -> memref<!tpu.dma_semaphore, #tpu.memory_space<semaphore_mem>>
      %dma_start3A_147 = arith.constant 0 : i32
      %dma_start3A_148 = arith.constant 0 : i32
      %dma_start3A_149 = tpu.memref_slice %arg15[%dma_start3A_137, %dma_start3A_147, %dma_start3A_148] : memref<2x80x16xf32, #tpu.memory_space<vmem>> -> memref<1x80x16xf32, #tpu.memory_space<vmem>>
      %dma_start3A_150 = tpu.memref_squeeze %dma_start3A_149 : memref<1x80x16xf32, #tpu.memory_space<vmem>> -> memref<80x16xf32, #tpu.memory_space<vmem>>
      %dma_start3A_151 = arith.constant 0 : i32
      %dma_start3A_152 = tpu.memref_slice %arg4[%add3A_136, %dma_start3A_151] : memref<320000x16xf32, #tpu.memory_space<hbm>> -> memref<80x16xf32, #tpu.memory_space<hbm>>
      tpu.enqueue_dma source(%dma_start3A_152 : memref<80x16xf32, #tpu.memory_space<hbm>>) target(%dma_start3A_150 : memref<80x16xf32, #tpu.memory_space<vmem>>) target_semaphore(%dma_start3A_146 : memref<!tpu.dma_semaphore, #tpu.memory_space<semaphore_mem>>)
      %mul3A_153 = arith.constant 80 : i32
      %mul3A_154 = arith.muli %add3A_108, %mul3A_153 : i32
      %mul3A_155 = arith.constant 80 : i32
      %mul3A_156 = arith.muli %add3A_108, %mul3A_155 : i32
      %run_scoped3A_157 = arith.constant 1 : i32
      "tpu.region"() ({
        %run_scoped3A_158 = tpu.sem_alloc : memref<!tpu.dma_semaphore, #tpu.memory_space<semaphore_mem>>
        %dma_start3A_159 = arith.constant 0 : i32
        %dma_start3A_160 = arith.constant 0 : i32
        %dma_start3A_161 = tpu.memref_slice %arg15[%run_scoped3A_157, %dma_start3A_159, %dma_start3A_160] : memref<2x80x16xf32, #tpu.memory_space<vmem>> -> memref<1x80x16xf32, #tpu.memory_space<vmem>>
        %dma_start3A_162 = tpu.memref_squeeze %dma_start3A_161 : memref<1x80x16xf32, #tpu.memory_space<vmem>> -> memref<80x16xf32, #tpu.memory_space<vmem>>
        %dma_start3A_163 = tpu.memref_slice %arg13[%mul3A_154] : memref<10000xi32, #tpu.memory_space<vmem>> -> memref<80xi32, #tpu.memory_space<vmem>>
        %dma_start3A_164 = arith.constant 0 : i32
        %dma_start3A_165 = arith.constant 0 : i32
        %dma_start3A_166 = tpu.memref_slice %arg10[%dma_start3A_164, %dma_start3A_165] : memref<10000x16xf32, #tpu.memory_space<vmem_shared>> -> memref<10000x16xf32, #tpu.memory_space<vmem_shared>>
        tpu.enqueue_indirect_dma source(%dma_start3A_162 : memref<80x16xf32, #tpu.memory_space<vmem>>) target(%dma_start3A_166 : memref<10000x16xf32, #tpu.memory_space<vmem_shared>>) offsets(%dma_start3A_163 : memref<80xi32, #tpu.memory_space<vmem>>) semaphore(%run_scoped3A_158 : memref<!tpu.dma_semaphore, #tpu.memory_space<semaphore_mem>>) {add = true}
        %dma_wait3A_167 = arith.constant 0 : i32
        %dma_wait3A_168 = arith.constant 0 : i32
        %dma_wait3A_169 = tpu.memref_slice %arg15[%run_scoped3A_157, %dma_wait3A_167, %dma_wait3A_168] : memref<2x80x16xf32, #tpu.memory_space<vmem>> -> memref<1x80x16xf32, #tpu.memory_space<vmem>>
        %dma_wait3A_170 = tpu.memref_squeeze %dma_wait3A_169 : memref<1x80x16xf32, #tpu.memory_space<vmem>> -> memref<80x16xf32, #tpu.memory_space<vmem>>
        %dma_wait3A_171 = tpu.memref_slice %arg13[%mul3A_154] : memref<10000xi32, #tpu.memory_space<vmem>> -> memref<80xi32, #tpu.memory_space<vmem>>
        %dma_wait3A_172 = arith.constant 0 : i32
        %dma_wait3A_173 = arith.constant 0 : i32
        %dma_wait3A_174 = tpu.memref_slice %arg10[%dma_wait3A_172, %dma_wait3A_173] : memref<10000x16xf32, #tpu.memory_space<vmem_shared>> -> memref<10000x16xf32, #tpu.memory_space<vmem_shared>>
        tpu.wait_indirect_dma semaphore(%run_scoped3A_158 : memref<!tpu.dma_semaphore, #tpu.memory_space<semaphore_mem>>) src(%dma_wait3A_170 : memref<80x16xf32, #tpu.memory_space<vmem>>) dst(%dma_wait3A_174 : memref<10000x16xf32, #tpu.memory_space<vmem_shared>>)
        tpu.yield
      }) : () -> ()
      "tpu.region"() ({
        %run_scoped3A_158 = tpu.sem_alloc : memref<!tpu.dma_semaphore, #tpu.memory_space<semaphore_mem>>
        %dma_start3A_159 = tpu.memref_slice %arg13[%mul3A_154] : memref<10000xi32, #tpu.memory_space<vmem>> -> memref<80xi32, #tpu.memory_space<vmem>>
        %dma_start3A_160 = arith.constant 0 : i32
        %dma_start3A_161 = arith.constant 0 : i32
        %dma_start3A_162 = tpu.memref_slice %arg11[%dma_start3A_160, %dma_start3A_161] : memref<10000x16xf32, #tpu.memory_space<vmem_shared>> -> memref<10000x16xf32, #tpu.memory_space<vmem_shared>>
        tpu.enqueue_indirect_dma source(%arg16 : memref<80x16xf32, #tpu.memory_space<vmem>>) target(%dma_start3A_162 : memref<10000x16xf32, #tpu.memory_space<vmem_shared>>) offsets(%dma_start3A_159 : memref<80xi32, #tpu.memory_space<vmem>>) semaphore(%run_scoped3A_158 : memref<!tpu.dma_semaphore, #tpu.memory_space<semaphore_mem>>) {add = true}
        %dma_wait3A_163 = tpu.memref_slice %arg13[%mul3A_154] : memref<10000xi32, #tpu.memory_space<vmem>> -> memref<80xi32, #tpu.memory_space<vmem>>
        %dma_wait3A_164 = arith.constant 0 : i32
        %dma_wait3A_165 = arith.constant 0 : i32
        %dma_wait3A_166 = tpu.memref_slice %arg11[%dma_wait3A_164, %dma_wait3A_165] : memref<10000x16xf32, #tpu.memory_space<vmem_shared>> -> memref<10000x16xf32, #tpu.memory_space<vmem_shared>>
        tpu.wait_indirect_dma semaphore(%run_scoped3A_158 : memref<!tpu.dma_semaphore, #tpu.memory_space<semaphore_mem>>) src(%arg16 : memref<80x16xf32, #tpu.memory_space<vmem>>) dst(%dma_wait3A_166 : memref<10000x16xf32, #tpu.memory_space<vmem_shared>>)
        tpu.yield
      }) : () -> ()
      "tpu.region"() ({
        %run_scoped3A_158 = tpu.sem_alloc : memref<!tpu.dma_semaphore, #tpu.memory_space<semaphore_mem>>
        %dma_start3A_159 = tpu.memref_slice %arg14[%mul3A_156] : memref<10000xi32, #tpu.memory_space<vmem>> -> memref<80xi32, #tpu.memory_space<vmem>>
        %dma_start3A_160 = arith.constant 0 : i32
        %dma_start3A_161 = arith.constant 0 : i32
        %dma_start3A_162 = tpu.memref_slice %arg12[%dma_start3A_160, %dma_start3A_161] : memref<10000x16xf32, #tpu.memory_space<vmem_shared>> -> memref<10000x16xf32, #tpu.memory_space<vmem_shared>>
        tpu.enqueue_indirect_dma source(%arg16 : memref<80x16xf32, #tpu.memory_space<vmem>>) target(%dma_start3A_162 : memref<10000x16xf32, #tpu.memory_space<vmem_shared>>) offsets(%dma_start3A_159 : memref<80xi32, #tpu.memory_space<vmem>>) semaphore(%run_scoped3A_158 : memref<!tpu.dma_semaphore, #tpu.memory_space<semaphore_mem>>) {add = true}
        %dma_wait3A_163 = tpu.memref_slice %arg14[%mul3A_156] : memref<10000xi32, #tpu.memory_space<vmem>> -> memref<80xi32, #tpu.memory_space<vmem>>
        %dma_wait3A_164 = arith.constant 0 : i32
        %dma_wait3A_165 = arith.constant 0 : i32
        %dma_wait3A_166 = tpu.memref_slice %arg12[%dma_wait3A_164, %dma_wait3A_165] : memref<10000x16xf32, #tpu.memory_space<vmem_shared>> -> memref<10000x16xf32, #tpu.memory_space<vmem_shared>>
        tpu.wait_indirect_dma semaphore(%run_scoped3A_158 : memref<!tpu.dma_semaphore, #tpu.memory_space<semaphore_mem>>) src(%arg16 : memref<80x16xf32, #tpu.memory_space<vmem>>) dst(%dma_wait3A_166 : memref<10000x16xf32, #tpu.memory_space<vmem_shared>>)
        tpu.yield
      }) : () -> ()
    }
    %scan3A_30 = arith.constant 62 : i32
    %mul3A_31 = arith.constant 10000 : i32
    %mul3A_32 = arith.muli %add3A, %mul3A_31 : i32
    %add3A_33 = arith.constant 9920 : i32
    %add3A_34 = arith.addi %mul3A_32, %add3A_33 : i32
    %dma_wait3A = arith.constant 0 : i32
    %dma_wait3A_35 = arith.constant 0 : i32
    %dma_wait3A_36 = arith.constant 0 : i32
    %dma_wait3A_37 = arith.constant 0 : i32
    %dma_wait3A_38 = tpu.memref_slice %arg15[%dma_wait3A, %dma_wait3A_36, %dma_wait3A_37] : memref<2x80x16xf32, #tpu.memory_space<vmem>> -> memref<1x80x16xf32, #tpu.memory_space<vmem>>
    %dma_wait3A_39 = tpu.memref_squeeze %dma_wait3A_38 : memref<1x80x16xf32, #tpu.memory_space<vmem>> -> memref<80x16xf32, #tpu.memory_space<vmem>>
    %dma_wait3A_40 = arith.constant 0 : i32
    %dma_wait3A_41 = tpu.memref_slice %arg4[%add3A_34, %dma_wait3A_40] : memref<320000x16xf32, #tpu.memory_space<hbm>> -> memref<80x16xf32, #tpu.memory_space<hbm>>
    %dma_wait3A_42 = tpu.memref_slice %arg17[%dma_wait3A_35] : memref<2x!tpu.dma_semaphore, #tpu.memory_space<semaphore_mem>> -> memref<1x!tpu.dma_semaphore, #tpu.memory_space<semaphore_mem>>
    %dma_wait3A_43 = tpu.memref_squeeze %dma_wait3A_42 : memref<1x!tpu.dma_semaphore, #tpu.memory_space<semaphore_mem>> -> memref<!tpu.dma_semaphore, #tpu.memory_space<semaphore_mem>>
    %dma_wait3A_44 = arith.constant 0 : i32
    %dma_wait3A_45 = arith.constant 0 : i32
    %dma_wait3A_46 = tpu.memref_slice %arg15[%dma_wait3A, %dma_wait3A_44, %dma_wait3A_45] : memref<2x80x16xf32, #tpu.memory_space<vmem>> -> memref<1x80x16xf32, #tpu.memory_space<vmem>>
    %dma_wait3A_47 = tpu.memref_squeeze %dma_wait3A_46 : memref<1x80x16xf32, #tpu.memory_space<vmem>> -> memref<80x16xf32, #tpu.memory_space<vmem>>
    %dma_wait3A_48 = arith.constant 0 : i32
    %dma_wait3A_49 = tpu.memref_slice %arg4[%add3A_34, %dma_wait3A_48] : memref<320000x16xf32, #tpu.memory_space<hbm>> -> memref<80x16xf32, #tpu.memory_space<hbm>>
    tpu.wait_dma2 semaphore(%dma_wait3A_43 : memref<!tpu.dma_semaphore, #tpu.memory_space<semaphore_mem>>) src(%dma_wait3A_49 : memref<80x16xf32, #tpu.memory_space<hbm>>) dst(%dma_wait3A_47 : memref<80x16xf32, #tpu.memory_space<vmem>>)
    %run_scoped3A = arith.constant 0 : i32
    "tpu.region"() ({
      %run_scoped3A_51 = tpu.sem_alloc : memref<!tpu.dma_semaphore, #tpu.memory_space<semaphore_mem>>
      %dma_start3A_52 = arith.constant 0 : i32
      %dma_start3A_53 = arith.constant 0 : i32
      %dma_start3A_54 = tpu.memref_slice %arg15[%run_scoped3A, %dma_start3A_52, %dma_start3A_53] : memref<2x80x16xf32, #tpu.memory_space<vmem>> -> memref<1x80x16xf32, #tpu.memory_space<vmem>>
      %dma_start3A_55 = tpu.memref_squeeze %dma_start3A_54 : memref<1x80x16xf32, #tpu.memory_space<vmem>> -> memref<80x16xf32, #tpu.memory_space<vmem>>
      %dma_start3A_56 = arith.constant 9920 : i32
      %dma_start3A_57 = tpu.memref_slice %arg13[%dma_start3A_56] : memref<10000xi32, #tpu.memory_space<vmem>> -> memref<80xi32, #tpu.memory_space<vmem>>
      %dma_start3A_58 = arith.constant 0 : i32
      %dma_start3A_59 = arith.constant 0 : i32
      %dma_start3A_60 = tpu.memref_slice %arg10[%dma_start3A_58, %dma_start3A_59] : memref<10000x16xf32, #tpu.memory_space<vmem_shared>> -> memref<10000x16xf32, #tpu.memory_space<vmem_shared>>
      tpu.enqueue_indirect_dma source(%dma_start3A_55 : memref<80x16xf32, #tpu.memory_space<vmem>>) target(%dma_start3A_60 : memref<10000x16xf32, #tpu.memory_space<vmem_shared>>) offsets(%dma_start3A_57 : memref<80xi32, #tpu.memory_space<vmem>>) semaphore(%run_scoped3A_51 : memref<!tpu.dma_semaphore, #tpu.memory_space<semaphore_mem>>) {add = true}
      %dma_wait3A_61 = arith.constant 0 : i32
      %dma_wait3A_62 = arith.constant 0 : i32
      %dma_wait3A_63 = tpu.memref_slice %arg15[%run_scoped3A, %dma_wait3A_61, %dma_wait3A_62] : memref<2x80x16xf32, #tpu.memory_space<vmem>> -> memref<1x80x16xf32, #tpu.memory_space<vmem>>
      %dma_wait3A_64 = tpu.memref_squeeze %dma_wait3A_63 : memref<1x80x16xf32, #tpu.memory_space<vmem>> -> memref<80x16xf32, #tpu.memory_space<vmem>>
      %dma_wait3A_65 = arith.constant 9920 : i32
      %dma_wait3A_66 = tpu.memref_slice %arg13[%dma_wait3A_65] : memref<10000xi32, #tpu.memory_space<vmem>> -> memref<80xi32, #tpu.memory_space<vmem>>
      %dma_wait3A_67 = arith.constant 0 : i32
      %dma_wait3A_68 = arith.constant 0 : i32
      %dma_wait3A_69 = tpu.memref_slice %arg10[%dma_wait3A_67, %dma_wait3A_68] : memref<10000x16xf32, #tpu.memory_space<vmem_shared>> -> memref<10000x16xf32, #tpu.memory_space<vmem_shared>>
      tpu.wait_indirect_dma semaphore(%run_scoped3A_51 : memref<!tpu.dma_semaphore, #tpu.memory_space<semaphore_mem>>) src(%dma_wait3A_64 : memref<80x16xf32, #tpu.memory_space<vmem>>) dst(%dma_wait3A_69 : memref<10000x16xf32, #tpu.memory_space<vmem_shared>>)
      tpu.yield
    }) : () -> ()
    "tpu.region"() ({
      %run_scoped3A_51 = tpu.sem_alloc : memref<!tpu.dma_semaphore, #tpu.memory_space<semaphore_mem>>
      %dma_start3A_52 = arith.constant 9920 : i32
      %dma_start3A_53 = tpu.memref_slice %arg13[%dma_start3A_52] : memref<10000xi32, #tpu.memory_space<vmem>> -> memref<80xi32, #tpu.memory_space<vmem>>
      %dma_start3A_54 = arith.constant 0 : i32
      %dma_start3A_55 = arith.constant 0 : i32
      %dma_start3A_56 = tpu.memref_slice %arg11[%dma_start3A_54, %dma_start3A_55] : memref<10000x16xf32, #tpu.memory_space<vmem_shared>> -> memref<10000x16xf32, #tpu.memory_space<vmem_shared>>
      tpu.enqueue_indirect_dma source(%arg16 : memref<80x16xf32, #tpu.memory_space<vmem>>) target(%dma_start3A_56 : memref<10000x16xf32, #tpu.memory_space<vmem_shared>>) offsets(%dma_start3A_53 : memref<80xi32, #tpu.memory_space<vmem>>) semaphore(%run_scoped3A_51 : memref<!tpu.dma_semaphore, #tpu.memory_space<semaphore_mem>>) {add = true}
      %dma_wait3A_57 = arith.constant 9920 : i32
      %dma_wait3A_58 = tpu.memref_slice %arg13[%dma_wait3A_57] : memref<10000xi32, #tpu.memory_space<vmem>> -> memref<80xi32, #tpu.memory_space<vmem>>
      %dma_wait3A_59 = arith.constant 0 : i32
      %dma_wait3A_60 = arith.constant 0 : i32
      %dma_wait3A_61 = tpu.memref_slice %arg11[%dma_wait3A_59, %dma_wait3A_60] : memref<10000x16xf32, #tpu.memory_space<vmem_shared>> -> memref<10000x16xf32, #tpu.memory_space<vmem_shared>>
      tpu.wait_indirect_dma semaphore(%run_scoped3A_51 : memref<!tpu.dma_semaphore, #tpu.memory_space<semaphore_mem>>) src(%arg16 : memref<80x16xf32, #tpu.memory_space<vmem>>) dst(%dma_wait3A_61 : memref<10000x16xf32, #tpu.memory_space<vmem_shared>>)
      tpu.yield
    }) : () -> ()
    "tpu.region"() ({
      %run_scoped3A_51 = tpu.sem_alloc : memref<!tpu.dma_semaphore, #tpu.memory_space<semaphore_mem>>
      %dma_start3A_52 = arith.constant 9920 : i32
      %dma_start3A_53 = tpu.memref_slice %arg14[%dma_start3A_52] : memref<10000xi32, #tpu.memory_space<vmem>> -> memref<80xi32, #tpu.memory_space<vmem>>
      %dma_start3A_54 = arith.constant 0 : i32
      %dma_start3A_55 = arith.constant 0 : i32
      %dma_start3A_56 = tpu.memref_slice %arg12[%dma_start3A_54, %dma_start3A_55] : memref<10000x16xf32, #tpu.memory_space<vmem_shared>> -> memref<10000x16xf32, #tpu.memory_space<vmem_shared>>
      tpu.enqueue_indirect_dma source(%arg16 : memref<80x16xf32, #tpu.memory_space<vmem>>) target(%dma_start3A_56 : memref<10000x16xf32, #tpu.memory_space<vmem_shared>>) offsets(%dma_start3A_53 : memref<80xi32, #tpu.memory_space<vmem>>) semaphore(%run_scoped3A_51 : memref<!tpu.dma_semaphore, #tpu.memory_space<semaphore_mem>>) {add = true}
      %dma_wait3A_57 = arith.constant 9920 : i32
      %dma_wait3A_58 = tpu.memref_slice %arg14[%dma_wait3A_57] : memref<10000xi32, #tpu.memory_space<vmem>> -> memref<80xi32, #tpu.memory_space<vmem>>
      %dma_wait3A_59 = arith.constant 0 : i32
      %dma_wait3A_60 = arith.constant 0 : i32
      %dma_wait3A_61 = tpu.memref_slice %arg12[%dma_wait3A_59, %dma_wait3A_60] : memref<10000x16xf32, #tpu.memory_space<vmem_shared>> -> memref<10000x16xf32, #tpu.memory_space<vmem_shared>>
      tpu.wait_indirect_dma semaphore(%run_scoped3A_51 : memref<!tpu.dma_semaphore, #tpu.memory_space<semaphore_mem>>) src(%arg16 : memref<80x16xf32, #tpu.memory_space<vmem>>) dst(%dma_wait3A_61 : memref<10000x16xf32, #tpu.memory_space<vmem_shared>>)
      tpu.yield
    }) : () -> ()
    %barrier3A_50 = arith.constant 0 : index
    tpu.barrier barrier_id(%barrier3A_50)
    "tpu.region"() ({
      %run_scoped3A_51 = tpu.sem_alloc : memref<!tpu.dma_semaphore, #tpu.memory_space<semaphore_mem>>
      %dma_start3A_52 = arith.constant 0 : i32
      %dma_start3A_53 = tpu.memref_slice %arg7[%arg0, %mul3A_2, %dma_start3A_52] : memref<2x10000x16xf32, #tpu.memory_space<hbm>> -> memref<1x625x16xf32, #tpu.memory_space<hbm>>
      %dma_start3A_54 = tpu.memref_squeeze %dma_start3A_53 : memref<1x625x16xf32, #tpu.memory_space<hbm>> -> memref<625x16xf32, #tpu.memory_space<hbm>>
      %dma_start3A_55 = arith.constant 0 : i32
      %dma_start3A_56 = tpu.memref_slice %arg10[%mul3A_2, %dma_start3A_55] : memref<10000x16xf32, #tpu.memory_space<vmem_shared>> -> memref<625x16xf32, #tpu.memory_space<vmem_shared>>
      tpu.enqueue_dma source(%dma_start3A_56 : memref<625x16xf32, #tpu.memory_space<vmem_shared>>) target(%dma_start3A_54 : memref<625x16xf32, #tpu.memory_space<hbm>>) target_semaphore(%run_scoped3A_51 : memref<!tpu.dma_semaphore, #tpu.memory_space<semaphore_mem>>)
      %dma_wait3A_57 = arith.constant 0 : i32
      %dma_wait3A_58 = tpu.memref_slice %arg7[%arg0, %mul3A_2, %dma_wait3A_57] : memref<2x10000x16xf32, #tpu.memory_space<hbm>> -> memref<1x625x16xf32, #tpu.memory_space<hbm>>
      %dma_wait3A_59 = tpu.memref_squeeze %dma_wait3A_58 : memref<1x625x16xf32, #tpu.memory_space<hbm>> -> memref<625x16xf32, #tpu.memory_space<hbm>>
      %dma_wait3A_60 = arith.constant 0 : i32
      %dma_wait3A_61 = tpu.memref_slice %arg10[%mul3A_2, %dma_wait3A_60] : memref<10000x16xf32, #tpu.memory_space<vmem_shared>> -> memref<625x16xf32, #tpu.memory_space<vmem_shared>>
      tpu.wait_dma2 semaphore(%run_scoped3A_51 : memref<!tpu.dma_semaphore, #tpu.memory_space<semaphore_mem>>) src(%dma_wait3A_61 : memref<625x16xf32, #tpu.memory_space<vmem_shared>>) dst(%dma_wait3A_59 : memref<625x16xf32, #tpu.memory_space<hbm>>)
      tpu.yield
    }) : () -> ()
    "tpu.region"() ({
      %run_scoped3A_51 = tpu.sem_alloc : memref<!tpu.dma_semaphore, #tpu.memory_space<semaphore_mem>>
      %dma_start3A_52 = arith.constant 0 : i32
      %dma_start3A_53 = tpu.memref_slice %arg8[%arg0, %mul3A_2, %dma_start3A_52] : memref<2x10000x16xf32, #tpu.memory_space<hbm>> -> memref<1x625x16xf32, #tpu.memory_space<hbm>>
      %dma_start3A_54 = tpu.memref_squeeze %dma_start3A_53 : memref<1x625x16xf32, #tpu.memory_space<hbm>> -> memref<625x16xf32, #tpu.memory_space<hbm>>
      %dma_start3A_55 = arith.constant 0 : i32
      %dma_start3A_56 = tpu.memref_slice %arg11[%mul3A_2, %dma_start3A_55] : memref<10000x16xf32, #tpu.memory_space<vmem_shared>> -> memref<625x16xf32, #tpu.memory_space<vmem_shared>>
      tpu.enqueue_dma source(%dma_start3A_56 : memref<625x16xf32, #tpu.memory_space<vmem_shared>>) target(%dma_start3A_54 : memref<625x16xf32, #tpu.memory_space<hbm>>) target_semaphore(%run_scoped3A_51 : memref<!tpu.dma_semaphore, #tpu.memory_space<semaphore_mem>>)
      %dma_wait3A_57 = arith.constant 0 : i32
      %dma_wait3A_58 = tpu.memref_slice %arg8[%arg0, %mul3A_2, %dma_wait3A_57] : memref<2x10000x16xf32, #tpu.memory_space<hbm>> -> memref<1x625x16xf32, #tpu.memory_space<hbm>>
      %dma_wait3A_59 = tpu.memref_squeeze %dma_wait3A_58 : memref<1x625x16xf32, #tpu.memory_space<hbm>> -> memref<625x16xf32, #tpu.memory_space<hbm>>
      %dma_wait3A_60 = arith.constant 0 : i32
      %dma_wait3A_61 = tpu.memref_slice %arg11[%mul3A_2, %dma_wait3A_60] : memref<10000x16xf32, #tpu.memory_space<vmem_shared>> -> memref<625x16xf32, #tpu.memory_space<vmem_shared>>
      tpu.wait_dma2 semaphore(%run_scoped3A_51 : memref<!tpu.dma_semaphore, #tpu.memory_space<semaphore_mem>>) src(%dma_wait3A_61 : memref<625x16xf32, #tpu.memory_space<vmem_shared>>) dst(%dma_wait3A_59 : memref<625x16xf32, #tpu.memory_space<hbm>>)
      tpu.yield
    }) : () -> ()
    "tpu.region"() ({
      %run_scoped3A_51 = tpu.sem_alloc : memref<!tpu.dma_semaphore, #tpu.memory_space<semaphore_mem>>
      %dma_start3A_52 = arith.constant 0 : i32
      %dma_start3A_53 = tpu.memref_slice %arg9[%arg0, %mul3A_2, %dma_start3A_52] : memref<2x10000x16xf32, #tpu.memory_space<hbm>> -> memref<1x625x16xf32, #tpu.memory_space<hbm>>
      %dma_start3A_54 = tpu.memref_squeeze %dma_start3A_53 : memref<1x625x16xf32, #tpu.memory_space<hbm>> -> memref<625x16xf32, #tpu.memory_space<hbm>>
      %dma_start3A_55 = arith.constant 0 : i32
      %dma_start3A_56 = tpu.memref_slice %arg12[%mul3A_2, %dma_start3A_55] : memref<10000x16xf32, #tpu.memory_space<vmem_shared>> -> memref<625x16xf32, #tpu.memory_space<vmem_shared>>
      tpu.enqueue_dma source(%dma_start3A_56 : memref<625x16xf32, #tpu.memory_space<vmem_shared>>) target(%dma_start3A_54 : memref<625x16xf32, #tpu.memory_space<hbm>>) target_semaphore(%run_scoped3A_51 : memref<!tpu.dma_semaphore, #tpu.memory_space<semaphore_mem>>)
      %dma_wait3A_57 = arith.constant 0 : i32
      %dma_wait3A_58 = tpu.memref_slice %arg9[%arg0, %mul3A_2, %dma_wait3A_57] : memref<2x10000x16xf32, #tpu.memory_space<hbm>> -> memref<1x625x16xf32, #tpu.memory_space<hbm>>
      %dma_wait3A_59 = tpu.memref_squeeze %dma_wait3A_58 : memref<1x625x16xf32, #tpu.memory_space<hbm>> -> memref<625x16xf32, #tpu.memory_space<hbm>>
      %dma_wait3A_60 = arith.constant 0 : i32
      %dma_wait3A_61 = tpu.memref_slice %arg12[%mul3A_2, %dma_wait3A_60] : memref<10000x16xf32, #tpu.memory_space<vmem_shared>> -> memref<625x16xf32, #tpu.memory_space<vmem_shared>>
      tpu.wait_dma2 semaphore(%run_scoped3A_51 : memref<!tpu.dma_semaphore, #tpu.memory_space<semaphore_mem>>) src(%dma_wait3A_61 : memref<625x16xf32, #tpu.memory_space<vmem_shared>>) dst(%dma_wait3A_59 : memref<625x16xf32, #tpu.memory_space<hbm>>)
      tpu.yield
    }) : () -> ()
    return
  }
}

module attributes {stable_mosaic.version = 14 : i64} {
  func.func @_ep_body(%arg0: i32, %arg1: memref<2000x16xf32, #tpu.memory_space<vmem>>, %arg2: memref<16x128xf32, #tpu.memory_space<vmem>>, %arg3: memref<2000x128xf32, #tpu.memory_space<vmem>>, %arg4: memref<16x16xf32, #tpu.memory_space<vmem>>) attributes {dimension_semantics = [#tpu.dimension_semantics<arbitrary>], iteration_bounds = array<i64: 160>, scalar_prefetch = 0 : i64, scratch_operands = 0 : i64, tpu.core_type = #tpu.core_type<tc>, window_params = [{transform_indices = @transform_0, window_bounds = array<i64: 2000, 16>}, {pipeline_mode = #tpu.pipeline_mode<synchronous>, transform_indices = @transform_1, window_bounds = array<i64: 16, 128>}, {transform_indices = @transform_2, window_bounds = array<i64: 2000, 128>}, {pipeline_mode = #tpu.pipeline_mode<synchronous>, transform_indices = @transform_3, window_bounds = array<i64: 16, 16>}]} {
    %get3A = arith.constant 0 : index
    %get3A_0 = arith.constant 0 : index
    %get3A_1 = vector.load %arg1[%get3A, %get3A_0] : memref<2000x16xf32, #tpu.memory_space<vmem>>, vector<2000x16xf32>
    %get3A_2 = arith.constant 0 : index
    %get3A_3 = arith.constant 0 : index
    %get3A_4 = vector.load %arg2[%get3A_2, %get3A_3] : memref<16x128xf32, #tpu.memory_space<vmem>>, vector<16x128xf32>
    %dot_general3A = arith.constant dense<0.000000e+00> : vector<2000x128xf32>
    %dot_general3A_5 = tpu.matmul %get3A_1, %get3A_4, %dot_general3A {dimension_numbers = #tpu.dot_dimension_numbers<[1], [0], [0], [1], [0, 0, 1, 1], [], []>, transpose_lhs_hint = false} : vector<2000x16xf32>, vector<16x128xf32>, vector<2000x128xf32> -> vector<2000x128xf32>
    %swap3A = arith.constant 0 : index
    %swap3A_6 = arith.constant 0 : index
    %swap3A_7 = vector.load %arg3[%swap3A, %swap3A_6] : memref<2000x128xf32, #tpu.memory_space<vmem>>, vector<2000x128xf32>
    tpu.vector_store %arg3[%swap3A, %swap3A_6], %dot_general3A_5 {strides = array<i32>} : memref<2000x128xf32, #tpu.memory_space<vmem>>, vector<2000x128xf32>,
    %dot_general3A_8 = arith.constant dense<0.000000e+00> : vector<16x16xf32>
    %dot_general3A_9 = tpu.matmul %get3A_1, %get3A_1, %dot_general3A_8 {dimension_numbers = #tpu.dot_dimension_numbers<[0], [0], [1], [1], [0, 1, 1, 1], [], []>, transpose_lhs_hint = false} : vector<2000x16xf32>, vector<2000x16xf32>, vector<16x16xf32> -> vector<16x16xf32>
    %eq3A = arith.constant 0 : i32
    %eq3A_10 = arith.cmpi eq, %arg0, %eq3A : i32
    %convert_element_type3A = arith.extui %eq3A_10 : i1 to i32
    %cond3A = arith.constant 0 : i32
    %cond3A_11 = arith.cmpi ne, %convert_element_type3A, %cond3A : i32
    scf.if %cond3A_11 {
      %broadcast_in_dim3A = arith.constant 0.000000e+00 : f32
      %broadcast_in_dim3A_18 = vector.broadcast %broadcast_in_dim3A : f32 to vector<16x16xf32>
      %swap3A_19 = arith.constant 0 : index
      %swap3A_20 = arith.constant 0 : index
      %swap3A_21 = vector.load %arg4[%swap3A_19, %swap3A_20] : memref<16x16xf32, #tpu.memory_space<vmem>>, vector<16x16xf32>
      tpu.vector_store %arg4[%swap3A_19, %swap3A_20], %broadcast_in_dim3A_18 {strides = array<i32>} : memref<16x16xf32, #tpu.memory_space<vmem>>, vector<16x16xf32>,
    } else {
    }
    %get3A_12 = arith.constant 0 : index
    %get3A_13 = arith.constant 0 : index
    %get3A_14 = vector.load %arg4[%get3A_12, %get3A_13] : memref<16x16xf32, #tpu.memory_space<vmem>>, vector<16x16xf32>
    %add3A = arith.addf %get3A_14, %dot_general3A_9 : vector<16x16xf32>
    %swap3A_15 = arith.constant 0 : index
    %swap3A_16 = arith.constant 0 : index
    %swap3A_17 = vector.load %arg4[%swap3A_15, %swap3A_16] : memref<16x16xf32, #tpu.memory_space<vmem>>, vector<16x16xf32>
    tpu.vector_store %arg4[%swap3A_15, %swap3A_16], %add3A {strides = array<i32>} : memref<16x16xf32, #tpu.memory_space<vmem>>, vector<16x16xf32>,
    return
  }
  func.func @transform_0(%arg0: i32) -> (i32, i32) {
    %c0_i32 = arith.constant 0 : i32
    %c0_i32_0 = arith.constant 0 : i32
    return %arg0, %c0_i32 : i32, i32
  }
  func.func @transform_1(%arg0: i32) -> (i32, i32) {
    %c0_i32 = arith.constant 0 : i32
    %c0_i32_0 = arith.constant 0 : i32
    %c0_i32_1 = arith.constant 0 : i32
    return %c0_i32, %c0_i32_0 : i32, i32
  }
  func.func @transform_2(%arg0: i32) -> (i32, i32) {
    %c0_i32 = arith.constant 0 : i32
    %c0_i32_0 = arith.constant 0 : i32
    return %arg0, %c0_i32 : i32, i32
  }
  func.func @transform_3(%arg0: i32) -> (i32, i32) {
    %c0_i32 = arith.constant 0 : i32
    %c0_i32_0 = arith.constant 0 : i32
    %c0_i32_1 = arith.constant 0 : i32
    return %c0_i32, %c0_i32_0 : i32, i32
  }
}

module attributes {stable_mosaic.version = 14 : i64} {
  func.func @_y_body(%arg0: memref<10000x128xf32, #tpu.memory_space<vmem>>, %arg1: memref<128x128xf32, #tpu.memory_space<vmem>>, %arg2: memref<1x128xf32, #tpu.memory_space<vmem>>, %arg3: memref<10000x128xf32, #tpu.memory_space<vmem>>) attributes {dimension_semantics = [], scalar_prefetch = 0 : i64, scratch_operands = 0 : i64, tpu.core_type = #tpu.core_type<tc>} {
    %get3A = arith.constant 0 : index
    %get3A_0 = arith.constant 0 : index
    %get3A_1 = vector.load %arg0[%get3A, %get3A_0] : memref<10000x128xf32, #tpu.memory_space<vmem>>, vector<10000x128xf32>
    %get3A_2 = arith.constant 0 : index
    %get3A_3 = arith.constant 0 : index
    %get3A_4 = vector.load %arg1[%get3A_2, %get3A_3] : memref<128x128xf32, #tpu.memory_space<vmem>>, vector<128x128xf32>
    %dot_general3A = arith.constant dense<0.000000e+00> : vector<10000x128xf32>
    %dot_general3A_5 = tpu.matmul %get3A_1, %get3A_4, %dot_general3A {dimension_numbers = #tpu.dot_dimension_numbers<[1], [0], [0], [1], [0, 0, 1, 1], [], []>, transpose_lhs_hint = false} : vector<10000x128xf32>, vector<128x128xf32>, vector<10000x128xf32> -> vector<10000x128xf32>
    %get3A_6 = arith.constant 0 : index
    %get3A_7 = arith.constant 0 : index
    %get3A_8 = vector.load %arg2[%get3A_6, %get3A_7] : memref<1x128xf32, #tpu.memory_space<vmem>>, vector<1x128xf32>
    %add3A = vector.broadcast %get3A_8 : vector<1x128xf32> to vector<10000x128xf32>
    %add3A_9 = arith.addf %dot_general3A_5, %add3A : vector<10000x128xf32>
    %swap3A = arith.constant 0 : index
    %swap3A_10 = arith.constant 0 : index
    %swap3A_11 = vector.load %arg3[%swap3A, %swap3A_10] : memref<10000x128xf32, #tpu.memory_space<vmem>>, vector<10000x128xf32>
    tpu.vector_store %arg3[%swap3A, %swap3A_10], %add3A_9 {strides = array<i32>} : memref<10000x128xf32, #tpu.memory_space<vmem>>, vector<10000x128xf32>,
    return
  }
}

module attributes {stable_mosaic.version = 14 : i64} {
  func.func @_stats_body(%arg0: memref<10000x128xf32, #tpu.memory_space<vmem>>, %arg1: memref<2x10000x16xf32, #tpu.memory_space<vmem>>, %arg2: memref<2x10000x16xf32, #tpu.memory_space<vmem>>, %arg3: memref<16x16xf32, #tpu.memory_space<vmem>>, %arg4: memref<16x128xf32, #tpu.memory_space<vmem>>, %arg5: memref<1x128xf32, #tpu.memory_space<vmem>>, %arg6: memref<1x128xf32, #tpu.memory_space<vmem>>, %arg7: memref<2x128xf32, #tpu.memory_space<vmem>>) attributes {dimension_semantics = [], scalar_prefetch = 0 : i64, scratch_operands = 0 : i64, tpu.core_type = #tpu.core_type<tc>} {
    %get3A = arith.constant 0 : index
    %get3A_0 = arith.constant 0 : index
    %get3A_1 = vector.load %arg0[%get3A, %get3A_0] : memref<10000x128xf32, #tpu.memory_space<vmem>>, vector<10000x128xf32>
    %get3A_2 = arith.constant 0 : index
    %get3A_3 = arith.constant 0 : index
    %get3A_4 = arith.constant 0 : index
    %get3A_5 = vector.load %arg2[%get3A_2, %get3A_3, %get3A_4] : memref<2x10000x16xf32, #tpu.memory_space<vmem>>, vector<1x10000x1xf32>
    %get3A_6 = vector.shape_cast %get3A_5 : vector<1x10000x1xf32> to vector<10000x1xf32>
    %get3A_7 = arith.constant 1 : index
    %get3A_8 = arith.constant 0 : index
    %get3A_9 = arith.constant 0 : index
    %get3A_10 = vector.load %arg2[%get3A_7, %get3A_8, %get3A_9] : memref<2x10000x16xf32, #tpu.memory_space<vmem>>, vector<1x10000x1xf32>
    %get3A_11 = vector.shape_cast %get3A_10 : vector<1x10000x1xf32> to vector<10000x1xf32>
    %add3A = arith.addf %get3A_6, %get3A_11 : vector<10000x1xf32>
    %get3A_12 = arith.constant 0 : index
    %get3A_13 = arith.constant 0 : index
    %get3A_14 = arith.constant 0 : index
    %get3A_15 = vector.load %arg1[%get3A_12, %get3A_13, %get3A_14] : memref<2x10000x16xf32, #tpu.memory_space<vmem>>, vector<1x10000x16xf32>
    %get3A_16 = vector.shape_cast %get3A_15 : vector<1x10000x16xf32> to vector<10000x16xf32>
    %get3A_17 = arith.constant 1 : index
    %get3A_18 = arith.constant 0 : index
    %get3A_19 = arith.constant 0 : index
    %get3A_20 = vector.load %arg1[%get3A_17, %get3A_18, %get3A_19] : memref<2x10000x16xf32, #tpu.memory_space<vmem>>, vector<1x10000x16xf32>
    %get3A_21 = vector.shape_cast %get3A_20 : vector<1x10000x16xf32> to vector<10000x16xf32>
    %add3A_22 = arith.addf %get3A_16, %get3A_21 : vector<10000x16xf32>
    %get3A_23 = arith.constant 0 : index
    %get3A_24 = arith.constant 0 : index
    %get3A_25 = vector.load %arg4[%get3A_23, %get3A_24] : memref<16x128xf32, #tpu.memory_space<vmem>>, vector<16x128xf32>
    %dot_general3A = arith.constant dense<0.000000e+00> : vector<10000x128xf32>
    %dot_general3A_26 = tpu.matmul %add3A_22, %get3A_25, %dot_general3A {dimension_numbers = #tpu.dot_dimension_numbers<[1], [0], [0], [1], [0, 0, 1, 1], [], []>, transpose_lhs_hint = false} : vector<10000x16xf32>, vector<16x128xf32>, vector<10000x128xf32> -> vector<10000x128xf32>
    %mul3A = vector.broadcast %add3A : vector<10000x1xf32> to vector<10000x128xf32>
    %mul3A_27 = arith.mulf %get3A_1, %mul3A : vector<10000x128xf32>
    %reduce_sum3A = arith.constant dense<0.000000e+00> : vector<128xf32>
    %reduce_sum3A_28 = vector.multi_reduction <add>, %mul3A_27, %reduce_sum3A [0] : vector<10000x128xf32> to vector<128xf32>
    %broadcast_in_dim3A = vector.shape_cast %reduce_sum3A_28 : vector<128xf32> to vector<1x128xf32>
    %mul3A_29 = arith.mulf %get3A_1, %get3A_1 : vector<10000x128xf32>
    %mul3A_30 = vector.broadcast %add3A : vector<10000x1xf32> to vector<10000x128xf32>
    %mul3A_31 = arith.mulf %mul3A_29, %mul3A_30 : vector<10000x128xf32>
    %reduce_sum3A_32 = arith.constant dense<0.000000e+00> : vector<128xf32>
    %reduce_sum3A_33 = vector.multi_reduction <add>, %mul3A_31, %reduce_sum3A_32 [0] : vector<10000x128xf32> to vector<128xf32>
    %broadcast_in_dim3A_34 = vector.shape_cast %reduce_sum3A_33 : vector<128xf32> to vector<1x128xf32>
    %mul3A_35 = arith.mulf %get3A_1, %dot_general3A_26 : vector<10000x128xf32>
    %reduce_sum3A_36 = arith.constant dense<0.000000e+00> : vector<128xf32>
    %reduce_sum3A_37 = vector.multi_reduction <add>, %mul3A_35, %reduce_sum3A_36 [0] : vector<10000x128xf32> to vector<128xf32>
    %broadcast_in_dim3A_38 = vector.shape_cast %reduce_sum3A_37 : vector<128xf32> to vector<1x128xf32>
    %reduce_sum3A_39 = arith.constant dense<0.000000e+00> : vector<128xf32>
    %reduce_sum3A_40 = vector.multi_reduction <add>, %dot_general3A_26, %reduce_sum3A_39 [0] : vector<10000x128xf32> to vector<128xf32>
    %broadcast_in_dim3A_41 = vector.shape_cast %reduce_sum3A_40 : vector<128xf32> to vector<1x128xf32>
    %get3A_42 = arith.constant 0 : index
    %get3A_43 = arith.constant 0 : index
    %get3A_44 = vector.load %arg3[%get3A_42, %get3A_43] : memref<16x16xf32, #tpu.memory_space<vmem>>, vector<16x16xf32>
    %dot_general3A_45 = arith.constant dense<0.000000e+00> : vector<16x128xf32>
    %dot_general3A_46 = tpu.matmul %get3A_44, %get3A_25, %dot_general3A_45 {dimension_numbers = #tpu.dot_dimension_numbers<[1], [0], [0], [1], [0, 0, 1, 1], [], []>, transpose_lhs_hint = false} : vector<16x16xf32>, vector<16x128xf32>, vector<16x128xf32> -> vector<16x128xf32>
    %mul3A_47 = arith.mulf %get3A_25, %dot_general3A_46 : vector<16x128xf32>
    %reduce_sum3A_48 = arith.constant dense<0.000000e+00> : vector<128xf32>
    %reduce_sum3A_49 = vector.multi_reduction <add>, %mul3A_47, %reduce_sum3A_48 [0] : vector<16x128xf32> to vector<128xf32>
    %broadcast_in_dim3A_50 = vector.shape_cast %reduce_sum3A_49 : vector<128xf32> to vector<1x128xf32>
    %add3A_51 = arith.addf %broadcast_in_dim3A, %broadcast_in_dim3A_41 : vector<1x128xf32>
    %mul3A_52 = arith.constant 3.125000e-06 : f32
    %mul3A_53 = vector.broadcast %mul3A_52 : f32 to vector<1x128xf32>
    %mul3A_54 = arith.mulf %add3A_51, %mul3A_53 : vector<1x128xf32>
    %mul3A_55 = arith.constant 2.000000e+00 : f32
    %mul3A_56 = vector.broadcast %mul3A_55 : f32 to vector<1x128xf32>
    %mul3A_57 = arith.mulf %mul3A_56, %broadcast_in_dim3A_38 : vector<1x128xf32>
    %add3A_58 = arith.addf %broadcast_in_dim3A_34, %mul3A_57 : vector<1x128xf32>
    %add3A_59 = arith.addf %add3A_58, %broadcast_in_dim3A_50 : vector<1x128xf32>
    %mul3A_60 = arith.constant 3.125000e-06 : f32
    %mul3A_61 = vector.broadcast %mul3A_60 : f32 to vector<1x128xf32>
    %mul3A_62 = arith.mulf %add3A_59, %mul3A_61 : vector<1x128xf32>
    %mul3A_63 = arith.mulf %mul3A_54, %mul3A_54 : vector<1x128xf32>
    %sub3A = arith.subf %mul3A_62, %mul3A_63 : vector<1x128xf32>
    %get3A_64 = arith.constant 0 : index
    %get3A_65 = arith.constant 0 : index
    %get3A_66 = vector.load %arg5[%get3A_64, %get3A_65] : memref<1x128xf32, #tpu.memory_space<vmem>>, vector<1x128xf32>
    %add3A_67 = arith.constant 9.99999974E-6 : f32
    %add3A_68 = vector.broadcast %add3A_67 : f32 to vector<1x128xf32>
    %add3A_69 = arith.addf %sub3A, %add3A_68 : vector<1x128xf32>
    %sqrt3A = math.sqrt %add3A_69 : vector<1x128xf32>
    %div3A = arith.divf %get3A_66, %sqrt3A : vector<1x128xf32>
    %get3A_70 = arith.constant 0 : index
    %get3A_71 = arith.constant 0 : index
    %get3A_72 = vector.load %arg6[%get3A_70, %get3A_71] : memref<1x128xf32, #tpu.memory_space<vmem>>, vector<1x128xf32>
    %mul3A_73 = arith.mulf %mul3A_54, %div3A : vector<1x128xf32>
    %sub3A_74 = arith.subf %get3A_72, %mul3A_73 : vector<1x128xf32>
    %swap3A = arith.constant 0 : index
    %swap3A_75 = arith.constant 0 : index
    %swap3A_76 = vector.load %arg7[%swap3A, %swap3A_75] : memref<2x128xf32, #tpu.memory_space<vmem>>, vector<1x128xf32>
    tpu.vector_store %arg7[%swap3A, %swap3A_75], %div3A {strides = array<i32>} : memref<2x128xf32, #tpu.memory_space<vmem>>, vector<1x128xf32>,
    %swap3A_77 = arith.constant 1 : index
    %swap3A_78 = arith.constant 0 : index
    %swap3A_79 = vector.load %arg7[%swap3A_77, %swap3A_78] : memref<2x128xf32, #tpu.memory_space<vmem>>, vector<1x128xf32>
    tpu.vector_store %arg7[%swap3A_77, %swap3A_78], %sub3A_74 {strides = array<i32>} : memref<2x128xf32, #tpu.memory_space<vmem>>, vector<1x128xf32>,
    return
  }
}

module attributes {stable_mosaic.version = 14 : i64} {
  func.func @_final_body(%arg0: memref<10000x128xf32, #tpu.memory_space<vmem>>, %arg1: memref<2x10000x128xf32, #tpu.memory_space<vmem>>, %arg2: memref<2x10000x16xf32, #tpu.memory_space<vmem>>, %arg3: memref<64x64xf32, #tpu.memory_space<vmem>>, %arg4: memref<10000x1xi32, #tpu.memory_space<vmem>>, %arg5: memref<128x128xf32, #tpu.memory_space<vmem>>, %arg6: memref<1x128xf32, #tpu.memory_space<vmem>>, %arg7: memref<128x128xf32, #tpu.memory_space<vmem>>, %arg8: memref<128x128xf32, #tpu.memory_space<vmem>>, %arg9: memref<64x128xf32, #tpu.memory_space<vmem>>, %arg10: memref<1x128xf32, #tpu.memory_space<vmem>>, %arg11: memref<1x128xf32, #tpu.memory_space<vmem>>, %arg12: memref<1x128xf32, #tpu.memory_space<vmem>>, %arg13: memref<128x128xf32, #tpu.memory_space<vmem>>, %arg14: memref<1x128xf32, #tpu.memory_space<vmem>>, %arg15: memref<10000x128xf32, #tpu.memory_space<vmem>>) attributes {dimension_semantics = [], scalar_prefetch = 0 : i64, scratch_operands = 0 : i64, tpu.core_type = #tpu.core_type<tc>} {
    %get3A = arith.constant 0 : index
    %get3A_0 = arith.constant 0 : index
    %get3A_1 = arith.constant 0 : index
    %get3A_2 = vector.load %arg1[%get3A, %get3A_0, %get3A_1] : memref<2x10000x128xf32, #tpu.memory_space<vmem>>, vector<1x10000x128xf32>
    %get3A_3 = vector.shape_cast %get3A_2 : vector<1x10000x128xf32> to vector<10000x128xf32>
    %get3A_4 = arith.constant 1 : index
    %get3A_5 = arith.constant 0 : index
    %get3A_6 = arith.constant 0 : index
    %get3A_7 = vector.load %arg1[%get3A_4, %get3A_5, %get3A_6] : memref<2x10000x128xf32, #tpu.memory_space<vmem>>, vector<1x10000x128xf32>
    %get3A_8 = vector.shape_cast %get3A_7 : vector<1x10000x128xf32> to vector<10000x128xf32>
    %add3A = arith.addf %get3A_3, %get3A_8 : vector<10000x128xf32>
    %get3A_9 = arith.constant 0 : index
    %get3A_10 = arith.constant 0 : index
    %get3A_11 = arith.constant 0 : index
    %get3A_12 = vector.load %arg2[%get3A_9, %get3A_10, %get3A_11] : memref<2x10000x16xf32, #tpu.memory_space<vmem>>, vector<1x10000x1xf32>
    %get3A_13 = vector.shape_cast %get3A_12 : vector<1x10000x1xf32> to vector<10000x1xf32>
    %get3A_14 = arith.constant 1 : index
    %get3A_15 = arith.constant 0 : index
    %get3A_16 = arith.constant 0 : index
    %get3A_17 = vector.load %arg2[%get3A_14, %get3A_15, %get3A_16] : memref<2x10000x16xf32, #tpu.memory_space<vmem>>, vector<1x10000x1xf32>
    %get3A_18 = vector.shape_cast %get3A_17 : vector<1x10000x1xf32> to vector<10000x1xf32>
    %add3A_19 = arith.addf %get3A_13, %get3A_18 : vector<10000x1xf32>
    %max3A = arith.constant 1.000000e+00 : f32
    %max3A_20 = vector.broadcast %max3A : f32 to vector<10000x1xf32>
    %max3A_21 = arith.maximumf %add3A_19, %max3A_20 : vector<10000x1xf32>
    %div3A = arith.constant 1.000000e+00 : f32
    %div3A_22 = vector.broadcast %div3A : f32 to vector<10000x1xf32>
    %div3A_23 = arith.divf %div3A_22, %max3A_21 : vector<10000x1xf32>
    %gt3A = arith.constant 0.000000e+00 : f32
    %gt3A_24 = vector.broadcast %gt3A : f32 to vector<10000x1xf32>
    %gt3A_25 = arith.cmpf ogt, %add3A_19, %gt3A_24 : vector<10000x1xf32>
    %convert_element_type3A = arith.extui %gt3A_25 : vector<10000x1xi1> to vector<10000x1xi32>
    %convert_element_type3A_26 = arith.sitofp %convert_element_type3A : vector<10000x1xi32> to vector<10000x1xf32>
    %get3A_27 = arith.constant 0 : index
    %get3A_28 = arith.constant 0 : index
    %get3A_29 = vector.load %arg5[%get3A_27, %get3A_28] : memref<128x128xf32, #tpu.memory_space<vmem>>, vector<128x128xf32>
    %dot_general3A = arith.constant dense<0.000000e+00> : vector<10000x128xf32>
    %dot_general3A_30 = tpu.matmul %add3A, %get3A_29, %dot_general3A {dimension_numbers = #tpu.dot_dimension_numbers<[1], [0], [0], [1], [0, 0, 1, 1], [], []>, transpose_lhs_hint = false} : vector<10000x128xf32>, vector<128x128xf32>, vector<10000x128xf32> -> vector<10000x128xf32>
    %mul3A = vector.broadcast %div3A_23 : vector<10000x1xf32> to vector<10000x128xf32>
    %mul3A_31 = arith.mulf %dot_general3A_30, %mul3A : vector<10000x128xf32>
    %get3A_32 = arith.constant 0 : index
    %get3A_33 = arith.constant 0 : index
    %get3A_34 = vector.load %arg6[%get3A_32, %get3A_33] : memref<1x128xf32, #tpu.memory_space<vmem>>, vector<1x128xf32>
    %mul3A_35 = vector.broadcast %get3A_34 : vector<1x128xf32> to vector<10000x128xf32>
    %mul3A_36 = vector.broadcast %convert_element_type3A_26 : vector<10000x1xf32> to vector<10000x128xf32>
    %mul3A_37 = arith.mulf %mul3A_35, %mul3A_36 : vector<10000x128xf32>
    %add3A_38 = arith.addf %mul3A_31, %mul3A_37 : vector<10000x128xf32>
    %get3A_39 = arith.constant 0 : index
    %get3A_40 = arith.constant 0 : index
    %get3A_41 = vector.load %arg4[%get3A_39, %get3A_40] : memref<10000x1xi32, #tpu.memory_space<vmem>>, vector<10000x1xi32>
    %iota3A = tpu.iota {dimensions = array<i32: 1>} : vector<10000x64xi32>
    %eq3A = vector.broadcast %get3A_41 : vector<10000x1xi32> to vector<10000x64xi32>
    %eq3A_42 = arith.cmpi eq, %eq3A, %iota3A : vector<10000x64xi32>
    %convert_element_type3A_43 = arith.extui %eq3A_42 : vector<10000x64xi1> to vector<10000x64xi32>
    %convert_element_type3A_44 = arith.sitofp %convert_element_type3A_43 : vector<10000x64xi32> to vector<10000x64xf32>
    %get3A_45 = arith.constant 0 : index
    %get3A_46 = arith.constant 0 : index
    %get3A_47 = vector.load %arg3[%get3A_45, %get3A_46] : memref<64x64xf32, #tpu.memory_space<vmem>>, vector<64x64xf32>
    %get3A_48 = arith.constant 0 : index
    %get3A_49 = arith.constant 0 : index
    %get3A_50 = vector.load %arg9[%get3A_48, %get3A_49] : memref<64x128xf32, #tpu.memory_space<vmem>>, vector<64x128xf32>
    %dot_general3A_51 = arith.constant dense<0.000000e+00> : vector<64x128xf32>
    %dot_general3A_52 = tpu.matmul %get3A_47, %get3A_50, %dot_general3A_51 {dimension_numbers = #tpu.dot_dimension_numbers<[1], [0], [0], [1], [0, 0, 1, 1], [], []>, transpose_lhs_hint = false} : vector<64x64xf32>, vector<64x128xf32>, vector<64x128xf32> -> vector<64x128xf32>
    %get3A_53 = arith.constant 0 : index
    %get3A_54 = arith.constant 0 : index
    %get3A_55 = vector.load %arg0[%get3A_53, %get3A_54] : memref<10000x128xf32, #tpu.memory_space<vmem>>, vector<10000x128xf32>
    %get3A_56 = arith.constant 0 : index
    %get3A_57 = arith.constant 0 : index
    %get3A_58 = vector.load %arg7[%get3A_56, %get3A_57] : memref<128x128xf32, #tpu.memory_space<vmem>>, vector<128x128xf32>
    %dot_general3A_59 = arith.constant dense<0.000000e+00> : vector<10000x128xf32>
    %dot_general3A_60 = tpu.matmul %get3A_55, %get3A_58, %dot_general3A_59 {dimension_numbers = #tpu.dot_dimension_numbers<[1], [0], [0], [1], [0, 0, 1, 1], [], []>, transpose_lhs_hint = false} : vector<10000x128xf32>, vector<128x128xf32>, vector<10000x128xf32> -> vector<10000x128xf32>
    %get3A_61 = arith.constant 0 : index
    %get3A_62 = arith.constant 0 : index
    %get3A_63 = vector.load %arg8[%get3A_61, %get3A_62] : memref<128x128xf32, #tpu.memory_space<vmem>>, vector<128x128xf32>
    %dot_general3A_64 = arith.constant dense<0.000000e+00> : vector<10000x128xf32>
    %dot_general3A_65 = tpu.matmul %add3A_38, %get3A_63, %dot_general3A_64 {dimension_numbers = #tpu.dot_dimension_numbers<[1], [0], [0], [1], [0, 0, 1, 1], [], []>, transpose_lhs_hint = false} : vector<10000x128xf32>, vector<128x128xf32>, vector<10000x128xf32> -> vector<10000x128xf32>
    %add3A_66 = arith.addf %dot_general3A_60, %dot_general3A_65 : vector<10000x128xf32>
    %dot_general3A_67 = arith.constant dense<0.000000e+00> : vector<10000x128xf32>
    %dot_general3A_68 = tpu.matmul %convert_element_type3A_44, %dot_general3A_52, %dot_general3A_67 {dimension_numbers = #tpu.dot_dimension_numbers<[1], [0], [0], [1], [0, 0, 1, 1], [], []>, transpose_lhs_hint = false} : vector<10000x64xf32>, vector<64x128xf32>, vector<10000x128xf32> -> vector<10000x128xf32>
    %add3A_69 = arith.addf %add3A_66, %dot_general3A_68 : vector<10000x128xf32>
    %get3A_70 = arith.constant 0 : index
    %get3A_71 = arith.constant 0 : index
    %get3A_72 = vector.load %arg10[%get3A_70, %get3A_71] : memref<1x128xf32, #tpu.memory_space<vmem>>, vector<1x128xf32>
    %add3A_73 = vector.broadcast %get3A_72 : vector<1x128xf32> to vector<10000x128xf32>
    %add3A_74 = arith.addf %add3A_69, %add3A_73 : vector<10000x128xf32>
    %reduce_sum3A = arith.constant dense<0.000000e+00> : vector<128xf32>
    %reduce_sum3A_75 = vector.multi_reduction <add>, %add3A_74, %reduce_sum3A [0] : vector<10000x128xf32> to vector<128xf32>
    %broadcast_in_dim3A = vector.shape_cast %reduce_sum3A_75 : vector<128xf32> to vector<1x128xf32>
    %div3A_76 = arith.constant 1.000000e+04 : f32
    %div3A_77 = vector.broadcast %div3A_76 : f32 to vector<1x128xf32>
    %div3A_78 = arith.divf %broadcast_in_dim3A, %div3A_77 : vector<1x128xf32>
    %sub3A = vector.broadcast %div3A_78 : vector<1x128xf32> to vector<10000x128xf32>
    %sub3A_79 = arith.subf %add3A_74, %sub3A : vector<10000x128xf32>
    %mul3A_80 = arith.mulf %sub3A_79, %sub3A_79 : vector<10000x128xf32>
    %reduce_sum3A_81 = arith.constant dense<0.000000e+00> : vector<128xf32>
    %reduce_sum3A_82 = vector.multi_reduction <add>, %mul3A_80, %reduce_sum3A_81 [0] : vector<10000x128xf32> to vector<128xf32>
    %broadcast_in_dim3A_83 = vector.shape_cast %reduce_sum3A_82 : vector<128xf32> to vector<1x128xf32>
    %div3A_84 = arith.constant 1.000000e+04 : f32
    %div3A_85 = vector.broadcast %div3A_84 : f32 to vector<1x128xf32>
    %div3A_86 = arith.divf %broadcast_in_dim3A_83, %div3A_85 : vector<1x128xf32>
    %add3A_87 = arith.constant 9.99999974E-6 : f32
    %add3A_88 = vector.broadcast %add3A_87 : f32 to vector<1x128xf32>
    %add3A_89 = arith.addf %div3A_86, %add3A_88 : vector<1x128xf32>
    %sqrt3A = math.sqrt %add3A_89 : vector<1x128xf32>
    %div3A_90 = vector.broadcast %sqrt3A : vector<1x128xf32> to vector<10000x128xf32>
    %div3A_91 = arith.divf %sub3A_79, %div3A_90 : vector<10000x128xf32>
    %get3A_92 = arith.constant 0 : index
    %get3A_93 = arith.constant 0 : index
    %get3A_94 = vector.load %arg11[%get3A_92, %get3A_93] : memref<1x128xf32, #tpu.memory_space<vmem>>, vector<1x128xf32>
    %mul3A_95 = vector.broadcast %get3A_94 : vector<1x128xf32> to vector<10000x128xf32>
    %mul3A_96 = arith.mulf %div3A_91, %mul3A_95 : vector<10000x128xf32>
    %get3A_97 = arith.constant 0 : index
    %get3A_98 = arith.constant 0 : index
    %get3A_99 = vector.load %arg12[%get3A_97, %get3A_98] : memref<1x128xf32, #tpu.memory_space<vmem>>, vector<1x128xf32>
    %add3A_100 = vector.broadcast %get3A_99 : vector<1x128xf32> to vector<10000x128xf32>
    %add3A_101 = arith.addf %mul3A_96, %add3A_100 : vector<10000x128xf32>
    %max3A_102 = arith.constant 0.000000e+00 : f32
    %max3A_103 = vector.broadcast %max3A_102 : f32 to vector<10000x128xf32>
    %max3A_104 = arith.maximumf %add3A_101, %max3A_103 : vector<10000x128xf32>
    %get3A_105 = arith.constant 0 : index
    %get3A_106 = arith.constant 0 : index
    %get3A_107 = vector.load %arg13[%get3A_105, %get3A_106] : memref<128x128xf32, #tpu.memory_space<vmem>>, vector<128x128xf32>
    %dot_general3A_108 = arith.constant dense<0.000000e+00> : vector<10000x128xf32>
    %dot_general3A_109 = tpu.matmul %max3A_104, %get3A_107, %dot_general3A_108 {dimension_numbers = #tpu.dot_dimension_numbers<[1], [0], [0], [1], [0, 0, 1, 1], [], []>, transpose_lhs_hint = false} : vector<10000x128xf32>, vector<128x128xf32>, vector<10000x128xf32> -> vector<10000x128xf32>
    %get3A_110 = arith.constant 0 : index
    %get3A_111 = arith.constant 0 : index
    %get3A_112 = vector.load %arg14[%get3A_110, %get3A_111] : memref<1x128xf32, #tpu.memory_space<vmem>>, vector<1x128xf32>
    %add3A_113 = vector.broadcast %get3A_112 : vector<1x128xf32> to vector<10000x128xf32>
    %add3A_114 = arith.addf %dot_general3A_109, %add3A_113 : vector<10000x128xf32>
    %swap3A = arith.constant 0 : index
    %swap3A_115 = arith.constant 0 : index
    %swap3A_116 = vector.load %arg15[%swap3A, %swap3A_115] : memref<10000x128xf32, #tpu.memory_space<vmem>>, vector<10000x128xf32>
    tpu.vector_store %arg15[%swap3A, %swap3A_115], %add3A_114 {strides = array<i32>} : memref<10000x128xf32, #tpu.memory_space<vmem>>, vector<10000x128xf32>,
    return
  }
}

</mosaic_0001>

<sc_bundles>
// kernel: kernel.11.cloned.1.call-start
scs
__scs_entry_jumppad:
0x0: {  	(pc) =	sbr.rel $0x88, $3  }
0x1: {  	(tag) =	ssettag $0x0;
	lr =	simm.s32 $0x1  }
0x2: {  	[smem:$0x3F90] =	sst lr;
	_ =	strace $0xD0000000  }
0x3: {  	_ = 	snop  }
0x4: {  	_ = 	snop  }
0x5: {  	_ = 	snop  }
0x6: {  	_ = 	snop  }
0x7: {  	_ = 	snop  }
__scs_overlays_trampoline_lowered:
0x8: {  	[smem:$0x3F9F] =	sst s0  }
0x9: {  	[smem:$0x3FA0] =	sst s1  }
0xa: {  	[smem:$0x3FA1] =	sst s2  }
0xb: {  	[smem:$0x3FA2] =	sst s3  }
0xc: {  	[smem:$0x3FA3] =	sst s4  }
0xd: {  	[smem:$0x3FA4] =	sst s5  }
0xe: {  	[smem:$0x3FA5] =	sst s6  }
0xf: {  	[smem:$0x3FA6] =	sst s7  }
0x10: {  	[smem:$0x3FA7] =	sst s8  }
0x11: {  	[smem:$0x3FA8] =	sst s9;
	s0 =	simm.s32 @!p0 $0x0  }
0x12: {  	s1 =	sld [smem:$0x3F8E];
	s0 =	simm.s32 @p0 $0x1  }
0x13: {  	[smem:$0x3FA9] =	sst s0;
	s0 =	simm.s32 @!p1 $0x0  }
0x14: {  	s2 =	sld [smem:$0x3F8D];
	s0 =	simm.s32 @p1 $0x1  }
0x15: {  	[smem:$0x3FAA] =	sst s0;
	s0 =	simm.s32 @!p2 $0x0  }
0x16: {  	s3 =	sld [smem:$0x3FDB];
	s0 =	simm.s32 @p2 $0x1  }
0x17: {  	s4 =	simm.s32 $0x1BF5;
	[smem:$0x3FAC] =	sst s0  }
0x18: {  	s0 =	sld [smem:$0x3F8F];
	_ =	swait.ge [sflag:s4], $0x0  }
0x19: {  	s7 =	sld [smem:$0x3F90]  }
0x1a: {  	s8 =	sadd.s32 $0xFFFFE003, lr  }
0x1b: {  	s9 =	sadd.s32 $0xFFFFFEF7, lr;
	s5 =	simm.s32 $0xFFFFFFFF;
	p2 =	slt.u32 s8, $0xFFFFF086  }
0x1c: {  	p1 =	slt.u32 s9, $0xF7A;
	s5 =	simm.s32 @!p2 $0x0  }
0x1d: {  	s5 =	simm.s32 @p1 $0x1;
	p0 =	seq.s32 s7, s2  }
0x1e: {  	s7 =	smul.u32 @!p0 $0xF7A, s2;
	p2 =	seq.s32 @!p0 s5, $0x0  }
0x1f: {  	s9 =	smul.u32 $0xF7A, s1;
	s8 =	simm.s32 @!p0 $0x1BF5;
	p2 =	por !p2, p0  }
0x20: {  	[sflag:s8] =	ssyncset.s32 @!p0 $0xFFFFF086;
	s6 =	sadd.s32 @!p0 s3, s7;
	s7 =	simm.s32 @!p0 $0x108  }
0x21: {  	s3 =	sadd.s32 s3, s9;
	s6 =	sadd.s32 @!p0 $0x88, s6;
	s7 =	simm.s32 @p2 $0x1082  }
0x22: {  	[simem:s7], [sflag:s8] =	dma.local @!p0 [hbm:s6], $0xF7A  }
0x23: {  	s9 =	sor.u32 $0xD0000000, s2;
	s6 =	simm.s32 $0x108;
	_ =	swait.ge @!p0 [sflag:s8], $0x0  }
0x24: {  	s3 =	sadd.s32 $0x88, s3;
	s6 =	simm.s32 @!p1 $0x1082;
	[sflag:s4] =	ssyncset.s32 $0xFFFFF086  }
0x25: {  	[simem:s6], [sflag:s4] =	dma.local [hbm:s3], $0xF7A  }
0x26: {  	[smem:$0x3F90] =	sst s1;
	(tag) =	ssettag s2;
	_ =	strace s9  }
0x27: {  	s1 =	sld [smem:$0x3FA0]  }
0x28: {  	s2 =	sld [smem:$0x3FA1]  }
0x29: {  	s4 =	sld [smem:$0x3FA3]  }
0x2a: {  	p0 =	seq.s32 s5, $0x0;
	s5 =	sld [smem:$0x3FA4]  }
0x2b: {  	s6 =	sld [smem:$0x3FA5]  }
0x2c: {  	s7 =	sld [smem:$0x3FA6]  }
0x2d: {  	s3 =	simm.s32 $0x108;
	s8 =	sld [smem:$0x3FA7]  }
0x2e: {  	s3 =	simm.s32 @!p0 $0x1082;
	s9 =	sld [smem:$0x3FA8]  }
0x2f: {  	lr =	sadd.s32 s0, s3;
	s0 =	sld [smem:$0x3F9F]  }
0x30: {  	s3 =	sld [smem:$0x3FA2]  }
0x31: {  	[smem:$0x3FAB] =	sst s10  }
0x32: {  	s10 =	sld [smem:$0x3FA9];
	_ =	sdelay $0x3  }
0x33: {  	p0 =	seq.s32 s10, $0x1;
	s10 =	sld [smem:$0x3FAB];
	_ =	sdelay $0x3  }
0x34: {  	[smem:$0x3FAB] =	sst s10  }
0x35: {  	s10 =	sld [smem:$0x3FAA];
	_ =	sdelay $0x3  }
0x36: {  	p1 =	seq.s32 s10, $0x1;
	s10 =	sld [smem:$0x3FAB];
	_ =	sdelay $0x3  }
0x37: {  	[smem:$0x3FAB] =	sst s10  }
0x38: {  	s10 =	sld [smem:$0x3FAC]  }
0x39: {  	_ = 	snop;
	(pc) =	sbr.ind lr, $3  }
0x3a: {  	_ = 	snop  }
0x3b: {  	_ = 	snop  }
0x3c: {  	p2 =	seq.s32 s10, $0x1;
	s10 =	sld [smem:$0x3FAB]  }
0x3d: {  	_ =	shalt  }
0x3e: {  	_ =	shalt  }
0x3f: {  	_ =	shalt  }
0x40: {  	_ =	shalt  }
0x41: {  	_ =	shalt  }
0x42: {  	_ =	shalt  }
0x43: {  	_ =	shalt  }
0x44: {  	_ =	shalt  }
0x45: {  	_ =	shalt  }
0x46: {  	_ =	shalt  }
0x47: {  	_ =	shalt  }
0x48: {  	_ =	shalt  }
0x49: {  	_ =	shalt  }
0x4a: {  	_ =	shalt  }
0x4b: {  	_ =	shalt  }
0x4c: {  	_ =	shalt  }
0x4d: {  	_ =	shalt  }
0x4e: {  	_ =	shalt  }
0x4f: {  	_ =	shalt  }
0x50: {  	_ =	shalt  }
0x51: {  	_ =	shalt  }
0x52: {  	_ =	shalt  }
0x53: {  	_ =	shalt  }
0x54: {  	_ =	shalt  }
0x55: {  	_ =	shalt  }
0x56: {  	_ =	shalt  }
0x57: {  	_ =	shalt  }
0x58: {  	_ =	shalt  }
0x59: {  	_ =	shalt  }
0x5a: {  	_ =	shalt  }
0x5b: {  	_ =	shalt  }
0x5c: {  	_ =	shalt  }
0x5d: {  	_ =	shalt  }
0x5e: {  	_ =	shalt  }
0x5f: {  	_ =	shalt  }
0x60: {  	_ =	shalt  }
0x61: {  	_ =	shalt  }
0x62: {  	_ =	shalt  }
0x63: {  	_ =	shalt  }
0x64: {  	_ =	shalt  }
0x65: {  	_ =	shalt  }
0x66: {  	_ =	shalt  }
0x67: {  	_ =	shalt  }
0x68: {  	_ =	shalt  }
0x69: {  	_ =	shalt  }
0x6a: {  	_ =	shalt  }
0x6b: {  	_ =	shalt  }
0x6c: {  	_ =	shalt  }
0x6d: {  	_ =	shalt  }
0x6e: {  	_ =	shalt  }
0x6f: {  	_ =	shalt  }
0x70: {  	_ =	shalt  }
0x71: {  	_ =	shalt  }
0x72: {  	_ =	shalt  }
0x73: {  	_ =	shalt  }
0x74: {  	_ =	shalt  }
0x75: {  	_ =	shalt  }
0x76: {  	_ =	shalt  }
0x77: {  	_ =	shalt  }
0x78: {  	_ =	shalt  }
0x79: {  	_ =	shalt  }
0x7a: {  	_ =	shalt  }
0x7b: {  	_ =	shalt  }
0x7c: {  	_ =	shalt  }
0x7d: {  	_ =	shalt  }
0x7e: {  	_ =	shalt  }
0x7f: {  	_ =	shalt  }
0x80: {  	_ =	shalt  }
0x81: {  	_ =	shalt  }
0x82: {  	_ =	shalt  }
0x83: {  	_ =	shalt  }
0x84: {  	_ =	shalt  }
0x85: {  	_ =	shalt  }
0x86: {  	_ =	shalt  }
0x87: {  	_ =	shalt  }
.Lfunc_end0:
.L_simem_size_0:
called_computation.1_lowered:
.L_overlay_start_0:
0x88: {  	s2 =	sld [smem:$0x3FD9]  }
0x89: {  	s3 =	sld [smem:$0x3FFE];
	_ =	sdelay $0x1  }
0x8a: {  	s1 =	srdreg.scid  }
0x8b: {  	s0 =	sand.u32 $0x1, s1  }
0x8c: {  	s17 =	sshll.u32 s0, $0xA;
	s2 =	sadd.s32 s3, s2  }
0x8d: {  	s2 =	sadd.s32 s2, s17  }
0x8e: {  	[smem:$0x3FB7] =	sst s2  }
0x8f: {  	_ = 	snop  }
0x90: {  	s2 =	sld [smem:$0x3FD0];
	(tm) =	ssettm $0x1  }
0x91: {  	s18 =	sld [smem:$0x3FFB];
	_ =	sdelay $0x3  }
0x92: {  	_ =	strace s18  }
0x93: {  	s3 =	sld [smem:$0x3FFC];
	_ =	sdelay $0x3  }
0x94: {  	_ =	strace s3  }
0x95: {  	s3 =	sld [smem:$0x3FFD];
	_ =	sdelay $0x3  }
0x96: {  	_ =	strace s3  }
0x97: {  	_ =	strace $0x8FFFFFFF  }
0x98: {  	s19 =	sld [smem:$0x3FDB];
	_ =	sdelay $0x1  }
0x99: {  	s4 =	simm.s32 $_scs_section_size  }
0x9a: {  	s5 =	simm.s32 $_size__tile_overlayer_lowered;
	s6 =	simm.s32 $_tile_overlayer_lowered  }
0x9b: {  	s22 =	simm.s32 $0x1BFF;
	s21 =	sshll.u32 s6, $0x1;
	s3 =	sadd.s32 s4, s19  }
0x9c: {  	s7 =	simm.s32 $0x0;
	s20 =	sshll.u32 s5, $0x1;
	s5 =	sadd.s32 s21, s3  }
0x9d: {  	[timem:s7], [sflag:s22] =	dma.local [hbm:s5], s20  }
0x9e: {  	_ =	swait.ge [sflag:s22], s20  }
0x9f: {  	s4 =	ssub.s32 $0x0, s20;
	[sflag:s22] =	ssyncset.done $0x0  }
0xa0: {  	[sflag:s22] =	ssyncadd.s32 s4;
	_ =	sdelay $0x1  }
0xa1: {  	s23 =	simm.s32 $0x1B8B  }
0xa2: {  	_ =	swait.ge [sflag:s23], $0x1  }
0xa3: {  	[sflag:s23] =	ssyncset.done $0x0  }
0xa4: {  	s25 =	simm.s32 $0x1B8E;
	s24 =	sld [smem:$0x3FFE];
	[sflag:s23] =	ssyncadd.s32 $0xFFFFFFFF  }
0xa5: {  	s26 =	simm.s32 $execute0_lowered;
	[smem:$0x3FD2] =	sst s25  }
0xa6: {  	s5 =	sshll.u32 s26, $0x1;
	_ =	strace $0x80000049;
	[dreg:$0x1] =	wrdreg $0xFFFFFFFF  }
0xa7: {  	s28 =	simm.s32 $_size_execute0_lowered;
	s3 =	sadd.s32 s3, s5;
	[dreg:$0x0] =	wrdreg $0x0  }
0xa8: {  	s5 =	sshll.u32 s28, $0x1;
	[dreg:$0x2] =	wrdreg s3  }
0xa9: {  	[dreg:$0x3] =	wrdreg s5  }
0xaa: {  	[dreg:$0x4] =	wrdreg $0xC0  }
0xab: {  	_ =	task [dreg:s7], $0x5FFFF  }
0xac: {  	[dreg:$0x1] =	wrdreg $0xFFFFFFFF  }
0xad: {  	[dreg:$0x0] =	wrdreg $0x60  }
0xae: {  	[dreg:$0x2] =	wrdreg s24  }
0xaf: {  	[dreg:$0x3] =	wrdreg s2  }
0xb0: {  	[dreg:$0x4] =	wrdreg $0x0  }
0xb1: {  	[dreg:$0x5] =	wrdreg $0x9  }
0xb2: {  	_ =	task.clear_ibuf [dreg:s7], $0x6FFFF;
	_ =	strace $0x90000049  }
0xb3: {  	s29 =	simm.s32 $0x9;
	_ =	strace $0x8000004B  }
0xb4: {  	_ =	swait.ge [sflag:s29], $0x1  }
0xb5: {  	[sflag:s29] =	ssyncadd.s32 $0xFFFFFFFF  }
0xb6: {  	_ =	strace $0x9000004B  }
0xb7: {  	_ =	sfence  }
0xb8: {  	s30 =	sld [smem:$0x0];
	_ =	sdelay $0x2  }
0xb9: {  	s31 =	sshll.u32 s1, $0xD;
	s1 =	sshrl.u32 s1, $0x2  }
0xba: {  	s3 =	sand.u32 $0x4000, s31;
	s1 =	sadd.s32 s1, s30  }
0xbb: {  	s0 =	sor.u32 s3, s0;
	s1 =	sshll.u32 s1, $0x11  }
0xbc: {  	s0 =	sor.u32 s1, s0  }
0xbd: {  	s0 =	sadd.s32 $0x8F2B, s0  }
0xbe: {  	[sflag:s0] =	ssyncadd.remote.s32 $0x1  }
0xbf: {  	_ =	sfence.sel $0xFFFF  }
0xc0: {  	[dreg:$0x0] =	wrdreg $0xFFFFFFFF;
	(pc) =	sbr.abs _section_cstart, $3  }
0xc1: {  	[dreg:$0x1] =	wrdreg $0xFFFFFFFF  }
0xc2: {  	_ =	task.clear_ibuf [dreg:s7], $0x2FFFF;
	_ =	strace $0x9FFFFFFF  }
0xc3: {  	(tm) =	ssettm $0x7FFFFFFF  }
tec
execute0_lowered:
.L_overlay_start_1:
0x0: {  	(tag) =	ssettag $0x1  }
0x1: {  	s0 =	rddreg [dreg:$0x0]  }
0x2: {  	s1 =	rddreg [dreg:$0x1]  }
0x3: {  	s3 =	rddreg [dreg:$0x2];
	s4 =	simm.s32 $0x0;
	s13 =	stileid.u32  }
0x4: {  	s2 =	srdreg.scid;
	s17 =	simm.s32 $0x7;
	s28 =	simm.s32 $0x18420  }
0x5: {  	s29 =	simm.s32 $0x1;
	s30 =	simm.s32 $0x3;
	s31 =	simm.s32 $0x19820  }
0x6: {  	s18 =	simm.s32 $0x1AC20;
	s14 =	simm.s32 $0x0;
	[smem:$0x7FF] =	sst s4  }
0x7: {  	s8 =	smul.u32 $0x13880, s13;
	s2 =	sand.u32 $0x1, s2;
	s5 =	sadd.s32 $0xDC00, s0  }
0x8: {  	s6 =	sadd.s32 $0x3E00, s0;
	s7 =	sadd.s32 $0x5B8A00, s0;
	s10 =	sadd.s32 $0x17C00, s0  }
0x9: {  	s11 =	sadd.s32 $0x17A00, s0;
	s12 =	sshll.u32 s13, $0x1;
	s23 =	sshll.u32 s13, $0x6  }
0xa: {  	_ =	strace $0x8000004A;
	s9 =	smul.u32 $0x138800, s2;
	[dreg:$0x4] =	wrdreg s10  }
0xb: {  	[dreg:$0x5] =	wrdreg s11;
	s21 =	ssub.s32 $0x2, s2;
	s2 =	sor.u32 s2, s12  }
0xc: {  	s11 =	sor.u32 $0x1C07, s23;
	s19 =	sshrl.u32 s8, $0x3;
	s22 =	sshrl.u32 s21, $0x1  }
0xd: {  	s10 =	smul.u32 $0x2710, s2;
	s24 =	sadd.s32 s8, s3;
	s2 =	simm.s32 $0x4  }
0xe: {  	[dreg:$0x7] =	wrdreg s11;
	s20 =	sadd.s32 s19, s0;
	s9 =	sadd.s32 s8, s9  }
0xf: {  	s12 =	sshrl.u32 s24, $0x3;
	s24 =	simm.s32 $0x17020;
	s19 =	simm.s32 $0x5  }
0x10: {  	s8 =	simm.s32 $0x6;
	s9 =	sshrl.u32 s9, $0x3;
	s25 =	sadd.s32 $0x17E00, s20  }
.Ltmp0:
0x11: {  	s13 =	sadd.s32 $0x28, s10;
	s20 =	simm.s32 $0x13880;
	(pc) =	sbr.rel .LBB2_1-.Ltmp0, $4  }
0x12: {  	[dreg:$0xa] =	wrdreg s12;
	s0 =	sadd.s32 s9, s0;
	s9 =	ssub.s32 s21, s22  }
0x13: {  	[dreg:$0x6] =	wrdreg s25;
	s22 =	simm.s32 $0x28;
	s0 =	sadd.s32 $0x3F000, s0  }
0x14: {  	s25 =	simm.s32 $0x138A8;
	s26 =	smax.u32 s9, $0x1;
	[dreg:$0x8] =	wrdreg s0  }
0x15: {  	[dreg:$0x9] =	wrdreg s26;
	s26 =	simm.s32 $0x15C20;
	s0 =	simm.s32 $0x2  }
.LBB2_10:
0x16: {  	[bflag:$0x0] =	sbarrier.arrive $0xFFFF  }
0x17: {  	s11 =	rddreg [dreg:$0x7]  }
0x18: {  	s9 =	rddreg [dreg:$0x8]  }
0x19: {  	s12 =	rddreg [dreg:$0xa]  }
0x1a: {  	[hbm:s9], [sflag:s11] =	dma.local [spmem:s12], $0x2710  }
0x1b: {  	_ =	swait.ge [sflag:s17], $0x2710  }
0x1c: {  	s14 =	rddreg [dreg:$0xb]  }
0x1d: {  	s23 =	rddreg [dreg:$0x9];
	s14 =	sadd.s32 $0x1, s14  }
0x1e: {  	p0 =	sne.s32 s14, s23  }
.Ltmp1:
0x1f: {  	_ = 	snop;
	(pc) =	sbr.rel @!p0 .LBB2_11-.Ltmp1, $3  }
0x20: {  	_ =	sdelay $0x1  }
0x21: {  	[sflag:s17] =	ssyncset.done $0x0  }
0x22: {  	[sflag:s17] =	ssyncadd.s32 $0xFFFFD8F0  }
.LBB2_1:
0x23: {  	[dreg:$0xb] =	wrdreg s14  }
0x24: {  	s9 =	rddreg [dreg:$0x6]  }
0x25: {  	[spmem:s12], [sflag:s11] =	dma.local [hbm:s9], $0x2710  }
0x26: {  	_ =	swait.ge [sflag:s17], $0x2710  }
0x27: {  	[sflag:s17] =	ssyncset.done $0x0  }
0x28: {  	s16 =	simm.s32 $0x1C020;
	s15 =	rddreg [dreg:$0x4];
	[sflag:s17] =	ssyncadd.s32 $0xFFFFD8F0  }
0x29: {  	[tilespmem:s16], [sflag:$0x7] =	stream.linear.gather [hbm4b:s15+s4], $0x80, $0x38;
	[tilespmem:$0x1C120] =	vst v63  }
0x2a: {  	_ =	swait.ge [sflag:s17], $0x80  }
0x2b: {  	[sflag:s17] =	ssyncset.done $0x0  }
0x2c: {  	s23 =	simm.s32 $0x1C0A0;
	s21 =	rddreg [dreg:$0x5];
	[sflag:s17] =	ssyncadd.s32 $0xFFFFFF80  }
0x2d: {  	[tilespmem:s23], [sflag:$0x7] =	stream.linear.gather [hbm4b:s21+s4], $0x80, $0x38;
	[tilespmem:$0x1C120] =	vst v63  }
0x2e: {  	_ =	swait.ge [sflag:s17], $0x80  }
0x2f: {  	[sflag:s17] =	ssyncset.done $0x0  }
0x30: {  	[sflag:s17] =	ssyncadd.s32 $0xFFFFFF80  }
0x31: {  	[bflag:$0x0] =	sbarrier.arrive $0xFFFF  }
0x32: {  	v0 =	vld [tilespmem:$0x1C020]  }
0x33: {  	v1 =	vld [tilespmem:$0x1C030]  }
0x34: {  	v2 =	vld [tilespmem:$0x1C040]  }
0x35: {  	v3 =	vld [tilespmem:$0x1C050]  }
0x36: {  	v4 =	vld [tilespmem:$0x1C060]  }
0x37: {  	v5 =	vld [tilespmem:$0x1C070]  }
0x38: {  	v6 =	vld [tilespmem:$0x1C080]  }
0x39: {  	v7 =	vld [tilespmem:$0x1C090]  }
0x3a: {  	v8 =	vld [tilespmem:$0x1C0A0]  }
0x3b: {  	v9 =	vld [tilespmem:$0x1C0B0]  }
0x3c: {  	v10 =	vld [tilespmem:$0x1C0C0]  }
.Ltmp2:
0x3d: {  	v11 =	vld [tilespmem:$0x1C0D0];
	(pc) =	sbr.rel .LBB2_2-.Ltmp2, $4  }
0x3e: {  	v12 =	vld [tilespmem:$0x1C0E0]  }
0x3f: {  	v13 =	vld [tilespmem:$0x1C0F0]  }
0x40: {  	v14 =	vld [tilespmem:$0x1C100]  }
0x41: {  	s11 =	simm.s32 $0x0;
	v15 =	vld [tilespmem:$0x1C110]  }
.LBB2_9:
0x42: {  	[spmem:s3] =	stream.indirect.scatter.add.f32 [tilespmem:s18], [sflag:$0x6], $0x80, s9, s22, $0xb8;
	[tilespmem:$0x1C120] =	vst v63  }
0x43: {  	s11 =	sadd.s32 $0x1, s11  }
0x44: {  	_ =	swait.ge [sflag:s19], $0x1400;
	p0 =	sne.s32 s11, $0x5  }
.Ltmp3:
0x45: {  	[sflag:s19] =	ssyncset.done $0x0;
	(pc) =	sbr.rel @!p0 .LBB2_10-.Ltmp3, $4  }
0x46: {  	[sflag:s19] =	ssyncadd.s32 $0xFFFFEC00  }
0x47: {  	_ =	swait.ge [sflag:s8], $0x1400  }
0x48: {  	[sflag:s8] =	ssyncset.done $0x0  }
0x49: {  	[sflag:s8] =	ssyncadd.s32 $0xFFFFEC00  }
.LBB2_2:
0x4a: {  	s9 =	smul.u32 $0x7D0, s11;
	_ =	sdelay $0x1  }
0x4b: {  	s12 =	sadd.s32 s10, s9  }
0x4c: {  	s15 =	sshrl.u32 s12, $0x3  }
0x4d: {  	s14 =	simm.s32 $0x0;
	s16 =	sadd.s32 s5, s15  }
0x4e: {  	[tilespmem:s20], [sflag:$0x7] =	stream.linear.gather [hbm4b:s16+s14], $0x7D0, $0x38;
	[tilespmem:$0x1C120] =	vst v63  }
0x4f: {  	_ =	swait.ge [sflag:s17], $0x7D0  }
0x50: {  	[sflag:s17] =	ssyncset.done $0x0  }
0x51: {  	s21 =	simm.s32 $0x14050;
	s15 =	sadd.s32 s6, s15;
	[sflag:s17] =	ssyncadd.s32 $0xFFFFF830  }
0x52: {  	[tilespmem:s21], [sflag:$0x7] =	stream.linear.gather [hbm4b:s15+s14], $0x7D0, $0x38;
	[tilespmem:$0x1C120] =	vst v63  }
0x53: {  	_ =	swait.ge [sflag:s17], $0x7D0  }
0x54: {  	s23 =	simm.s32 $0x14820;
	[sflag:s17] =	ssyncset.done $0x0  }
0x55: {  	s9 =	sadd.s32 s13, s9;
	s12 =	sshll.u32 s12, $0x4;
	[sflag:s17] =	ssyncadd.s32 $0xFFFFF830  }
0x56: {  	[tilespmem:s23], [sflag:$0x1] =	stream.indirect.gather [hbm4b:s1+s22], $0x80, s20, s22, $0xb8;
	[tilespmem:$0x1C120] =	vst v63  }
0x57: {  	s9 =	sshll.u32 s9, $0x4;
	s12 =	sadd.s32 s7, s12  }
0x58: {  	[tilespmem:s24], [sflag:$0x3] =	stream.linear.gather [hbm4b:s12+s14], $0x1400, $0x38;
	[tilespmem:$0x1C120] =	vst v63  }
0x59: {  	s9 =	sand.u32 $0x1FFFFF80, s9  }
0x5a: {  	[tilespmem:s26], [sflag:$0x2] =	stream.indirect.gather [hbm4b:s1+s22], $0x80, s25, s22, $0xb8;
	[tilespmem:$0x1C120] =	vst v63  }
0x5b: {  	s9 =	sadd.s32 s7, s9;
	s15 =	smul.u32 $0x32, s11  }
0x5c: {  	[tilespmem:s28], [sflag:$0x4] =	stream.linear.gather [hbm4b:s9+s14], $0x1400, $0x38;
	[tilespmem:$0x1C120] =	vst v63  }
.LBB2_3:
0x5d: {  	_ =	swait.ge [sflag:s29], $0x1400  }
0x5e: {  	[sflag:s29] =	ssyncset.done $0x0  }
0x5f: {  	[sflag:s29] =	ssyncadd.s32 $0xFFFFEC00  }
0x60: {  	_ =	swait.ge [sflag:s30], $0x1400  }
0x61: {  	p1 =	seq.s32 s14, $0x0;
	[sflag:s30] =	ssyncset.done $0x0  }
0x62: {  	s9 =	simm.s32 @!p1 $0x5;
	[sflag:s30] =	ssyncadd.s32 $0xFFFFEC00  }
0x63: {  	_ =	swait.ge @!p1 [sflag:s9], $0x1400  }
0x64: {  	[sflag:s9] =	ssyncset.done @!p1 $0x0  }
0x65: {  	[sflag:s9] =	ssyncadd.s32 @!p1 $0xFFFFEC00;
	s9 =	simm.s32 $0x0  }
0x66: {  	v16 =	vld [tilespmem:s9+$0x14890]  }
0x67: {  	v17 =	vld [tilespmem:s9+$0x17090]  }
0x68: {  	v18 =	vld [tilespmem:s9+$0x14820]  }
0x69: {  	v19 =	vld [tilespmem:s9+$0x17020]  }
0x6a: {  	v20 =	vld [tilespmem:s9+$0x14830]  }
0x6b: {  	v21 =	vld [tilespmem:s9+$0x17030]  }
0x6c: {  	v22 =	vld [tilespmem:s9+$0x14840];
	v16 =	vadd.f32 v17, v16  }
0x6d: {  	v17 =	vld [tilespmem:s9+$0x17040]  }
0x6e: {  	v23 =	vld [tilespmem:s9+$0x14850];
	v16 =	vmul.f32 v16, v7  }
0x6f: {  	v24 =	vld [tilespmem:s9+$0x17050];
	v18 =	vadd.f32 v19, v18  }
0x70: {  	v25 =	vld [tilespmem:s9+$0x14860];
	v19 =	vadd.f32 v16, v15  }
0x71: {  	v26 =	vld [tilespmem:s9+$0x17060];
	v20 =	vadd.f32 v21, v20;
	v18 =	vmul.f32 v18, v0  }
0x72: {  	v16 =	vld [tilespmem:s9+$0x14870];
	v22 =	vadd.f32 v17, v22;
	v21 =	vmax.f32 v19, $0.0e+00  }
0x73: {  	v18 =	vadd.f32 v18, v8;
	v19 =	vld [tilespmem:s9+$0x17070];
	[tilespmem:s9+$0x19890] =	vst v21;
	v21 =	vmul.f32 v20, v1  }
0x74: {  	v23 =	vadd.f32 v24, v23;
	v17 =	vld [tilespmem:s9+$0x14880];
	v22 =	vmul.f32 v22, v2  }
0x75: {  	s16 =	simm.s32 $0x80;
	v24 =	vmax.f32 v18, $0.0e+00;
	v20 =	vld [tilespmem:s9+$0x17080];
	v21 =	vadd.f32 v21, v9  }
0x76: {  	s12 =	sshll.u32 s14, $0x1;
	s21 =	simm.s32 $0x400;
	v18 =	vld [tilespmem:s16+$0x14890];
	[tilespmem:s9+$0x19820] =	vst v24;
	v24 =	vmul.f32 v23, v3;
	v23 =	vadd.f32 v26, v25;
	v22 =	vadd.f32 v22, v10  }
.LBB2_4:
0x77: {  	p0 =	sne.s32 s21, $0x4E00;
	v25 =	vld [tilespmem:s16+$0x17090];
	v21 =	vmax.f32 v21, $0.0e+00  }
0x78: {  	v26 =	vld [tilespmem:s16+$0x14820];
	[tilespmem:s9+$0x19830] =	vst v21;
	v21 =	vadd.f32 v24, v11;
	v23 =	vmul.f32 v23, v4;
	v16 =	vadd.f32 v19, v16  }
0x79: {  	v22 =	vmax.f32 v22, $0.0e+00;
	v19 =	vld [tilespmem:s16+$0x17020]  }
0x7a: {  	v24 =	vld [tilespmem:s16+$0x14830];
	[tilespmem:s9+$0x19840] =	vst v22;
	v22 =	vadd.f32 v23, v12;
	v16 =	vmul.f32 v16, v5;
	v17 =	vadd.f32 v20, v17  }
0x7b: {  	v21 =	vmax.f32 v21, $0.0e+00;
	v20 =	vld [tilespmem:s16+$0x17030]  }
0x7c: {  	v23 =	vld [tilespmem:s16+$0x14840];
	v18 =	vadd.f32 v25, v18;
	[tilespmem:s9+$0x19850] =	vst v21;
	v16 =	vadd.f32 v16, v13;
	v17 =	vmul.f32 v17, v6  }
0x7d: {  	v22 =	vmax.f32 v22, $0.0e+00;
	v21 =	vld [tilespmem:s16+$0x17040]  }
0x7e: {  	v19 =	vadd.f32 v19, v26;
	v25 =	vld [tilespmem:s16+$0x14850];
	v18 =	vmul.f32 v18, v7;
	[tilespmem:s9+$0x19860] =	vst v22;
	v17 =	vadd.f32 v17, v14  }
0x7f: {  	v16 =	vmax.f32 v16, $0.0e+00;
	v22 =	vld [tilespmem:s16+$0x17050]  }
0x80: {  	v19 =	vmul.f32 v19, v0;
	v20 =	vadd.f32 v20, v24;
	v26 =	vld [tilespmem:s16+$0x14860];
	v18 =	vadd.f32 v18, v15;
	[tilespmem:s9+$0x19870] =	vst v16  }
0x81: {  	v17 =	vmax.f32 v17, $0.0e+00;
	v27 =	vld [tilespmem:s16+$0x17060]  }
.Ltmp4:
0x82: {  	v20 =	vmul.f32 v20, v1;
	v23 =	vadd.f32 v21, v23;
	v16 =	vld [tilespmem:s16+$0x14870];
	v18 =	vmax.f32 v18, $0.0e+00;
	[tilespmem:s9+$0x19880] =	vst v17;
	s9 =	smov.u32 s16;
	(pc) =	sbr.rel @p0 .LBB2_4-.Ltmp4, $4  }
0x83: {  	v24 =	vadd.f32 v19, v8;
	v19 =	vld [tilespmem:s9+$0x17070];
	[tilespmem:s9+$0x19890] =	vst v18  }
0x84: {  	v21 =	vadd.f32 v20, v9;
	v23 =	vmul.f32 v23, v2;
	v25 =	vadd.f32 v22, v25;
	v17 =	vld [tilespmem:s9+$0x14880]  }
0x85: {  	s16 =	sshra.s32 s21, $0x2;
	v22 =	vmax.f32 v24, $0.0e+00;
	v20 =	vld [tilespmem:s9+$0x17080]  }
0x86: {  	s21 =	sadd.s32 $0x200, s21;
	v18 =	vld [tilespmem:s16+$0x14890];
	[tilespmem:s9+$0x19820] =	vst v22;
	v22 =	vadd.f32 v23, v10;
	v24 =	vmul.f32 v25, v3;
	v23 =	vadd.f32 v27, v26  }
0x87: {  	v25 =	vld [tilespmem:s16+$0x17090];
	v21 =	vmax.f32 v21, $0.0e+00  }
0x88: {  	v26 =	vld [tilespmem:s16+$0x14820];
	[tilespmem:s9+$0x19830] =	vst v21  }
0x89: {  	v22 =	vmax.f32 v22, $0.0e+00;
	v16 =	vadd.f32 v19, v16;
	v21 =	vld [tilespmem:s16+$0x17020]  }
0x8a: {  	v24 =	vadd.f32 v24, v11;
	v27 =	vld [tilespmem:s16+$0x14830];
	[tilespmem:s9+$0x19840] =	vst v22;
	v22 =	vmul.f32 v23, v4  }
0x8b: {  	v16 =	vmul.f32 v16, v5  }
0x8c: {  	v23 =	vld [tilespmem:s16+$0x17030];
	v19 =	vmax.f32 v24, $0.0e+00;
	v17 =	vadd.f32 v20, v17;
	v22 =	vadd.f32 v22, v12  }
0x8d: {  	v24 =	vld [tilespmem:s16+$0x14840];
	[tilespmem:s9+$0x19850] =	vst v19;
	v16 =	vadd.f32 v16, v13  }
0x8e: {  	v19 =	vld [tilespmem:s16+$0x17040];
	v18 =	vadd.f32 v25, v18;
	v17 =	vmul.f32 v17, v6;
	v20 =	vmax.f32 v22, $0.0e+00  }
0x8f: {  	v22 =	vld [tilespmem:s16+$0x14850];
	[tilespmem:s9+$0x19860] =	vst v20  }
0x90: {  	v16 =	vmax.f32 v16, $0.0e+00;
	v18 =	vmul.f32 v18, v7;
	v17 =	vadd.f32 v17, v14;
	v20 =	vld [tilespmem:s16+$0x17050]  }
0x91: {  	v25 =	vld [tilespmem:s16+$0x14860];
	[tilespmem:s9+$0x19870] =	vst v16  }
0x92: {  	v16 =	vld [tilespmem:s16+$0x17060];
	v18 =	vadd.f32 v18, v15;
	v17 =	vmax.f32 v17, $0.0e+00  }
0x93: {  	v21 =	vadd.f32 v21, v26;
	v28 =	vld [tilespmem:s16+$0x14870];
	[tilespmem:s9+$0x19880] =	vst v17  }
0x94: {  	v17 =	vmax.f32 v18, $0.0e+00;
	v18 =	vld [tilespmem:s16+$0x17070]  }
0x95: {  	v21 =	vmul.f32 v21, v0;
	v26 =	vld [tilespmem:s16+$0x17080]  }
0x96: {  	[tilespmem:s16+$0x19890] =	vst v17;
	v17 =	vadd.f32 v23, v27;
	v23 =	vld [tilespmem:s16+$0x14880]  }
0x97: {  	v19 =	vadd.f32 v19, v24;
	v21 =	vadd.f32 v21, v8  }
0x98: {  	v20 =	vadd.f32 v20, v22;
	v17 =	vmul.f32 v17, v1  }
0x99: {  	v19 =	vmul.f32 v19, v2;
	v21 =	vmax.f32 v21, $0.0e+00;
	v16 =	vadd.f32 v16, v25  }
0x9a: {  	p0 =	seq.s32 s14, $0x18;
	v20 =	vmul.f32 v20, v3;
	v17 =	vadd.f32 v17, v9;
	v18 =	vadd.f32 v18, v28  }
0x9b: {  	s9 =	sadd.s32 @!p0 $0x2, s12;
	v19 =	vadd.f32 v19, v10;
	v16 =	vmul.f32 v16, v4;
	v22 =	vadd.f32 v26, v23  }
0x9c: {  	s21 =	smul.u32 @!p0 $0xA0, s9;
	s9 =	sadd.s32 @!p0 s15, s9;
	[tilespmem:s16+$0x19820] =	vst v21;
	v20 =	vadd.f32 v20, v11;
	v17 =	vmax.f32 v17, $0.0e+00;
	v18 =	vmul.f32 v18, v5  }
0x9d: {  	s9 =	smul.u32 @!p0 $0x28, s9;
	v16 =	vadd.f32 v16, v12;
	[tilespmem:s16+$0x19830] =	vst v17;
	v17 =	vmax.f32 v19, $0.0e+00;
	v19 =	vmul.f32 v22, v6  }
0x9e: {  	[tilespmem:s16+$0x19840] =	vst v17;
	v17 =	vmax.f32 v20, $0.0e+00;
	v18 =	vadd.f32 v18, v13  }
0x9f: {  	s9 =	sadd.s32 @!p0 s10, s9;
	v16 =	vmax.f32 v16, $0.0e+00;
	[tilespmem:s16+$0x19850] =	vst v17;
	v17 =	vadd.f32 v19, v14  }
0xa0: {  	s9 =	sshll.u32 @!p0 s9, $0x4;
	[tilespmem:s16+$0x19860] =	vst v16;
	v16 =	vmax.f32 v18, $0.0e+00  }
0xa1: {  	s23 =	simm.s32 @!p0 $0x14820;
	s21 =	sshra.s32 @!p0 s21, $0x2;
	s9 =	sand.u32 @!p0 $0x1FFFFF80, s9;
	[tilespmem:s16+$0x19870] =	vst v16;
	v16 =	vmax.f32 v17, $0.0e+00  }
0xa2: {  	s21 =	sadd.s32 @!p0 $0x13880, s21;
	s9 =	sadd.s32 @!p0 s7, s9;
	[tilespmem:s16+$0x19880] =	vst v16;
	s16 =	simm.s32 @!p0 $0x28  }
0xa3: {  	[tilespmem:s23], [sflag:$0x1] =	stream.indirect.gather @!p0 [hbm4b:s1+s16], $0x80, s21, s16, $0xb8;
	[tilespmem:$0x1C120] =	vst v63  }
0xa4: {  	s16 =	simm.s32 @!p0 $0x0;
	s21 =	simm.s32 @!p0 $0x17020;
	s23 =	smul.u32 $0x140, s14  }
0xa5: {  	[tilespmem:s21], [sflag:$0x3] =	stream.linear.gather @!p0 [hbm4b:s9+s16], $0x1400, $0x38;
	[tilespmem:$0x1C120] =	vst v63  }
0xa6: {  	s16 =	sshra.s32 s23, $0x2  }
0xa7: {  	s23 =	sadd.s32 $0x14050, s16  }
0xa8: {  	[spmem:s3] =	stream.indirect.scatter.add.f32 [tilespmem:s31], [sflag:$0x5], $0x80, s23, s22, $0xb8;
	[tilespmem:$0x1C120] =	vst v63  }
0xa9: {  	_ =	swait.ge [sflag:s0], $0x1400  }
0xaa: {  	[sflag:s0] =	ssyncset.done $0x0  }
0xab: {  	[sflag:s0] =	ssyncadd.s32 $0xFFFFEC00  }
0xac: {  	_ =	swait.ge [sflag:s2], $0x1400  }
0xad: {  	[sflag:s2] =	ssyncset.done $0x0  }
0xae: {  	s9 =	simm.s32 @!p1 $0x6;
	[sflag:s2] =	ssyncadd.s32 $0xFFFFEC00  }
0xaf: {  	_ =	swait.ge @!p1 [sflag:s9], $0x1400  }
0xb0: {  	[sflag:s9] =	ssyncset.done @!p1 $0x0  }
0xb1: {  	s21 =	simm.s32 $0x0;
	[sflag:s9] =	ssyncadd.s32 @!p1 $0xFFFFEC00  }
0xb2: {  	v16 =	vld [tilespmem:s21+$0x15C90]  }
0xb3: {  	v17 =	vld [tilespmem:s21+$0x18490]  }
0xb4: {  	v18 =	vld [tilespmem:s21+$0x15C20]  }
0xb5: {  	v19 =	vld [tilespmem:s21+$0x18420]  }
0xb6: {  	v20 =	vld [tilespmem:s21+$0x15C30]  }
0xb7: {  	v21 =	vld [tilespmem:s21+$0x18430]  }
0xb8: {  	v22 =	vld [tilespmem:s21+$0x15C40];
	v16 =	vadd.f32 v17, v16  }
0xb9: {  	v17 =	vld [tilespmem:s21+$0x18440]  }
0xba: {  	v23 =	vld [tilespmem:s21+$0x15C50];
	v16 =	vmul.f32 v16, v7  }
0xbb: {  	v24 =	vld [tilespmem:s21+$0x18450];
	v18 =	vadd.f32 v19, v18  }
0xbc: {  	v25 =	vld [tilespmem:s21+$0x15C60];
	v19 =	vadd.f32 v16, v15  }
0xbd: {  	v26 =	vld [tilespmem:s21+$0x18460];
	v20 =	vadd.f32 v21, v20;
	v18 =	vmul.f32 v18, v0  }
0xbe: {  	v16 =	vld [tilespmem:s21+$0x15C70];
	v22 =	vadd.f32 v17, v22;
	v21 =	vmax.f32 v19, $0.0e+00  }
0xbf: {  	v18 =	vadd.f32 v18, v8;
	v19 =	vld [tilespmem:s21+$0x18470];
	[tilespmem:s21+$0x1AC90] =	vst v21;
	v21 =	vmul.f32 v20, v1  }
0xc0: {  	v23 =	vadd.f32 v24, v23;
	v17 =	vld [tilespmem:s21+$0x15C80];
	v22 =	vmul.f32 v22, v2  }
0xc1: {  	s9 =	simm.s32 $0x80;
	v24 =	vmax.f32 v18, $0.0e+00;
	v20 =	vld [tilespmem:s21+$0x18480];
	v21 =	vadd.f32 v21, v9  }
0xc2: {  	s23 =	simm.s32 $0x400;
	v18 =	vld [tilespmem:s9+$0x15C90];
	[tilespmem:s21+$0x1AC20] =	vst v24;
	v24 =	vmul.f32 v23, v3;
	v23 =	vadd.f32 v26, v25;
	v22 =	vadd.f32 v22, v10  }
.LBB2_6:
0xc3: {  	p1 =	sne.s32 s23, $0x4E00;
	v25 =	vld [tilespmem:s9+$0x18490];
	v21 =	vmax.f32 v21, $0.0e+00  }
0xc4: {  	v26 =	vld [tilespmem:s9+$0x15C20];
	[tilespmem:s21+$0x1AC30] =	vst v21;
	v21 =	vadd.f32 v24, v11;
	v23 =	vmul.f32 v23, v4;
	v16 =	vadd.f32 v19, v16  }
0xc5: {  	v22 =	vmax.f32 v22, $0.0e+00;
	v19 =	vld [tilespmem:s9+$0x18420]  }
0xc6: {  	v24 =	vld [tilespmem:s9+$0x15C30];
	[tilespmem:s21+$0x1AC40] =	vst v22;
	v22 =	vadd.f32 v23, v12;
	v16 =	vmul.f32 v16, v5;
	v17 =	vadd.f32 v20, v17  }
0xc7: {  	v21 =	vmax.f32 v21, $0.0e+00;
	v20 =	vld [tilespmem:s9+$0x18430]  }
0xc8: {  	v23 =	vld [tilespmem:s9+$0x15C40];
	v18 =	vadd.f32 v25, v18;
	[tilespmem:s21+$0x1AC50] =	vst v21;
	v16 =	vadd.f32 v16, v13;
	v17 =	vmul.f32 v17, v6  }
0xc9: {  	v22 =	vmax.f32 v22, $0.0e+00;
	v21 =	vld [tilespmem:s9+$0x18440]  }
0xca: {  	v19 =	vadd.f32 v19, v26;
	v25 =	vld [tilespmem:s9+$0x15C50];
	v18 =	vmul.f32 v18, v7;
	[tilespmem:s21+$0x1AC60] =	vst v22;
	v17 =	vadd.f32 v17, v14  }
0xcb: {  	v16 =	vmax.f32 v16, $0.0e+00;
	v22 =	vld [tilespmem:s9+$0x18450]  }
0xcc: {  	v19 =	vmul.f32 v19, v0;
	v20 =	vadd.f32 v20, v24;
	v26 =	vld [tilespmem:s9+$0x15C60];
	v18 =	vadd.f32 v18, v15;
	[tilespmem:s21+$0x1AC70] =	vst v16  }
0xcd: {  	v17 =	vmax.f32 v17, $0.0e+00;
	v27 =	vld [tilespmem:s9+$0x18460]  }
.Ltmp5:
0xce: {  	v20 =	vmul.f32 v20, v1;
	v23 =	vadd.f32 v21, v23;
	v16 =	vld [tilespmem:s9+$0x15C70];
	v18 =	vmax.f32 v18, $0.0e+00;
	[tilespmem:s21+$0x1AC80] =	vst v17;
	s21 =	smov.u32 s9;
	(pc) =	sbr.rel @p1 .LBB2_6-.Ltmp5, $4  }
0xcf: {  	v24 =	vadd.f32 v19, v8;
	v19 =	vld [tilespmem:s21+$0x18470];
	[tilespmem:s21+$0x1AC90] =	vst v18  }
0xd0: {  	v21 =	vadd.f32 v20, v9;
	v23 =	vmul.f32 v23, v2;
	v25 =	vadd.f32 v22, v25;
	v17 =	vld [tilespmem:s21+$0x15C80]  }
0xd1: {  	s9 =	sshra.s32 s23, $0x2;
	v22 =	vmax.f32 v24, $0.0e+00;
	v20 =	vld [tilespmem:s21+$0x18480]  }
0xd2: {  	s23 =	sadd.s32 $0x200, s23;
	v18 =	vld [tilespmem:s9+$0x15C90];
	[tilespmem:s21+$0x1AC20] =	vst v22;
	v22 =	vadd.f32 v23, v10;
	v24 =	vmul.f32 v25, v3;
	v23 =	vadd.f32 v27, v26  }
0xd3: {  	v25 =	vld [tilespmem:s9+$0x18490];
	v21 =	vmax.f32 v21, $0.0e+00  }
0xd4: {  	v26 =	vld [tilespmem:s9+$0x15C20];
	[tilespmem:s21+$0x1AC30] =	vst v21;
	v24 =	vadd.f32 v24, v11  }
0xd5: {  	v22 =	vmax.f32 v22, $0.0e+00;
	v52 =	vmul.f32 v23, v4;
	v16 =	vadd.f32 v19, v16;
	v21 =	vld [tilespmem:s9+$0x18420]  }
0xd6: {  	v27 =	vld [tilespmem:s9+$0x15C30];
	[tilespmem:s21+$0x1AC40] =	vst v22;
	v54 =	vmax.f32 v24, $0.0e+00  }
0xd7: {  	v53 =	vld [tilespmem:s9+$0x18430];
	v22 =	vadd.f32 v52, v12;
	v16 =	vmul.f32 v16, v5;
	v17 =	vadd.f32 v20, v17  }
0xd8: {  	v55 =	vld [tilespmem:s9+$0x15C40];
	[tilespmem:s21+$0x1AC50] =	vst v54  }
0xd9: {  	v19 =	vld [tilespmem:s9+$0x18440];
	v56 =	vmax.f32 v22, $0.0e+00;
	v16 =	vadd.f32 v16, v13;
	v17 =	vmul.f32 v17, v6  }
0xda: {  	v57 =	vld [tilespmem:s9+$0x15C50];
	v18 =	vadd.f32 v25, v18;
	[tilespmem:s21+$0x1AC60] =	vst v56  }
0xdb: {  	v20 =	vld [tilespmem:s9+$0x18450];
	v16 =	vmax.f32 v16, $0.0e+00;
	v17 =	vadd.f32 v17, v14  }
0xdc: {  	v58 =	vld [tilespmem:s9+$0x15C60];
	v18 =	vmul.f32 v18, v7;
	[tilespmem:s21+$0x1AC70] =	vst v16  }
0xdd: {  	v16 =	vld [tilespmem:s9+$0x18460];
	v17 =	vmax.f32 v17, $0.0e+00  }
0xde: {  	v21 =	vadd.f32 v21, v26;
	v18 =	vadd.f32 v18, v15;
	v28 =	vld [tilespmem:s9+$0x15C70];
	[tilespmem:s21+$0x1AC80] =	vst v17  }
0xdf: {  	v59 =	vld [tilespmem:s9+$0x18470]  }
0xe0: {  	v21 =	vmul.f32 v21, v0;
	v17 =	vmax.f32 v18, $0.0e+00;
	v60 =	vld [tilespmem:s9+$0x15C80]  }
0xe1: {  	v61 =	vld [tilespmem:s9+$0x18480];
	[tilespmem:s9+$0x1AC90] =	vst v17;
	v17 =	vadd.f32 v53, v27  }
0xe2: {  	v19 =	vadd.f32 v19, v55;
	v21 =	vadd.f32 v21, v8  }
0xe3: {  	v20 =	vadd.f32 v20, v57;
	v17 =	vmul.f32 v17, v1  }
0xe4: {  	v19 =	vmul.f32 v19, v2;
	v21 =	vmax.f32 v21, $0.0e+00;
	v16 =	vadd.f32 v16, v58  }
0xe5: {  	v20 =	vmul.f32 v20, v3;
	v17 =	vadd.f32 v17, v9;
	v18 =	vadd.f32 v59, v28  }
0xe6: {  	v19 =	vadd.f32 v19, v10;
	v16 =	vmul.f32 v16, v4;
	v62 =	vadd.f32 v61, v60  }
0xe7: {  	[tilespmem:s9+$0x1AC20] =	vst v21;
	v20 =	vadd.f32 v20, v11;
	v17 =	vmax.f32 v17, $0.0e+00;
	v18 =	vmul.f32 v18, v5  }
0xe8: {  	v16 =	vadd.f32 v16, v12;
	v63 =	vmul.f32 v62, v6;
	[tilespmem:s9+$0x1AC30] =	vst v17;
	v17 =	vmax.f32 v19, $0.0e+00  }
.Ltmp6:
0xe9: {  	[tilespmem:s9+$0x1AC40] =	vst v17;
	v17 =	vmax.f32 v20, $0.0e+00;
	v18 =	vadd.f32 v18, v13;
	(pc) =	sbr.rel @p0 .LBB2_9-.Ltmp6, $4  }
0xea: {  	v16 =	vmax.f32 v16, $0.0e+00;
	[tilespmem:s9+$0x1AC50] =	vst v17;
	v17 =	vadd.f32 v63, v14  }
0xeb: {  	[tilespmem:s9+$0x1AC60] =	vst v16;
	v16 =	vmax.f32 v18, $0.0e+00  }
0xec: {  	[tilespmem:s9+$0x1AC70] =	vst v16;
	v16 =	vmax.f32 v17, $0.0e+00  }
0xed: {  	[tilespmem:s9+$0x1AC80] =	vst v16;
	s9 =	sadd.s32 $0x14078, s16  }
0xee: {  	s12 =	sadd.s32 $0x3, s12  }
0xef: {  	s16 =	smul.u32 $0xA0, s12;
	s12 =	sadd.s32 s15, s12  }
0xf0: {  	s12 =	smul.u32 $0x28, s12  }
0xf1: {  	s16 =	sshra.s32 s16, $0x2  }
0xf2: {  	s16 =	sadd.s32 $0x13880, s16;
	s12 =	sadd.s32 s10, s12  }
0xf3: {  	[tilespmem:s26], [sflag:$0x2] =	stream.indirect.gather [hbm4b:s1+s22], $0x80, s16, s22, $0xb8;
	[tilespmem:$0x1C120] =	vst v63  }
0xf4: {  	s12 =	sshll.u32 s12, $0x4  }
.Ltmp7:
0xf5: {  	s12 =	sand.u32 $0x1FFFFF80, s12;
	(pc) =	sbr.rel .LBB2_3-.Ltmp7, $4  }
0xf6: {  	s12 =	sadd.s32 s7, s12  }
0xf7: {  	[tilespmem:s28], [sflag:$0x4] =	stream.linear.gather [hbm4b:s12+s4], $0x1400, $0x38;
	[tilespmem:$0x1C120] =	vst v63  }
0xf8: {  	s14 =	sadd.s32 $0x1, s14  }
0xf9: {  	[spmem:s3] =	stream.indirect.scatter.add.f32 [tilespmem:s18], [sflag:$0x6], $0x80, s9, s22, $0xb8;
	[tilespmem:$0x1C120] =	vst v63  }
.LBB2_11:
0xfa: {  	_ =	sfence.sel $0x180000  }
0xfb: {  	[bflag:$0x0] =	sbarrier.arrive $0xFFFF  }
0xfc: {  	_ =	strace $0x9000004A  }
0xfd: {  	s0 =	stileid.u32;
	[bflag:$0x2] =	sbarrier.arrive $0xFFFF  }
0xfe: {  	p0 =	sne.s32 s0, $0x0;
	s0 =	rddreg [dreg:$0x3]  }
0xff: {  	s0 =	sadd.s32 @!p0 $0x100000, s0  }
0x100: {  	[sflag:s0] =	ssyncadd.tile.s32 @!p0 $0x1;
	_ =	shalt  }
.Lfunc_end2:
_tile_overlayer_lowered:
.L_overlay_start_2:
0x101: {  	(tag) =	ssettag $0x2  }
0x102: {  	s0 =	rddreg [dreg:$0x0];
	s2 =	stileid.u32  }
0x103: {  	s1 =	rddreg [dreg:$0x1];
	p0 =	sne.s32 s2, $0x0  }
0x104: {  	s3 =	rddreg [dreg:$0x2];
	[bflag:$0x3] =	sbarrier.arrive $0xFFFF;
	s2 =	simm.s32 @!p0 $0x1C07  }
0x105: {  	[timem:s3], [sflag:s2] =	dma.local @!p0 [hbm:s0], s1  }
0x106: {  	s0 =	simm.s32 @!p0 $0x7  }
0x107: {  	_ =	swait.ge @!p0 [sflag:s0], s1  }
0x108: {  	s1 =	ssub.s32 @!p0 $0x0, s1;
	[sflag:s0] =	ssyncset.done @!p0 $0x0  }
0x109: {  	[sflag:s0] =	ssyncadd.s32 @!p0 s1  }
0x10a: {  	[bflag:$0x3] =	sbarrier.arrive $0xFFFF  }
0x10b: {  	_ =	shalt  }

// kernel: kernel.8.cloned.1.call-start
scs
__scs_entry_jumppad:
0x0: {  	(pc) =	sbr.rel $0x88, $3  }
0x1: {  	(tag) =	ssettag $0x0;
	lr =	simm.s32 $0x1  }
0x2: {  	[smem:$0x3F90] =	sst lr;
	_ =	strace $0xD0000000  }
0x3: {  	_ = 	snop  }
0x4: {  	_ = 	snop  }
0x5: {  	_ = 	snop  }
0x6: {  	_ = 	snop  }
0x7: {  	_ = 	snop  }
__scs_overlays_trampoline_lowered:
0x8: {  	[smem:$0x3F9F] =	sst s0  }
0x9: {  	[smem:$0x3FA0] =	sst s1  }
0xa: {  	[smem:$0x3FA1] =	sst s2  }
0xb: {  	[smem:$0x3FA2] =	sst s3  }
0xc: {  	[smem:$0x3FA3] =	sst s4  }
0xd: {  	[smem:$0x3FA4] =	sst s5  }
0xe: {  	[smem:$0x3FA5] =	sst s6  }
0xf: {  	[smem:$0x3FA6] =	sst s7  }
0x10: {  	[smem:$0x3FA7] =	sst s8  }
0x11: {  	[smem:$0x3FA8] =	sst s9;
	s0 =	simm.s32 @!p0 $0x0  }
0x12: {  	s1 =	sld [smem:$0x3F8E];
	s0 =	simm.s32 @p0 $0x1  }
0x13: {  	[smem:$0x3FA9] =	sst s0;
	s0 =	simm.s32 @!p1 $0x0  }
0x14: {  	s2 =	sld [smem:$0x3F8D];
	s0 =	simm.s32 @p1 $0x1  }
0x15: {  	[smem:$0x3FAA] =	sst s0;
	s0 =	simm.s32 @!p2 $0x0  }
0x16: {  	s3 =	sld [smem:$0x3FDB];
	s0 =	simm.s32 @p2 $0x1  }
0x17: {  	s4 =	simm.s32 $0x1BF5;
	[smem:$0x3FAC] =	sst s0  }
0x18: {  	s0 =	sld [smem:$0x3F8F];
	_ =	swait.ge [sflag:s4], $0x0  }
0x19: {  	s7 =	sld [smem:$0x3F90]  }
0x1a: {  	s8 =	sadd.s32 $0xFFFFE003, lr  }
0x1b: {  	s9 =	sadd.s32 $0xFFFFFEF7, lr;
	s5 =	simm.s32 $0xFFFFFFFF;
	p2 =	slt.u32 s8, $0xFFFFF086  }
0x1c: {  	p1 =	slt.u32 s9, $0xF7A;
	s5 =	simm.s32 @!p2 $0x0  }
0x1d: {  	s5 =	simm.s32 @p1 $0x1;
	p0 =	seq.s32 s7, s2  }
0x1e: {  	s7 =	smul.u32 @!p0 $0xF7A, s2;
	p2 =	seq.s32 @!p0 s5, $0x0  }
0x1f: {  	s9 =	smul.u32 $0xF7A, s1;
	s8 =	simm.s32 @!p0 $0x1BF5;
	p2 =	por !p2, p0  }
0x20: {  	[sflag:s8] =	ssyncset.s32 @!p0 $0xFFFFF086;
	s6 =	sadd.s32 @!p0 s3, s7;
	s7 =	simm.s32 @!p0 $0x108  }
0x21: {  	s3 =	sadd.s32 s3, s9;
	s6 =	sadd.s32 @!p0 $0x88, s6;
	s7 =	simm.s32 @p2 $0x1082  }
0x22: {  	[simem:s7], [sflag:s8] =	dma.local @!p0 [hbm:s6], $0xF7A  }
0x23: {  	s9 =	sor.u32 $0xD0000000, s2;
	s6 =	simm.s32 $0x108;
	_ =	swait.ge @!p0 [sflag:s8], $0x0  }
0x24: {  	s3 =	sadd.s32 $0x88, s3;
	s6 =	simm.s32 @!p1 $0x1082;
	[sflag:s4] =	ssyncset.s32 $0xFFFFF086  }
0x25: {  	[simem:s6], [sflag:s4] =	dma.local [hbm:s3], $0xF7A  }
0x26: {  	[smem:$0x3F90] =	sst s1;
	(tag) =	ssettag s2;
	_ =	strace s9  }
0x27: {  	s1 =	sld [smem:$0x3FA0]  }
0x28: {  	s2 =	sld [smem:$0x3FA1]  }
0x29: {  	s4 =	sld [smem:$0x3FA3]  }
0x2a: {  	p0 =	seq.s32 s5, $0x0;
	s5 =	sld [smem:$0x3FA4]  }
0x2b: {  	s6 =	sld [smem:$0x3FA5]  }
0x2c: {  	s7 =	sld [smem:$0x3FA6]  }
0x2d: {  	s3 =	simm.s32 $0x108;
	s8 =	sld [smem:$0x3FA7]  }
0x2e: {  	s3 =	simm.s32 @!p0 $0x1082;
	s9 =	sld [smem:$0x3FA8]  }
0x2f: {  	lr =	sadd.s32 s0, s3;
	s0 =	sld [smem:$0x3F9F]  }
0x30: {  	s3 =	sld [smem:$0x3FA2]  }
0x31: {  	[smem:$0x3FAB] =	sst s10  }
0x32: {  	s10 =	sld [smem:$0x3FA9];
	_ =	sdelay $0x3  }
0x33: {  	p0 =	seq.s32 s10, $0x1;
	s10 =	sld [smem:$0x3FAB];
	_ =	sdelay $0x3  }
0x34: {  	[smem:$0x3FAB] =	sst s10  }
0x35: {  	s10 =	sld [smem:$0x3FAA];
	_ =	sdelay $0x3  }
0x36: {  	p1 =	seq.s32 s10, $0x1;
	s10 =	sld [smem:$0x3FAB];
	_ =	sdelay $0x3  }
0x37: {  	[smem:$0x3FAB] =	sst s10  }
0x38: {  	s10 =	sld [smem:$0x3FAC]  }
0x39: {  	_ = 	snop;
	(pc) =	sbr.ind lr, $3  }
0x3a: {  	_ = 	snop  }
0x3b: {  	_ = 	snop  }
0x3c: {  	p2 =	seq.s32 s10, $0x1;
	s10 =	sld [smem:$0x3FAB]  }
0x3d: {  	_ =	shalt  }
0x3e: {  	_ =	shalt  }
0x3f: {  	_ =	shalt  }
0x40: {  	_ =	shalt  }
0x41: {  	_ =	shalt  }
0x42: {  	_ =	shalt  }
0x43: {  	_ =	shalt  }
0x44: {  	_ =	shalt  }
0x45: {  	_ =	shalt  }
0x46: {  	_ =	shalt  }
0x47: {  	_ =	shalt  }
0x48: {  	_ =	shalt  }
0x49: {  	_ =	shalt  }
0x4a: {  	_ =	shalt  }
0x4b: {  	_ =	shalt  }
0x4c: {  	_ =	shalt  }
0x4d: {  	_ =	shalt  }
0x4e: {  	_ =	shalt  }
0x4f: {  	_ =	shalt  }
0x50: {  	_ =	shalt  }
0x51: {  	_ =	shalt  }
0x52: {  	_ =	shalt  }
0x53: {  	_ =	shalt  }
0x54: {  	_ =	shalt  }
0x55: {  	_ =	shalt  }
0x56: {  	_ =	shalt  }
0x57: {  	_ =	shalt  }
0x58: {  	_ =	shalt  }
0x59: {  	_ =	shalt  }
0x5a: {  	_ =	shalt  }
0x5b: {  	_ =	shalt  }
0x5c: {  	_ =	shalt  }
0x5d: {  	_ =	shalt  }
0x5e: {  	_ =	shalt  }
0x5f: {  	_ =	shalt  }
0x60: {  	_ =	shalt  }
0x61: {  	_ =	shalt  }
0x62: {  	_ =	shalt  }
0x63: {  	_ =	shalt  }
0x64: {  	_ =	shalt  }
0x65: {  	_ =	shalt  }
0x66: {  	_ =	shalt  }
0x67: {  	_ =	shalt  }
0x68: {  	_ =	shalt  }
0x69: {  	_ =	shalt  }
0x6a: {  	_ =	shalt  }
0x6b: {  	_ =	shalt  }
0x6c: {  	_ =	shalt  }
0x6d: {  	_ =	shalt  }
0x6e: {  	_ =	shalt  }
0x6f: {  	_ =	shalt  }
0x70: {  	_ =	shalt  }
0x71: {  	_ =	shalt  }
0x72: {  	_ =	shalt  }
0x73: {  	_ =	shalt  }
0x74: {  	_ =	shalt  }
0x75: {  	_ =	shalt  }
0x76: {  	_ =	shalt  }
0x77: {  	_ =	shalt  }
0x78: {  	_ =	shalt  }
0x79: {  	_ =	shalt  }
0x7a: {  	_ =	shalt  }
0x7b: {  	_ =	shalt  }
0x7c: {  	_ =	shalt  }
0x7d: {  	_ =	shalt  }
0x7e: {  	_ =	shalt  }
0x7f: {  	_ =	shalt  }
0x80: {  	_ =	shalt  }
0x81: {  	_ =	shalt  }
0x82: {  	_ =	shalt  }
0x83: {  	_ =	shalt  }
0x84: {  	_ =	shalt  }
0x85: {  	_ =	shalt  }
0x86: {  	_ =	shalt  }
0x87: {  	_ =	shalt  }
.Lfunc_end0:
.L_simem_size_0:
called_computation_lowered:
.L_overlay_start_0:
0x88: {  	s2 =	sld [smem:$0x3FD9]  }
0x89: {  	s3 =	sld [smem:$0x3FFE];
	_ =	sdelay $0x1  }
0x8a: {  	s1 =	srdreg.scid  }
0x8b: {  	s0 =	sand.u32 $0x1, s1  }
0x8c: {  	s16 =	sshll.u32 s0, $0xA;
	s2 =	sadd.s32 s3, s2  }
0x8d: {  	s2 =	sadd.s32 s2, s16  }
0x8e: {  	[smem:$0x3FB7] =	sst s2  }
0x8f: {  	_ = 	snop  }
0x90: {  	(tm) =	ssettm $0x1  }
0x91: {  	s17 =	sld [smem:$0x3FFB];
	_ =	sdelay $0x3  }
0x92: {  	_ =	strace s17  }
0x93: {  	s2 =	sld [smem:$0x3FFC];
	_ =	sdelay $0x3  }
0x94: {  	_ =	strace s2  }
0x95: {  	s2 =	sld [smem:$0x3FFD];
	_ =	sdelay $0x3  }
0x96: {  	_ =	strace s2  }
0x97: {  	_ =	strace $0x8FFFFFFF  }
0x98: {  	s18 =	sld [smem:$0x3FDB];
	_ =	sdelay $0x1  }
0x99: {  	s19 =	simm.s32 $_scs_section_size  }
0x9a: {  	s4 =	simm.s32 $_size__tile_overlayer_lowered;
	s5 =	simm.s32 $_tile_overlayer_lowered  }
0x9b: {  	s22 =	simm.s32 $0x1BFF;
	s21 =	sshll.u32 s5, $0x1;
	s2 =	sadd.s32 s19, s18  }
0x9c: {  	s6 =	simm.s32 $0x0;
	s20 =	sshll.u32 s4, $0x1;
	s4 =	sadd.s32 s21, s2  }
0x9d: {  	[timem:s6], [sflag:s22] =	dma.local [hbm:s4], s20  }
0x9e: {  	_ =	swait.ge [sflag:s22], s20  }
0x9f: {  	s3 =	ssub.s32 $0x0, s20;
	[sflag:s22] =	ssyncset.done $0x0  }
0xa0: {  	[sflag:s22] =	ssyncadd.s32 s3;
	_ =	sdelay $0x1  }
0xa1: {  	s23 =	simm.s32 $0x1B8B  }
0xa2: {  	_ =	swait.ge [sflag:s23], $0x1  }
0xa3: {  	[sflag:s23] =	ssyncset.done $0x0  }
0xa4: {  	s25 =	simm.s32 $0x1B8E;
	s24 =	sld [smem:$0x3FFE];
	[sflag:s23] =	ssyncadd.s32 $0xFFFFFFFF  }
0xa5: {  	s26 =	simm.s32 $execute0_lowered;
	[smem:$0x3FD2] =	sst s25  }
0xa6: {  	s4 =	sshll.u32 s26, $0x1;
	_ =	strace $0x80000046;
	[dreg:$0x1] =	wrdreg $0xFFFFFFFF  }
0xa7: {  	s28 =	simm.s32 $_size_execute0_lowered;
	s2 =	sadd.s32 s2, s4;
	[dreg:$0x0] =	wrdreg $0x0  }
0xa8: {  	s4 =	sshll.u32 s28, $0x1;
	[dreg:$0x2] =	wrdreg s2  }
0xa9: {  	[dreg:$0x3] =	wrdreg s4  }
0xaa: {  	[dreg:$0x4] =	wrdreg $0xC0  }
0xab: {  	_ =	task [dreg:s6], $0x5FFFF  }
0xac: {  	[dreg:$0x1] =	wrdreg $0xFFFFFFFF  }
0xad: {  	[dreg:$0x0] =	wrdreg $0x60  }
0xae: {  	[dreg:$0x2] =	wrdreg s24  }
0xaf: {  	[dreg:$0x3] =	wrdreg $0x0  }
0xb0: {  	[dreg:$0x4] =	wrdreg $0x27100  }
0xb1: {  	[dreg:$0x5] =	wrdreg $0x4E200  }
0xb2: {  	[dreg:$0x6] =	wrdreg $0x9  }
0xb3: {  	_ =	task.clear_ibuf [dreg:s6], $0x7FFFF;
	_ =	strace $0x90000046  }
0xb4: {  	s29 =	simm.s32 $0x9;
	_ =	strace $0x80000048  }
0xb5: {  	_ =	swait.ge [sflag:s29], $0x1  }
0xb6: {  	[sflag:s29] =	ssyncadd.s32 $0xFFFFFFFF  }
0xb7: {  	_ =	strace $0x90000048  }
0xb8: {  	_ =	sfence  }
0xb9: {  	s30 =	sld [smem:$0x0];
	_ =	sdelay $0x2  }
0xba: {  	s31 =	sshll.u32 s1, $0xD;
	s1 =	sshrl.u32 s1, $0x2  }
0xbb: {  	s3 =	sand.u32 $0x4000, s31;
	s1 =	sadd.s32 s1, s30  }
0xbc: {  	s0 =	sor.u32 s3, s0;
	s1 =	sshll.u32 s1, $0x11  }
0xbd: {  	s0 =	sor.u32 s1, s0  }
0xbe: {  	s0 =	sadd.s32 $0x8F2B, s0  }
0xbf: {  	[sflag:s0] =	ssyncadd.remote.s32 $0x1  }
0xc0: {  	_ =	sfence.sel $0xFFFF  }
0xc1: {  	[dreg:$0x0] =	wrdreg $0xFFFFFFFF;
	(pc) =	sbr.abs _section_cstart, $3  }
0xc2: {  	[dreg:$0x1] =	wrdreg $0xFFFFFFFF  }
0xc3: {  	_ =	task.clear_ibuf [dreg:s6], $0x2FFFF;
	_ =	strace $0x9FFFFFFF  }
0xc4: {  	(tm) =	ssettm $0x7FFFFFFF  }
0xc5: {  	_ =	shalt  }
tec
execute0_lowered:
.L_overlay_start_1:
0x0: {  	(tag) =	ssettag $0x1  }
0x1: {  	s0 =	rddreg [dreg:$0x0]  }
0x2: {  	s2 =	srdreg.scid;
	s1 =	rddreg [dreg:$0x1]  }
0x3: {  	s11 =	stileid.u32;
	s3 =	rddreg [dreg:$0x2]  }
0x4: {  	s5 =	simm.s32 $0x0;
	s21 =	simm.s32 $0x3;
	s28 =	simm.s32 $0x2  }
0x5: {  	s29 =	simm.s32 $0x9BF0;
	s31 =	simm.s32 $0x0;
	s2 =	sand.u32 $0x1, s2  }
0x6: {  	s4 =	sshll.u32 s11, $0x1;
	s9 =	smul.u32 $0x2710, s11;
	s16 =	sadd.s32 $0x4F9A00, s0  }
0x7: {  	[smem:$0x7FF] =	sst s5;
	s13 =	sadd.s32 $0x59AE00, s0;
	s24 =	smul.u32 $0x4E20, s11  }
0x8: {  	s25 =	sshll.u32 s11, $0x6;
	s6 =	sor.u32 s2, s4;
	s8 =	smul.u32 $0x27100, s2  }
0x9: {  	s4 =	rddreg [dreg:$0x3];
	s10 =	ssub.s32 $0x2, s2;
	s2 =	smul.u32 $0x2710, s2  }
0xa: {  	_ =	strace $0x80000047;
	[dreg:$0x5] =	wrdreg s13;
	s7 =	smul.u32 $0x2710, s6  }
0xb: {  	s22 =	sshrl.u32 s9, $0x3;
	s23 =	sshrl.u32 s10, $0x1;
	s20 =	sadd.s32 s9, s1  }
0xc: {  	s26 =	sadd.s32 s9, s3;
	s6 =	smul.u32 $0x4E20, s6;
	s8 =	sadd.s32 s9, s8  }
0xd: {  	s17 =	ssub.s32 s10, s23;
	[dreg:$0x6] =	wrdreg s26;
	s9 =	sadd.s32 s9, s4  }
0xe: {  	s2 =	sadd.s32 s2, s24;
	s20 =	sshrl.u32 s20, $0x3;
	s23 =	simm.s32 $0xC350  }
0xf: {  	s24 =	simm.s32 $0x1;
	s26 =	simm.s32 $0x50;
	s7 =	sshrl.u32 s7, $0x3  }
0x10: {  	s8 =	sshrl.u32 s8, $0x3;
	[dreg:$0x7] =	wrdreg s9;
	s13 =	sadd.s32 s16, s6  }
0x11: {  	s2 =	sshll.u32 s2, $0x1;
	s17 =	smax.u32 s17, $0x1;
	s12 =	sadd.s32 s7, s0  }
0x12: {  	s7 =	sadd.s32 s22, s0;
	s0 =	sadd.s32 s8, s0;
	s8 =	sor.u32 $0x1C03, s25  }
0x13: {  	s2 =	sadd.s32 s16, s2;
	s22 =	simm.s32 $0xCD50;
	s7 =	sadd.s32 $0x595E00, s7  }
0x14: {  	s25 =	simm.s32 $0xC850;
	s30 =	sadd.s32 $0xDC00, s12;
	s14 =	sadd.s32 $0x5A4E00, s0  }
0x15: {  	s12 =	sadd.s32 $0x3E00, s12;
	s15 =	sadd.s32 $0x59B000, s0;
	s16 =	sadd.s32 $0x5AEC00, s0  }
0x16: {  	s18 =	sadd.s32 $0x140, s2;
	s19 =	sadd.s32 $0xA0, s2;
	[dreg:$0x8] =	wrdreg s30  }
.LBB2_1:
0x17: {  	[spmem:s20], [sflag:s8] =	dma.local [hbm:s7], $0x4E2  }
0x18: {  	_ =	swait.ge [sflag:s21], $0x4E2  }
0x19: {  	[sflag:s21] =	ssyncset.done $0x0;
	s0 =	rddreg [dreg:$0x6]  }
0x1a: {  	[sflag:s21] =	ssyncadd.s32 $0xFFFFFB1E;
	s2 =	sshrl.u32 s0, $0x3  }
0x1b: {  	[spmem:s2], [sflag:s8] =	dma.local [hbm:s7], $0x4E2  }
0x1c: {  	_ =	swait.ge [sflag:s21], $0x4E2  }
0x1d: {  	[sflag:s21] =	ssyncset.done $0x0;
	s9 =	rddreg [dreg:$0x7]  }
0x1e: {  	[sflag:s21] =	ssyncadd.s32 $0xFFFFFB1E;
	s0 =	sshrl.u32 s9, $0x3  }
0x1f: {  	[spmem:s0], [sflag:s8] =	dma.local [hbm:s7], $0x4E2  }
0x20: {  	_ =	swait.ge [sflag:s21], $0x4E2  }
0x21: {  	[sflag:s21] =	ssyncset.done $0x0  }
0x22: {  	s6 =	rddreg [dreg:$0x5];
	[sflag:s21] =	ssyncadd.s32 $0xFFFFFB1E  }
0x23: {  	[tilespmem:s22], [sflag:$0x3] =	stream.linear.gather [hbm4b:s6+s5], $0x500, $0x38;
	[tilespmem:$0xD250] =	vst v63  }
0x24: {  	_ =	swait.ge [sflag:s21], $0x500  }
0x25: {  	[sflag:s21] =	ssyncset.done $0x0  }
0x26: {  	s30 =	simm.s32 $0x7530;
	s10 =	rddreg [dreg:$0x8];
	[sflag:s21] =	ssyncadd.s32 $0xFFFFFB00  }
0x27: {  	[tilespmem:s30], [sflag:$0x3] =	stream.linear.gather [hbm4b:s10+s5], $0x2710, $0x38;
	[tilespmem:$0xD250] =	vst v63  }
0x28: {  	_ =	swait.ge [sflag:s21], $0x2710  }
0x29: {  	[sflag:s21] =	ssyncset.done $0x0  }
0x2a: {  	s6 =	simm.s32 $0x9C40;
	[sflag:s21] =	ssyncadd.s32 $0xFFFFD8F0  }
0x2b: {  	[tilespmem:s6], [sflag:$0x3] =	stream.linear.gather [hbm4b:s12+s5], $0x2710, $0x38;
	[tilespmem:$0xD250] =	vst v63  }
0x2c: {  	_ =	swait.ge [sflag:s21], $0x2710  }
0x2d: {  	[sflag:s21] =	ssyncset.done $0x0  }
0x2e: {  	[sflag:s21] =	ssyncadd.s32 $0xFFFFD8F0  }
0x2f: {  	[bflag:$0x0] =	sbarrier.arrive $0xFFFF  }
0x30: {  	[tilespmem:s23], [sflag:$0x1] =	stream.linear.gather [hbm4b:s13+s5], $0x500, $0x38;
	[tilespmem:$0xD250] =	vst v63  }
0x31: {  	_ =	swait.ge [sflag:s24], $0x500  }
0x32: {  	[sflag:s24] =	ssyncset.done $0x0  }
0x33: {  	s9 =	sadd.s32 $0x0, s19;
	[sflag:s24] =	ssyncadd.s32 $0xFFFFFB00  }
0x34: {  	[tilespmem:s25], [sflag:$0x2] =	stream.linear.gather [hbm4b:s9+s5], $0x500, $0x38;
	[tilespmem:$0xD250] =	vst v63  }
0x35: {  	_ = 	snop  }
0x36: {  	[spmem:s1] =	stream.indirect.scatter.add.f32 [tilespmem:s23], [sflag:$0x3], $0x10, s30, s26, $0xb8;
	[tilespmem:$0xD250] =	vst v63  }
0x37: {  	_ =	swait.ge [sflag:s21], $0x500  }
0x38: {  	[sflag:s21] =	ssyncset.done $0x0  }
0x39: {  	[sflag:s21] =	ssyncadd.s32 $0xFFFFFB00  }
0x3a: {  	[spmem:s3] =	stream.indirect.scatter.add.f32 [tilespmem:s22], [sflag:$0x3], $0x10, s30, s26, $0xb8;
	[tilespmem:$0xD250] =	vst v63  }
0x3b: {  	_ =	swait.ge [sflag:s21], $0x500  }
0x3c: {  	[sflag:s21] =	ssyncset.done $0x0  }
0x3d: {  	[sflag:s21] =	ssyncadd.s32 $0xFFFFFB00  }
0x3e: {  	[spmem:s4] =	stream.indirect.scatter.add.f32 [tilespmem:s22], [sflag:$0x3], $0x10, s6, s26, $0xb8;
	[tilespmem:$0xD250] =	vst v63  }
0x3f: {  	_ =	swait.ge [sflag:s21], $0x500  }
0x40: {  	[sflag:s21] =	ssyncset.done $0x0  }
0x41: {  	[sflag:s21] =	ssyncadd.s32 $0xFFFFFB00  }
0x42: {  	_ =	swait.ge [sflag:s28], $0x500  }
0x43: {  	[sflag:s28] =	ssyncset.done $0x0  }
0x44: {  	s11 =	sadd.s32 $0x0, s18;
	[sflag:s28] =	ssyncadd.s32 $0xFFFFFB00  }
0x45: {  	[tilespmem:s23], [sflag:$0x1] =	stream.linear.gather [hbm4b:s11+s5], $0x500, $0x38;
	[tilespmem:$0xD250] =	vst v63  }
0x46: {  	s10 =	simm.s32 $0x7580  }
0x47: {  	[spmem:s1] =	stream.indirect.scatter.add.f32 [tilespmem:s25], [sflag:$0x3], $0x10, s10, s26, $0xb8;
	[tilespmem:$0xD250] =	vst v63  }
0x48: {  	_ =	swait.ge [sflag:s21], $0x500  }
0x49: {  	[sflag:s21] =	ssyncset.done $0x0  }
0x4a: {  	[sflag:s21] =	ssyncadd.s32 $0xFFFFFB00  }
0x4b: {  	[spmem:s3] =	stream.indirect.scatter.add.f32 [tilespmem:s22], [sflag:$0x3], $0x10, s10, s26, $0xb8;
	[tilespmem:$0xD250] =	vst v63  }
0x4c: {  	_ =	swait.ge [sflag:s21], $0x500  }
0x4d: {  	[sflag:s21] =	ssyncset.done $0x0  }
0x4e: {  	s11 =	simm.s32 $0x9C90;
	[sflag:s21] =	ssyncadd.s32 $0xFFFFFB00  }
0x4f: {  	[spmem:s4] =	stream.indirect.scatter.add.f32 [tilespmem:s22], [sflag:$0x3], $0x10, s11, s26, $0xb8;
	[tilespmem:$0xD250] =	vst v63  }
0x50: {  	_ =	swait.ge [sflag:s21], $0x500  }
0x51: {  	s9 =	simm.s32 $0x140;
	[sflag:s21] =	ssyncset.done $0x0  }
.LBB2_2:
0x52: {  	[sflag:s21] =	ssyncadd.s32 $0xFFFFFB00  }
0x53: {  	s6 =	sadd.s32 $0xA0, s6;
	s30 =	sadd.s32 $0xA0, s30;
	s10 =	smov.u32 s9  }
0x54: {  	p0 =	sne.s32 s9, $0x4C40;
	s9 =	sadd.s32 $0x140, s9;
	_ =	swait.ge [sflag:s24], $0x500  }
0x55: {  	[sflag:s24] =	ssyncset.done $0x0  }
0x56: {  	s11 =	sadd.s32 s10, s19;
	[sflag:s24] =	ssyncadd.s32 $0xFFFFFB00  }
0x57: {  	[tilespmem:s25], [sflag:$0x2] =	stream.linear.gather [hbm4b:s11+s5], $0x500, $0x38;
	[tilespmem:$0xD250] =	vst v63  }
0x58: {  	_ = 	snop  }
0x59: {  	[spmem:s1] =	stream.indirect.scatter.add.f32 [tilespmem:s23], [sflag:$0x3], $0x10, s30, s26, $0xb8;
	[tilespmem:$0xD250] =	vst v63  }
0x5a: {  	_ =	swait.ge [sflag:s21], $0x500  }
0x5b: {  	[sflag:s21] =	ssyncset.done $0x0  }
0x5c: {  	[sflag:s21] =	ssyncadd.s32 $0xFFFFFB00  }
0x5d: {  	[spmem:s3] =	stream.indirect.scatter.add.f32 [tilespmem:s22], [sflag:$0x3], $0x10, s30, s26, $0xb8;
	[tilespmem:$0xD250] =	vst v63  }
0x5e: {  	_ =	swait.ge [sflag:s21], $0x500  }
0x5f: {  	[sflag:s21] =	ssyncset.done $0x0  }
0x60: {  	[sflag:s21] =	ssyncadd.s32 $0xFFFFFB00  }
0x61: {  	[spmem:s4] =	stream.indirect.scatter.add.f32 [tilespmem:s22], [sflag:$0x3], $0x10, s6, s26, $0xb8;
	[tilespmem:$0xD250] =	vst v63  }
0x62: {  	_ =	swait.ge [sflag:s21], $0x500  }
0x63: {  	[sflag:s21] =	ssyncset.done $0x0  }
0x64: {  	[sflag:s21] =	ssyncadd.s32 $0xFFFFFB00  }
0x65: {  	_ =	swait.ge [sflag:s28], $0x500  }
0x66: {  	[sflag:s28] =	ssyncset.done $0x0  }
0x67: {  	s10 =	sadd.s32 s10, s18;
	[sflag:s28] =	ssyncadd.s32 $0xFFFFFB00  }
0x68: {  	[tilespmem:s23], [sflag:$0x1] =	stream.linear.gather [hbm4b:s10+s5], $0x500, $0x38;
	[tilespmem:$0xD250] =	vst v63  }
0x69: {  	s10 =	sadd.s32 $0x50, s30  }
0x6a: {  	[spmem:s1] =	stream.indirect.scatter.add.f32 [tilespmem:s25], [sflag:$0x3], $0x10, s10, s26, $0xb8;
	[tilespmem:$0xD250] =	vst v63  }
0x6b: {  	_ =	swait.ge [sflag:s21], $0x500  }
0x6c: {  	[sflag:s21] =	ssyncset.done $0x0  }
0x6d: {  	[sflag:s21] =	ssyncadd.s32 $0xFFFFFB00  }
0x6e: {  	[spmem:s3] =	stream.indirect.scatter.add.f32 [tilespmem:s22], [sflag:$0x3], $0x10, s10, s26, $0xb8;
	[tilespmem:$0xD250] =	vst v63  }
0x6f: {  	_ =	swait.ge [sflag:s21], $0x500  }
.Ltmp0:
0x70: {  	[sflag:s21] =	ssyncset.done $0x0;
	(pc) =	sbr.rel @p0 .LBB2_2-.Ltmp0, $4  }
0x71: {  	s10 =	sadd.s32 $0x50, s6;
	[sflag:s21] =	ssyncadd.s32 $0xFFFFFB00  }
0x72: {  	[spmem:s4] =	stream.indirect.scatter.add.f32 [tilespmem:s22], [sflag:$0x3], $0x10, s10, s26, $0xb8;
	[tilespmem:$0xD250] =	vst v63  }
0x73: {  	_ =	swait.ge [sflag:s21], $0x500  }
0x74: {  	[sflag:s21] =	ssyncset.done $0x0  }
0x75: {  	[sflag:s21] =	ssyncadd.s32 $0xFFFFFB00  }
0x76: {  	_ =	swait.ge [sflag:s24], $0x500  }
0x77: {  	[sflag:s24] =	ssyncset.done $0x0  }
0x78: {  	[sflag:s24] =	ssyncadd.s32 $0xFFFFFB00  }
0x79: {  	[spmem:s1] =	stream.indirect.scatter.add.f32 [tilespmem:s23], [sflag:$0x3], $0x10, s29, s26, $0xb8;
	[tilespmem:$0xD250] =	vst v63  }
0x7a: {  	_ =	swait.ge [sflag:s21], $0x500  }
0x7b: {  	[sflag:s21] =	ssyncset.done $0x0  }
0x7c: {  	[sflag:s21] =	ssyncadd.s32 $0xFFFFFB00  }
0x7d: {  	[spmem:s3] =	stream.indirect.scatter.add.f32 [tilespmem:s22], [sflag:$0x3], $0x10, s29, s26, $0xb8;
	[tilespmem:$0xD250] =	vst v63  }
0x7e: {  	_ =	swait.ge [sflag:s21], $0x500  }
0x7f: {  	[sflag:s21] =	ssyncset.done $0x0  }
0x80: {  	s6 =	simm.s32 $0xC300;
	[sflag:s21] =	ssyncadd.s32 $0xFFFFFB00  }
0x81: {  	[spmem:s4] =	stream.indirect.scatter.add.f32 [tilespmem:s22], [sflag:$0x3], $0x10, s6, s26, $0xb8;
	[tilespmem:$0xD250] =	vst v63  }
0x82: {  	_ =	swait.ge [sflag:s21], $0x500  }
0x83: {  	[sflag:s21] =	ssyncset.done $0x0  }
0x84: {  	[sflag:s21] =	ssyncadd.s32 $0xFFFFFB00  }
0x85: {  	[bflag:$0x0] =	sbarrier.arrive $0xFFFF  }
0x86: {  	[hbm:s14], [sflag:s8] =	dma.local [spmem:s20], $0x4E2  }
0x87: {  	_ =	swait.ge [sflag:s21], $0x4E2  }
0x88: {  	[sflag:s21] =	ssyncset.done $0x0  }
0x89: {  	[sflag:s21] =	ssyncadd.s32 $0xFFFFFB1E  }
0x8a: {  	[hbm:s15], [sflag:s8] =	dma.local [spmem:s2], $0x4E2  }
0x8b: {  	s31 =	sadd.s32 $0x1, s31;
	_ =	swait.ge [sflag:s21], $0x4E2  }
0x8c: {  	p0 =	sne.s32 s31, s17;
	[sflag:s21] =	ssyncset.done $0x0  }
.Ltmp1:
0x8d: {  	[sflag:s21] =	ssyncadd.s32 $0xFFFFFB1E;
	(pc) =	sbr.rel @p0 .LBB2_1-.Ltmp1, $4  }
0x8e: {  	[hbm:s16], [sflag:s8] =	dma.local [spmem:s0], $0x4E2  }
0x8f: {  	_ =	swait.ge [sflag:s21], $0x4E2  }
0x90: {  	[sflag:s21] =	ssyncset.done $0x0  }
0x91: {  	[sflag:s21] =	ssyncadd.s32 $0xFFFFFB1E  }
0x92: {  	_ =	sfence.sel $0x180000  }
0x93: {  	[bflag:$0x0] =	sbarrier.arrive $0xFFFF  }
0x94: {  	_ =	strace $0x90000047  }
0x95: {  	s0 =	stileid.u32;
	[bflag:$0x2] =	sbarrier.arrive $0xFFFF  }
0x96: {  	p0 =	sne.s32 s0, $0x0;
	s0 =	rddreg [dreg:$0x4]  }
0x97: {  	s0 =	sadd.s32 @!p0 $0x100000, s0  }
0x98: {  	[sflag:s0] =	ssyncadd.tile.s32 @!p0 $0x1;
	_ =	shalt  }
.Lfunc_end2:
_tile_overlayer_lowered:
.L_overlay_start_2:
0x99: {  	(tag) =	ssettag $0x2  }
0x9a: {  	s0 =	rddreg [dreg:$0x0];
	s2 =	stileid.u32  }
0x9b: {  	s1 =	rddreg [dreg:$0x1];
	p0 =	sne.s32 s2, $0x0  }
0x9c: {  	s3 =	rddreg [dreg:$0x2];
	[bflag:$0x3] =	sbarrier.arrive $0xFFFF;
	s2 =	simm.s32 @!p0 $0x1C03  }
0x9d: {  	[timem:s3], [sflag:s2] =	dma.local @!p0 [hbm:s0], s1  }
0x9e: {  	s0 =	simm.s32 @!p0 $0x3  }
0x9f: {  	_ =	swait.ge @!p0 [sflag:s0], s1  }
0xa0: {  	s1 =	ssub.s32 @!p0 $0x0, s1;
	[sflag:s0] =	ssyncset.done @!p0 $0x0  }
0xa1: {  	[sflag:s0] =	ssyncadd.s32 @!p0 s1  }
0xa2: {  	[bflag:$0x3] =	sbarrier.arrive $0xFFFF  }
0xa3: {  	_ =	shalt  }

</sc_bundles>
